<compile_context>
chip_gen: v7x
topology: tpu7x:2x2x1
jax: 0.10.2.dev20260603
libtpu: 0.0.44.dev20260713+nightly
codegen_flags: <defaults>
</compile_context>

<pallas_src>
import jax
import jax.numpy as jnp
from jax import lax
from jax.experimental import pallas as pl
from jax.experimental.pallas import tpu as pltpu, tpu_sc as plsc

H = 384
W = 384
N = 64
KSZ = 11
RAD = 5
NC = 2
NS = 16
NW = NC * NS
SPW = N // NW
ZROWS = 64
NZ = H // ZROWS
SROWS = 24
STRIPROW = 0
WRAPROW = 48
ZBROWS = WRAPROW + SROWS
NVREG = 8


def _body(combo_hbm, out_hbm, pts_v, kern_v, zbuf, psem, ksem, zsem, ssem):
    c = lax.axis_index("c")
    s = lax.axis_index("s")
    w = s * NC + c

    cp_p = pltpu.async_copy(combo_hbm.at[w], pts_v, psem)
    cp_k = pltpu.async_copy(combo_hbm.at[pl.ds(NW, NVREG)], kern_v, ksem)

    zero16 = jnp.zeros((16,), jnp.float32)

    def _zero_flat(i, carry):
        r = lax.div(i, W // 16)
        col = (i - r * (W // 16)) * 16
        zbuf[r, pl.ds(col, 16)] = zero16
        return carry

    lax.fori_loop(0, ZBROWS * (W // 16), _zero_flat, 0, unroll=8)

    zcopies = [
        pltpu.async_copy(
            zbuf.at[pl.ds(0, ZROWS)],
            out_hbm.at[w * SPW + si, pl.ds(i * ZROWS, ZROWS)],
            zsem,
        )
        for si in range(SPW)
        for i in range(NZ)
    ]

    cp_p.wait()
    cp_k.wait()

    lane = lax.broadcasted_iota(jnp.int32, (16,), 0)
    pv = pts_v[...]

    def _scalar_at(i):
        return jnp.clip(pv[i].astype(jnp.int32), 0, W - 1)

    cxs = [_scalar_at(2 * si) for si in range(SPW)]
    cys = [_scalar_at(2 * si + 1) for si in range(SPW)]
    yws = [
        pl.multiple_of(jnp.clip(lax.div(cy - RAD, 8) * 8, 0, H - SROWS), 8)
        for cy in cys
    ]

    kys, kxs, kms, kvs = [], [], [], []
    for j in range(NVREG):
        t = lane + j * 16
        ky = lax.div(t, KSZ)
        kys.append(ky)
        kxs.append(t - ky * KSZ)
        kms.append(t < KSZ * KSZ)
        kvs.append(kern_v[j, :])

    for cp in zcopies:
        cp.wait()

    wraps = []
    for si in range(SPW):
        cx, cy, yw = cxs[si], cys[si], yws[si]
        rows, cols, wmasks = [], [], []
        for j in range(NVREG):
            yy = kys[j] + (cy - RAD)
            xx = kxs[j] + (cx - RAD)
            xxw = jnp.where(xx < 0, xx + W, xx)
            m = kms[j] & (yy >= 0) & (yy < H) & (xx < W)
            m2 = kms[j] & (yy < 0) & (xx < W)
            rows.append(
                jnp.where(
                    m,
                    yy - yw + STRIPROW + si * SROWS,
                    STRIPROW + si * SROWS,
                )
            )
            cols.append(jnp.where(m | m2, xxw, 0))
            wmasks.append(m2)
            plsc.store_scatter(zbuf, [rows[j], cols[j]], kvs[j], mask=m)
        wraps.append((rows, cols, wmasks))

    scopies = [
        pltpu.async_copy(
            zbuf.at[pl.ds(STRIPROW + si * SROWS, SROWS)],
            out_hbm.at[w * SPW + si, pl.ds(yws[si], SROWS)],
            ssem,
        )
        for si in range(SPW)
    ]
    for cp in scopies:
        cp.wait()

    for si in range(SPW):
        cy = cys[si]

        @pl.when(cy < RAD)
        def _wrap_rows(si=si, cy=cy):
            _, cols, wmasks = wraps[si]
            wrows = []
            for j in range(NVREG):
                yy = kys[j] + (cy - RAD)
                wrows.append(
                    jnp.where(wmasks[j], yy + SROWS + WRAPROW, WRAPROW)
                )
                plsc.store_scatter(
                    zbuf, [wrows[j], cols[j]], kvs[j], mask=wmasks[j]
                )
            pltpu.sync_copy(
                zbuf.at[pl.ds(WRAPROW, SROWS)],
                out_hbm.at[w * SPW + si, pl.ds(H - SROWS, SROWS)],
            )
            for j in range(NVREG):
                plsc.store_scatter(
                    zbuf, [wrows[j], cols[j]], zero16, mask=wmasks[j]
                )


@jax.jit
def _heatmap_sc(combo):
    mesh = plsc.VectorSubcoreMesh(
        core_axis_name="c", subcore_axis_name="s", num_cores=NC, num_subcores=NS
    )
    run = pl.kernel(
        _body,
        out_type=jax.ShapeDtypeStruct((N, H, W), jnp.float32),
        mesh=mesh,
        scratch_types=[
            pltpu.VMEM((16,), jnp.float32),
            pltpu.VMEM((NVREG, 16), jnp.float32),
            pltpu.VMEM((ZBROWS, W), jnp.float32),
            pltpu.SemaphoreType.DMA,
            pltpu.SemaphoreType.DMA,
            pltpu.SemaphoreType.DMA,
            pltpu.SemaphoreType.DMA,
        ],
        compiler_params=pltpu.CompilerParams(needs_layout_passes=False),
    )
    return run(combo)


def kernel(points, img, kernel):
    pts_part = jnp.pad(points.reshape(NW, 2 * SPW), ((0, 0), (0, 16 - 2 * SPW)))
    kern_part = jnp.pad(kernel.reshape(-1), (0, NVREG * 16 - KSZ * KSZ))
    combo = jnp.concatenate(
        [pts_part, kern_part.reshape(NVREG, 16).astype(jnp.float32)], axis=0
    )
    return _heatmap_sc(combo)

# --- scband reference (transcript-rebuilt; emitter-appended) ---
"""Pipeline reference for scband-to-heatmap-13786845020830 (READ-ONLY COPY).

The authoritative reference and input builder live on the scoring server;
editing this copy changes nothing except your own understanding.
"""

import jax, jax.numpy as jnp
import numpy as np

RADIUS = 5


def _make_kernel(radius):
    bounds = jnp.arange(-radius, radius + 1, 1.0)
    y, x = jnp.meshgrid(bounds, bounds, indexing='ij')
    kernel = jnp.exp(-(x ** 2 + y ** 2) / (2.0 * radius ** 2))
    kernel = (kernel - kernel.min()) / (kernel.max() - kernel.min())
    return kernel


def setup_inputs(seed: int = 0) -> dict:
    key = jax.random.key(seed)
    k1, k2 = jax.random.split(key)
    n, c, h, w = 64, 3, 384, 384
    points = jax.random.randint(k1, (n, 2), 0, 384).astype(jnp.float32)
    img = jax.random.normal(k2, (n, c, h, w), dtype=jnp.float32)
    kernel = _make_kernel(RADIUS)
    return {"points": points, "img": img, "kernel": kernel}


def reference(points, img, kernel):
    n, _, h, w = img.shape
    ksz = kernel.shape[0]
    r = (ksz - 1) // 2
    # integer centers, clamped to image bounds (matches round().long() + clamp)
    pts = jnp.round(points).astype(jnp.int32)
    cx = jnp.clip(pts[:, 0], 0, w - 1)
    cy = jnp.clip(pts[:, 1], 0, h - 1)
    # offsets covering the full kernel window
    offs = jnp.arange(-r, r + 1)
    dy, dx = jnp.meshgrid(offs, offs, indexing='ij')
    py = cy[:, None, None] + dy[None, :, :]  # [n, ksz, ksz]
    px = cx[:, None, None] + dx[None, :, :]  # [n, ksz, ksz]
    bi = jnp.broadcast_to(jnp.arange(n)[:, None, None], (n, ksz, ksz))
    vals = jnp.broadcast_to(kernel, (n, ksz, ksz)).astype(img.dtype)
    heatmap = jnp.zeros((n, h, w), dtype=img.dtype)
    # scatter-overwrite; mode='drop' discards out-of-bounds entries, which is
    # exactly what the torch crop (left/right/bot/top) achieves at the borders
    heatmap = heatmap.at[bi, py, px].set(vals, mode='drop')
    return heatmap

if __name__ == "__main__":
    import jax
    _d = setup_inputs()
    print(jax.jit(kernel)(*tuple(_d.values())))

</pallas_src>

<mosaic_0001>
#map = affine_map<(d0, d1) -> (0, 0)>
#map1 = affine_map<(d0, d1) -> (0, 0, 0)>
module attributes {stable_mosaic.version = 14 : i64} {
  func.func @_body(%arg0: i32, %arg1: i32, %arg2: memref<40x16xf32, #tpu.memory_space<hbm>>, %arg3: memref<64x384x384xf32, #tpu.memory_space<hbm>>, %arg4: memref<16xf32, #tpu.memory_space<vmem>>, %arg5: memref<8x16xf32, #tpu.memory_space<vmem>>, %arg6: memref<72x384xf32, #tpu.memory_space<vmem>>, %arg7: memref<!tpu.dma_semaphore, #tpu.memory_space<semaphore_mem>>, %arg8: memref<!tpu.dma_semaphore, #tpu.memory_space<semaphore_mem>>, %arg9: memref<!tpu.dma_semaphore, #tpu.memory_space<semaphore_mem>>, %arg10: memref<!tpu.dma_semaphore, #tpu.memory_space<semaphore_mem>>) attributes {dimension_semantics = [#tpu.dimension_semantics<core_parallel>, #tpu.dimension_semantics<subcore_parallel>], iteration_bounds = array<i64: 2, 16>, scalar_prefetch = 0 : i64, scratch_operands = 7 : i64, tpu.core_type = #tpu.core_type<sc_vector_subcore>, window_params = [{transform_indices = #map}, {transform_indices = #map1}]} {
    %mul3A = arith.constant 2 : i32
    %mul3A_0 = arith.muli %arg1, %mul3A : i32
    %add3A = arith.addi %mul3A_0, %arg0 : i32
    %dma_start3A = arith.constant 0 : i32
    %dma_start3A_1 = tpu.memref_slice %arg2[%add3A, %dma_start3A] : memref<40x16xf32, #tpu.memory_space<hbm>> -> memref<1x16xf32, #tpu.memory_space<hbm>>
    %dma_start3A_2 = tpu.memref_squeeze %dma_start3A_1 : memref<1x16xf32, #tpu.memory_space<hbm>> -> memref<16xf32, #tpu.memory_space<hbm>>
    %dma_start3A_3 = arith.constant 0 : i32
    %dma_start3A_4 = tpu.memref_slice %arg2[%add3A, %dma_start3A_3] : memref<40x16xf32, #tpu.memory_space<hbm>> -> memref<1x16xf32, #tpu.memory_space<hbm>>
    %dma_start3A_5 = tpu.memref_squeeze %dma_start3A_4 : memref<1x16xf32, #tpu.memory_space<hbm>> -> memref<16xf32, #tpu.memory_space<hbm>>
    tpu.enqueue_dma source(%dma_start3A_5 : memref<16xf32, #tpu.memory_space<hbm>>) target(%arg4 : memref<16xf32, #tpu.memory_space<vmem>>) target_semaphore(%arg7 : memref<!tpu.dma_semaphore, #tpu.memory_space<semaphore_mem>>)
    %dma_start3A_6 = arith.constant 32 : i32
    %dma_start3A_7 = arith.constant 0 : i32
    %dma_start3A_8 = tpu.memref_slice %arg2[%dma_start3A_6, %dma_start3A_7] : memref<40x16xf32, #tpu.memory_space<hbm>> -> memref<8x16xf32, #tpu.memory_space<hbm>>
    %dma_start3A_9 = arith.constant 32 : i32
    %dma_start3A_10 = arith.constant 0 : i32
    %dma_start3A_11 = tpu.memref_slice %arg2[%dma_start3A_9, %dma_start3A_10] : memref<40x16xf32, #tpu.memory_space<hbm>> -> memref<8x16xf32, #tpu.memory_space<hbm>>
    tpu.enqueue_dma source(%dma_start3A_11 : memref<8x16xf32, #tpu.memory_space<hbm>>) target(%arg5 : memref<8x16xf32, #tpu.memory_space<vmem>>) target_semaphore(%arg8 : memref<!tpu.dma_semaphore, #tpu.memory_space<semaphore_mem>>)
    %broadcast_in_dim3A = arith.constant 0.000000e+00 : f32
    %broadcast_in_dim3A_12 = vector.broadcast %broadcast_in_dim3A : f32 to vector<16xf32>
    %scan3A = arith.constant 0 : i32
    %scan3A_13 = arith.constant 0 : i32
    %scan3A_14 = arith.constant 1728 : i32
    %scan3A_15 = arith.addi %scan3A_13, %scan3A_14 : i32
    %scan3A_16 = arith.constant 8 : i32
    scf.for %scan3A_1451 = %scan3A_13 to %scan3A_15 step %scan3A_16  : i32 {
      %div3A_1452 = arith.constant 24 : i32
      %div3A_1453 = arith.divsi %scan3A_1451, %div3A_1452 : i32
      %mul3A_1454 = arith.constant 24 : i32
      %mul3A_1455 = arith.muli %div3A_1453, %mul3A_1454 : i32
      %sub3A_1456 = arith.subi %scan3A_1451, %mul3A_1455 : i32
      %mul3A_1457 = arith.constant 16 : i32
      %mul3A_1458 = arith.muli %sub3A_1456, %mul3A_1457 : i32
      %swap3A = arith.index_cast %div3A_1453 : i32 to index
      %swap3A_1459 = arith.index_cast %mul3A_1458 : i32 to index
      %swap3A_1460 = tpu.vector_load %arg6[%swap3A, %swap3A_1459] {strides = array<i32>} : memref<72x384xf32, #tpu.memory_space<vmem>>, vector<16xf32>,
      tpu.vector_store %arg6[%swap3A, %swap3A_1459], %broadcast_in_dim3A_12 {strides = array<i32>} : memref<72x384xf32, #tpu.memory_space<vmem>>, vector<16xf32>,
      %scan3A_1461 = arith.constant 1 : i32
      %scan3A_1462 = arith.addi %scan3A_1451, %scan3A_1461 : i32
      %div3A_1463 = arith.constant 24 : i32
      %div3A_1464 = arith.divsi %scan3A_1462, %div3A_1463 : i32
      %mul3A_1465 = arith.constant 24 : i32
      %mul3A_1466 = arith.muli %div3A_1464, %mul3A_1465 : i32
      %sub3A_1467 = arith.subi %scan3A_1462, %mul3A_1466 : i32
      %mul3A_1468 = arith.constant 16 : i32
      %mul3A_1469 = arith.muli %sub3A_1467, %mul3A_1468 : i32
      %swap3A_1470 = arith.index_cast %div3A_1464 : i32 to index
      %swap3A_1471 = arith.index_cast %mul3A_1469 : i32 to index
      %swap3A_1472 = tpu.vector_load %arg6[%swap3A_1470, %swap3A_1471] {strides = array<i32>} : memref<72x384xf32, #tpu.memory_space<vmem>>, vector<16xf32>,
      tpu.vector_store %arg6[%swap3A_1470, %swap3A_1471], %broadcast_in_dim3A_12 {strides = array<i32>} : memref<72x384xf32, #tpu.memory_space<vmem>>, vector<16xf32>,
      %scan3A_1473 = arith.constant 2 : i32
      %scan3A_1474 = arith.addi %scan3A_1451, %scan3A_1473 : i32
      %div3A_1475 = arith.constant 24 : i32
      %div3A_1476 = arith.divsi %scan3A_1474, %div3A_1475 : i32
      %mul3A_1477 = arith.constant 24 : i32
      %mul3A_1478 = arith.muli %div3A_1476, %mul3A_1477 : i32
      %sub3A_1479 = arith.subi %scan3A_1474, %mul3A_1478 : i32
      %mul3A_1480 = arith.constant 16 : i32
      %mul3A_1481 = arith.muli %sub3A_1479, %mul3A_1480 : i32
      %swap3A_1482 = arith.index_cast %div3A_1476 : i32 to index
      %swap3A_1483 = arith.index_cast %mul3A_1481 : i32 to index
      %swap3A_1484 = tpu.vector_load %arg6[%swap3A_1482, %swap3A_1483] {strides = array<i32>} : memref<72x384xf32, #tpu.memory_space<vmem>>, vector<16xf32>,
      tpu.vector_store %arg6[%swap3A_1482, %swap3A_1483], %broadcast_in_dim3A_12 {strides = array<i32>} : memref<72x384xf32, #tpu.memory_space<vmem>>, vector<16xf32>,
      %scan3A_1485 = arith.constant 3 : i32
      %scan3A_1486 = arith.addi %scan3A_1451, %scan3A_1485 : i32
      %div3A_1487 = arith.constant 24 : i32
      %div3A_1488 = arith.divsi %scan3A_1486, %div3A_1487 : i32
      %mul3A_1489 = arith.constant 24 : i32
      %mul3A_1490 = arith.muli %div3A_1488, %mul3A_1489 : i32
      %sub3A_1491 = arith.subi %scan3A_1486, %mul3A_1490 : i32
      %mul3A_1492 = arith.constant 16 : i32
      %mul3A_1493 = arith.muli %sub3A_1491, %mul3A_1492 : i32
      %swap3A_1494 = arith.index_cast %div3A_1488 : i32 to index
      %swap3A_1495 = arith.index_cast %mul3A_1493 : i32 to index
      %swap3A_1496 = tpu.vector_load %arg6[%swap3A_1494, %swap3A_1495] {strides = array<i32>} : memref<72x384xf32, #tpu.memory_space<vmem>>, vector<16xf32>,
      tpu.vector_store %arg6[%swap3A_1494, %swap3A_1495], %broadcast_in_dim3A_12 {strides = array<i32>} : memref<72x384xf32, #tpu.memory_space<vmem>>, vector<16xf32>,
      %scan3A_1497 = arith.constant 4 : i32
      %scan3A_1498 = arith.addi %scan3A_1451, %scan3A_1497 : i32
      %div3A_1499 = arith.constant 24 : i32
      %div3A_1500 = arith.divsi %scan3A_1498, %div3A_1499 : i32
      %mul3A_1501 = arith.constant 24 : i32
      %mul3A_1502 = arith.muli %div3A_1500, %mul3A_1501 : i32
      %sub3A_1503 = arith.subi %scan3A_1498, %mul3A_1502 : i32
      %mul3A_1504 = arith.constant 16 : i32
      %mul3A_1505 = arith.muli %sub3A_1503, %mul3A_1504 : i32
      %swap3A_1506 = arith.index_cast %div3A_1500 : i32 to index
      %swap3A_1507 = arith.index_cast %mul3A_1505 : i32 to index
      %swap3A_1508 = tpu.vector_load %arg6[%swap3A_1506, %swap3A_1507] {strides = array<i32>} : memref<72x384xf32, #tpu.memory_space<vmem>>, vector<16xf32>,
      tpu.vector_store %arg6[%swap3A_1506, %swap3A_1507], %broadcast_in_dim3A_12 {strides = array<i32>} : memref<72x384xf32, #tpu.memory_space<vmem>>, vector<16xf32>,
      %scan3A_1509 = arith.constant 5 : i32
      %scan3A_1510 = arith.addi %scan3A_1451, %scan3A_1509 : i32
      %div3A_1511 = arith.constant 24 : i32
      %div3A_1512 = arith.divsi %scan3A_1510, %div3A_1511 : i32
      %mul3A_1513 = arith.constant 24 : i32
      %mul3A_1514 = arith.muli %div3A_1512, %mul3A_1513 : i32
      %sub3A_1515 = arith.subi %scan3A_1510, %mul3A_1514 : i32
      %mul3A_1516 = arith.constant 16 : i32
      %mul3A_1517 = arith.muli %sub3A_1515, %mul3A_1516 : i32
      %swap3A_1518 = arith.index_cast %div3A_1512 : i32 to index
      %swap3A_1519 = arith.index_cast %mul3A_1517 : i32 to index
      %swap3A_1520 = tpu.vector_load %arg6[%swap3A_1518, %swap3A_1519] {strides = array<i32>} : memref<72x384xf32, #tpu.memory_space<vmem>>, vector<16xf32>,
      tpu.vector_store %arg6[%swap3A_1518, %swap3A_1519], %broadcast_in_dim3A_12 {strides = array<i32>} : memref<72x384xf32, #tpu.memory_space<vmem>>, vector<16xf32>,
      %scan3A_1521 = arith.constant 6 : i32
      %scan3A_1522 = arith.addi %scan3A_1451, %scan3A_1521 : i32
      %div3A_1523 = arith.constant 24 : i32
      %div3A_1524 = arith.divsi %scan3A_1522, %div3A_1523 : i32
      %mul3A_1525 = arith.constant 24 : i32
      %mul3A_1526 = arith.muli %div3A_1524, %mul3A_1525 : i32
      %sub3A_1527 = arith.subi %scan3A_1522, %mul3A_1526 : i32
      %mul3A_1528 = arith.constant 16 : i32
      %mul3A_1529 = arith.muli %sub3A_1527, %mul3A_1528 : i32
      %swap3A_1530 = arith.index_cast %div3A_1524 : i32 to index
      %swap3A_1531 = arith.index_cast %mul3A_1529 : i32 to index
      %swap3A_1532 = tpu.vector_load %arg6[%swap3A_1530, %swap3A_1531] {strides = array<i32>} : memref<72x384xf32, #tpu.memory_space<vmem>>, vector<16xf32>,
      tpu.vector_store %arg6[%swap3A_1530, %swap3A_1531], %broadcast_in_dim3A_12 {strides = array<i32>} : memref<72x384xf32, #tpu.memory_space<vmem>>, vector<16xf32>,
      %scan3A_1533 = arith.constant 7 : i32
      %scan3A_1534 = arith.addi %scan3A_1451, %scan3A_1533 : i32
      %div3A_1535 = arith.constant 24 : i32
      %div3A_1536 = arith.divsi %scan3A_1534, %div3A_1535 : i32
      %mul3A_1537 = arith.constant 24 : i32
      %mul3A_1538 = arith.muli %div3A_1536, %mul3A_1537 : i32
      %sub3A_1539 = arith.subi %scan3A_1534, %mul3A_1538 : i32
      %mul3A_1540 = arith.constant 16 : i32
      %mul3A_1541 = arith.muli %sub3A_1539, %mul3A_1540 : i32
      %swap3A_1542 = arith.index_cast %div3A_1536 : i32 to index
      %swap3A_1543 = arith.index_cast %mul3A_1541 : i32 to index
      %swap3A_1544 = tpu.vector_load %arg6[%swap3A_1542, %swap3A_1543] {strides = array<i32>} : memref<72x384xf32, #tpu.memory_space<vmem>>, vector<16xf32>,
      tpu.vector_store %arg6[%swap3A_1542, %swap3A_1543], %broadcast_in_dim3A_12 {strides = array<i32>} : memref<72x384xf32, #tpu.memory_space<vmem>>, vector<16xf32>,
    }
    %scan3A_17 = arith.constant 1728 : i32
    %mul3A_18 = arith.constant 2 : i32
    %mul3A_19 = arith.muli %add3A, %mul3A_18 : i32
    %add3A_20 = arith.constant 0 : i32
    %add3A_21 = arith.addi %mul3A_19, %add3A_20 : i32
    %dma_start3A_22 = arith.constant 0 : i32
    %dma_start3A_23 = arith.constant 0 : i32
    %dma_start3A_24 = tpu.memref_slice %arg6[%dma_start3A_22, %dma_start3A_23] : memref<72x384xf32, #tpu.memory_space<vmem>> -> memref<64x384xf32, #tpu.memory_space<vmem>>
    %dma_start3A_25 = arith.constant 0 : i32
    %dma_start3A_26 = arith.constant 0 : i32
    %dma_start3A_27 = tpu.memref_slice %arg3[%add3A_21, %dma_start3A_25, %dma_start3A_26] : memref<64x384x384xf32, #tpu.memory_space<hbm>> -> memref<1x64x384xf32, #tpu.memory_space<hbm>>
    %dma_start3A_28 = tpu.memref_squeeze %dma_start3A_27 : memref<1x64x384xf32, #tpu.memory_space<hbm>> -> memref<64x384xf32, #tpu.memory_space<hbm>>
    %dma_start3A_29 = arith.constant 0 : i32
    %dma_start3A_30 = arith.constant 0 : i32
    %dma_start3A_31 = tpu.memref_slice %arg3[%add3A_21, %dma_start3A_29, %dma_start3A_30] : memref<64x384x384xf32, #tpu.memory_space<hbm>> -> memref<1x64x384xf32, #tpu.memory_space<hbm>>
    %dma_start3A_32 = tpu.memref_squeeze %dma_start3A_31 : memref<1x64x384xf32, #tpu.memory_space<hbm>> -> memref<64x384xf32, #tpu.memory_space<hbm>>
    %dma_start3A_33 = arith.constant 0 : i32
    %dma_start3A_34 = arith.constant 0 : i32
    %dma_start3A_35 = tpu.memref_slice %arg6[%dma_start3A_33, %dma_start3A_34] : memref<72x384xf32, #tpu.memory_space<vmem>> -> memref<64x384xf32, #tpu.memory_space<vmem>>
    tpu.enqueue_dma source(%dma_start3A_35 : memref<64x384xf32, #tpu.memory_space<vmem>>) target(%dma_start3A_32 : memref<64x384xf32, #tpu.memory_space<hbm>>) target_semaphore(%arg9 : memref<!tpu.dma_semaphore, #tpu.memory_space<semaphore_mem>>)
    %mul3A_36 = arith.constant 2 : i32
    %mul3A_37 = arith.muli %add3A, %mul3A_36 : i32
    %add3A_38 = arith.constant 0 : i32
    %add3A_39 = arith.addi %mul3A_37, %add3A_38 : i32
    %dma_start3A_40 = arith.constant 0 : i32
    %dma_start3A_41 = arith.constant 0 : i32
    %dma_start3A_42 = tpu.memref_slice %arg6[%dma_start3A_40, %dma_start3A_41] : memref<72x384xf32, #tpu.memory_space<vmem>> -> memref<64x384xf32, #tpu.memory_space<vmem>>
    %dma_start3A_43 = arith.constant 64 : i32
    %dma_start3A_44 = arith.constant 0 : i32
    %dma_start3A_45 = tpu.memref_slice %arg3[%add3A_39, %dma_start3A_43, %dma_start3A_44] : memref<64x384x384xf32, #tpu.memory_space<hbm>> -> memref<1x64x384xf32, #tpu.memory_space<hbm>>
    %dma_start3A_46 = tpu.memref_squeeze %dma_start3A_45 : memref<1x64x384xf32, #tpu.memory_space<hbm>> -> memref<64x384xf32, #tpu.memory_space<hbm>>
    %dma_start3A_47 = arith.constant 64 : i32
    %dma_start3A_48 = arith.constant 0 : i32
    %dma_start3A_49 = tpu.memref_slice %arg3[%add3A_39, %dma_start3A_47, %dma_start3A_48] : memref<64x384x384xf32, #tpu.memory_space<hbm>> -> memref<1x64x384xf32, #tpu.memory_space<hbm>>
    %dma_start3A_50 = tpu.memref_squeeze %dma_start3A_49 : memref<1x64x384xf32, #tpu.memory_space<hbm>> -> memref<64x384xf32, #tpu.memory_space<hbm>>
    %dma_start3A_51 = arith.constant 0 : i32
    %dma_start3A_52 = arith.constant 0 : i32
    %dma_start3A_53 = tpu.memref_slice %arg6[%dma_start3A_51, %dma_start3A_52] : memref<72x384xf32, #tpu.memory_space<vmem>> -> memref<64x384xf32, #tpu.memory_space<vmem>>
    tpu.enqueue_dma source(%dma_start3A_53 : memref<64x384xf32, #tpu.memory_space<vmem>>) target(%dma_start3A_50 : memref<64x384xf32, #tpu.memory_space<hbm>>) target_semaphore(%arg9 : memref<!tpu.dma_semaphore, #tpu.memory_space<semaphore_mem>>)
    %mul3A_54 = arith.constant 2 : i32
    %mul3A_55 = arith.muli %add3A, %mul3A_54 : i32
    %add3A_56 = arith.constant 0 : i32
    %add3A_57 = arith.addi %mul3A_55, %add3A_56 : i32
    %dma_start3A_58 = arith.constant 0 : i32
    %dma_start3A_59 = arith.constant 0 : i32
    %dma_start3A_60 = tpu.memref_slice %arg6[%dma_start3A_58, %dma_start3A_59] : memref<72x384xf32, #tpu.memory_space<vmem>> -> memref<64x384xf32, #tpu.memory_space<vmem>>
    %dma_start3A_61 = arith.constant 128 : i32
    %dma_start3A_62 = arith.constant 0 : i32
    %dma_start3A_63 = tpu.memref_slice %arg3[%add3A_57, %dma_start3A_61, %dma_start3A_62] : memref<64x384x384xf32, #tpu.memory_space<hbm>> -> memref<1x64x384xf32, #tpu.memory_space<hbm>>
    %dma_start3A_64 = tpu.memref_squeeze %dma_start3A_63 : memref<1x64x384xf32, #tpu.memory_space<hbm>> -> memref<64x384xf32, #tpu.memory_space<hbm>>
    %dma_start3A_65 = arith.constant 128 : i32
    %dma_start3A_66 = arith.constant 0 : i32
    %dma_start3A_67 = tpu.memref_slice %arg3[%add3A_57, %dma_start3A_65, %dma_start3A_66] : memref<64x384x384xf32, #tpu.memory_space<hbm>> -> memref<1x64x384xf32, #tpu.memory_space<hbm>>
    %dma_start3A_68 = tpu.memref_squeeze %dma_start3A_67 : memref<1x64x384xf32, #tpu.memory_space<hbm>> -> memref<64x384xf32, #tpu.memory_space<hbm>>
    %dma_start3A_69 = arith.constant 0 : i32
    %dma_start3A_70 = arith.constant 0 : i32
    %dma_start3A_71 = tpu.memref_slice %arg6[%dma_start3A_69, %dma_start3A_70] : memref<72x384xf32, #tpu.memory_space<vmem>> -> memref<64x384xf32, #tpu.memory_space<vmem>>
    tpu.enqueue_dma source(%dma_start3A_71 : memref<64x384xf32, #tpu.memory_space<vmem>>) target(%dma_start3A_68 : memref<64x384xf32, #tpu.memory_space<hbm>>) target_semaphore(%arg9 : memref<!tpu.dma_semaphore, #tpu.memory_space<semaphore_mem>>)
    %mul3A_72 = arith.constant 2 : i32
    %mul3A_73 = arith.muli %add3A, %mul3A_72 : i32
    %add3A_74 = arith.constant 0 : i32
    %add3A_75 = arith.addi %mul3A_73, %add3A_74 : i32
    %dma_start3A_76 = arith.constant 0 : i32
    %dma_start3A_77 = arith.constant 0 : i32
    %dma_start3A_78 = tpu.memref_slice %arg6[%dma_start3A_76, %dma_start3A_77] : memref<72x384xf32, #tpu.memory_space<vmem>> -> memref<64x384xf32, #tpu.memory_space<vmem>>
    %dma_start3A_79 = arith.constant 192 : i32
    %dma_start3A_80 = arith.constant 0 : i32
    %dma_start3A_81 = tpu.memref_slice %arg3[%add3A_75, %dma_start3A_79, %dma_start3A_80] : memref<64x384x384xf32, #tpu.memory_space<hbm>> -> memref<1x64x384xf32, #tpu.memory_space<hbm>>
    %dma_start3A_82 = tpu.memref_squeeze %dma_start3A_81 : memref<1x64x384xf32, #tpu.memory_space<hbm>> -> memref<64x384xf32, #tpu.memory_space<hbm>>
    %dma_start3A_83 = arith.constant 192 : i32
    %dma_start3A_84 = arith.constant 0 : i32
    %dma_start3A_85 = tpu.memref_slice %arg3[%add3A_75, %dma_start3A_83, %dma_start3A_84] : memref<64x384x384xf32, #tpu.memory_space<hbm>> -> memref<1x64x384xf32, #tpu.memory_space<hbm>>
    %dma_start3A_86 = tpu.memref_squeeze %dma_start3A_85 : memref<1x64x384xf32, #tpu.memory_space<hbm>> -> memref<64x384xf32, #tpu.memory_space<hbm>>
    %dma_start3A_87 = arith.constant 0 : i32
    %dma_start3A_88 = arith.constant 0 : i32
    %dma_start3A_89 = tpu.memref_slice %arg6[%dma_start3A_87, %dma_start3A_88] : memref<72x384xf32, #tpu.memory_space<vmem>> -> memref<64x384xf32, #tpu.memory_space<vmem>>
    tpu.enqueue_dma source(%dma_start3A_89 : memref<64x384xf32, #tpu.memory_space<vmem>>) target(%dma_start3A_86 : memref<64x384xf32, #tpu.memory_space<hbm>>) target_semaphore(%arg9 : memref<!tpu.dma_semaphore, #tpu.memory_space<semaphore_mem>>)
    %mul3A_90 = arith.constant 2 : i32
    %mul3A_91 = arith.muli %add3A, %mul3A_90 : i32
    %add3A_92 = arith.constant 0 : i32
    %add3A_93 = arith.addi %mul3A_91, %add3A_92 : i32
    %dma_start3A_94 = arith.constant 0 : i32
    %dma_start3A_95 = arith.constant 0 : i32
    %dma_start3A_96 = tpu.memref_slice %arg6[%dma_start3A_94, %dma_start3A_95] : memref<72x384xf32, #tpu.memory_space<vmem>> -> memref<64x384xf32, #tpu.memory_space<vmem>>
    %dma_start3A_97 = arith.constant 256 : i32
    %dma_start3A_98 = arith.constant 0 : i32
    %dma_start3A_99 = tpu.memref_slice %arg3[%add3A_93, %dma_start3A_97, %dma_start3A_98] : memref<64x384x384xf32, #tpu.memory_space<hbm>> -> memref<1x64x384xf32, #tpu.memory_space<hbm>>
    %dma_start3A_100 = tpu.memref_squeeze %dma_start3A_99 : memref<1x64x384xf32, #tpu.memory_space<hbm>> -> memref<64x384xf32, #tpu.memory_space<hbm>>
    %dma_start3A_101 = arith.constant 256 : i32
    %dma_start3A_102 = arith.constant 0 : i32
    %dma_start3A_103 = tpu.memref_slice %arg3[%add3A_93, %dma_start3A_101, %dma_start3A_102] : memref<64x384x384xf32, #tpu.memory_space<hbm>> -> memref<1x64x384xf32, #tpu.memory_space<hbm>>
    %dma_start3A_104 = tpu.memref_squeeze %dma_start3A_103 : memref<1x64x384xf32, #tpu.memory_space<hbm>> -> memref<64x384xf32, #tpu.memory_space<hbm>>
    %dma_start3A_105 = arith.constant 0 : i32
    %dma_start3A_106 = arith.constant 0 : i32
    %dma_start3A_107 = tpu.memref_slice %arg6[%dma_start3A_105, %dma_start3A_106] : memref<72x384xf32, #tpu.memory_space<vmem>> -> memref<64x384xf32, #tpu.memory_space<vmem>>
    tpu.enqueue_dma source(%dma_start3A_107 : memref<64x384xf32, #tpu.memory_space<vmem>>) target(%dma_start3A_104 : memref<64x384xf32, #tpu.memory_space<hbm>>) target_semaphore(%arg9 : memref<!tpu.dma_semaphore, #tpu.memory_space<semaphore_mem>>)
    %mul3A_108 = arith.constant 2 : i32
    %mul3A_109 = arith.muli %add3A, %mul3A_108 : i32
    %add3A_110 = arith.constant 0 : i32
    %add3A_111 = arith.addi %mul3A_109, %add3A_110 : i32
    %dma_start3A_112 = arith.constant 0 : i32
    %dma_start3A_113 = arith.constant 0 : i32
    %dma_start3A_114 = tpu.memref_slice %arg6[%dma_start3A_112, %dma_start3A_113] : memref<72x384xf32, #tpu.memory_space<vmem>> -> memref<64x384xf32, #tpu.memory_space<vmem>>
    %dma_start3A_115 = arith.constant 320 : i32
    %dma_start3A_116 = arith.constant 0 : i32
    %dma_start3A_117 = tpu.memref_slice %arg3[%add3A_111, %dma_start3A_115, %dma_start3A_116] : memref<64x384x384xf32, #tpu.memory_space<hbm>> -> memref<1x64x384xf32, #tpu.memory_space<hbm>>
    %dma_start3A_118 = tpu.memref_squeeze %dma_start3A_117 : memref<1x64x384xf32, #tpu.memory_space<hbm>> -> memref<64x384xf32, #tpu.memory_space<hbm>>
    %dma_start3A_119 = arith.constant 320 : i32
    %dma_start3A_120 = arith.constant 0 : i32
    %dma_start3A_121 = tpu.memref_slice %arg3[%add3A_111, %dma_start3A_119, %dma_start3A_120] : memref<64x384x384xf32, #tpu.memory_space<hbm>> -> memref<1x64x384xf32, #tpu.memory_space<hbm>>
    %dma_start3A_122 = tpu.memref_squeeze %dma_start3A_121 : memref<1x64x384xf32, #tpu.memory_space<hbm>> -> memref<64x384xf32, #tpu.memory_space<hbm>>
    %dma_start3A_123 = arith.constant 0 : i32
    %dma_start3A_124 = arith.constant 0 : i32
    %dma_start3A_125 = tpu.memref_slice %arg6[%dma_start3A_123, %dma_start3A_124] : memref<72x384xf32, #tpu.memory_space<vmem>> -> memref<64x384xf32, #tpu.memory_space<vmem>>
    tpu.enqueue_dma source(%dma_start3A_125 : memref<64x384xf32, #tpu.memory_space<vmem>>) target(%dma_start3A_122 : memref<64x384xf32, #tpu.memory_space<hbm>>) target_semaphore(%arg9 : memref<!tpu.dma_semaphore, #tpu.memory_space<semaphore_mem>>)
    %mul3A_126 = arith.constant 2 : i32
    %mul3A_127 = arith.muli %add3A, %mul3A_126 : i32
    %add3A_128 = arith.constant 1 : i32
    %add3A_129 = arith.addi %mul3A_127, %add3A_128 : i32
    %dma_start3A_130 = arith.constant 0 : i32
    %dma_start3A_131 = arith.constant 0 : i32
    %dma_start3A_132 = tpu.memref_slice %arg6[%dma_start3A_130, %dma_start3A_131] : memref<72x384xf32, #tpu.memory_space<vmem>> -> memref<64x384xf32, #tpu.memory_space<vmem>>
    %dma_start3A_133 = arith.constant 0 : i32
    %dma_start3A_134 = arith.constant 0 : i32
    %dma_start3A_135 = tpu.memref_slice %arg3[%add3A_129, %dma_start3A_133, %dma_start3A_134] : memref<64x384x384xf32, #tpu.memory_space<hbm>> -> memref<1x64x384xf32, #tpu.memory_space<hbm>>
    %dma_start3A_136 = tpu.memref_squeeze %dma_start3A_135 : memref<1x64x384xf32, #tpu.memory_space<hbm>> -> memref<64x384xf32, #tpu.memory_space<hbm>>
    %dma_start3A_137 = arith.constant 0 : i32
    %dma_start3A_138 = arith.constant 0 : i32
    %dma_start3A_139 = tpu.memref_slice %arg3[%add3A_129, %dma_start3A_137, %dma_start3A_138] : memref<64x384x384xf32, #tpu.memory_space<hbm>> -> memref<1x64x384xf32, #tpu.memory_space<hbm>>
    %dma_start3A_140 = tpu.memref_squeeze %dma_start3A_139 : memref<1x64x384xf32, #tpu.memory_space<hbm>> -> memref<64x384xf32, #tpu.memory_space<hbm>>
    %dma_start3A_141 = arith.constant 0 : i32
    %dma_start3A_142 = arith.constant 0 : i32
    %dma_start3A_143 = tpu.memref_slice %arg6[%dma_start3A_141, %dma_start3A_142] : memref<72x384xf32, #tpu.memory_space<vmem>> -> memref<64x384xf32, #tpu.memory_space<vmem>>
    tpu.enqueue_dma source(%dma_start3A_143 : memref<64x384xf32, #tpu.memory_space<vmem>>) target(%dma_start3A_140 : memref<64x384xf32, #tpu.memory_space<hbm>>) target_semaphore(%arg9 : memref<!tpu.dma_semaphore, #tpu.memory_space<semaphore_mem>>)
    %mul3A_144 = arith.constant 2 : i32
    %mul3A_145 = arith.muli %add3A, %mul3A_144 : i32
    %add3A_146 = arith.constant 1 : i32
    %add3A_147 = arith.addi %mul3A_145, %add3A_146 : i32
    %dma_start3A_148 = arith.constant 0 : i32
    %dma_start3A_149 = arith.constant 0 : i32
    %dma_start3A_150 = tpu.memref_slice %arg6[%dma_start3A_148, %dma_start3A_149] : memref<72x384xf32, #tpu.memory_space<vmem>> -> memref<64x384xf32, #tpu.memory_space<vmem>>
    %dma_start3A_151 = arith.constant 64 : i32
    %dma_start3A_152 = arith.constant 0 : i32
    %dma_start3A_153 = tpu.memref_slice %arg3[%add3A_147, %dma_start3A_151, %dma_start3A_152] : memref<64x384x384xf32, #tpu.memory_space<hbm>> -> memref<1x64x384xf32, #tpu.memory_space<hbm>>
    %dma_start3A_154 = tpu.memref_squeeze %dma_start3A_153 : memref<1x64x384xf32, #tpu.memory_space<hbm>> -> memref<64x384xf32, #tpu.memory_space<hbm>>
    %dma_start3A_155 = arith.constant 64 : i32
    %dma_start3A_156 = arith.constant 0 : i32
    %dma_start3A_157 = tpu.memref_slice %arg3[%add3A_147, %dma_start3A_155, %dma_start3A_156] : memref<64x384x384xf32, #tpu.memory_space<hbm>> -> memref<1x64x384xf32, #tpu.memory_space<hbm>>
    %dma_start3A_158 = tpu.memref_squeeze %dma_start3A_157 : memref<1x64x384xf32, #tpu.memory_space<hbm>> -> memref<64x384xf32, #tpu.memory_space<hbm>>
    %dma_start3A_159 = arith.constant 0 : i32
    %dma_start3A_160 = arith.constant 0 : i32
    %dma_start3A_161 = tpu.memref_slice %arg6[%dma_start3A_159, %dma_start3A_160] : memref<72x384xf32, #tpu.memory_space<vmem>> -> memref<64x384xf32, #tpu.memory_space<vmem>>
    tpu.enqueue_dma source(%dma_start3A_161 : memref<64x384xf32, #tpu.memory_space<vmem>>) target(%dma_start3A_158 : memref<64x384xf32, #tpu.memory_space<hbm>>) target_semaphore(%arg9 : memref<!tpu.dma_semaphore, #tpu.memory_space<semaphore_mem>>)
    %mul3A_162 = arith.constant 2 : i32
    %mul3A_163 = arith.muli %add3A, %mul3A_162 : i32
    %add3A_164 = arith.constant 1 : i32
    %add3A_165 = arith.addi %mul3A_163, %add3A_164 : i32
    %dma_start3A_166 = arith.constant 0 : i32
    %dma_start3A_167 = arith.constant 0 : i32
    %dma_start3A_168 = tpu.memref_slice %arg6[%dma_start3A_166, %dma_start3A_167] : memref<72x384xf32, #tpu.memory_space<vmem>> -> memref<64x384xf32, #tpu.memory_space<vmem>>
    %dma_start3A_169 = arith.constant 128 : i32
    %dma_start3A_170 = arith.constant 0 : i32
    %dma_start3A_171 = tpu.memref_slice %arg3[%add3A_165, %dma_start3A_169, %dma_start3A_170] : memref<64x384x384xf32, #tpu.memory_space<hbm>> -> memref<1x64x384xf32, #tpu.memory_space<hbm>>
    %dma_start3A_172 = tpu.memref_squeeze %dma_start3A_171 : memref<1x64x384xf32, #tpu.memory_space<hbm>> -> memref<64x384xf32, #tpu.memory_space<hbm>>
    %dma_start3A_173 = arith.constant 128 : i32
    %dma_start3A_174 = arith.constant 0 : i32
    %dma_start3A_175 = tpu.memref_slice %arg3[%add3A_165, %dma_start3A_173, %dma_start3A_174] : memref<64x384x384xf32, #tpu.memory_space<hbm>> -> memref<1x64x384xf32, #tpu.memory_space<hbm>>
    %dma_start3A_176 = tpu.memref_squeeze %dma_start3A_175 : memref<1x64x384xf32, #tpu.memory_space<hbm>> -> memref<64x384xf32, #tpu.memory_space<hbm>>
    %dma_start3A_177 = arith.constant 0 : i32
    %dma_start3A_178 = arith.constant 0 : i32
    %dma_start3A_179 = tpu.memref_slice %arg6[%dma_start3A_177, %dma_start3A_178] : memref<72x384xf32, #tpu.memory_space<vmem>> -> memref<64x384xf32, #tpu.memory_space<vmem>>
    tpu.enqueue_dma source(%dma_start3A_179 : memref<64x384xf32, #tpu.memory_space<vmem>>) target(%dma_start3A_176 : memref<64x384xf32, #tpu.memory_space<hbm>>) target_semaphore(%arg9 : memref<!tpu.dma_semaphore, #tpu.memory_space<semaphore_mem>>)
    %mul3A_180 = arith.constant 2 : i32
    %mul3A_181 = arith.muli %add3A, %mul3A_180 : i32
    %add3A_182 = arith.constant 1 : i32
    %add3A_183 = arith.addi %mul3A_181, %add3A_182 : i32
    %dma_start3A_184 = arith.constant 0 : i32
    %dma_start3A_185 = arith.constant 0 : i32
    %dma_start3A_186 = tpu.memref_slice %arg6[%dma_start3A_184, %dma_start3A_185] : memref<72x384xf32, #tpu.memory_space<vmem>> -> memref<64x384xf32, #tpu.memory_space<vmem>>
    %dma_start3A_187 = arith.constant 192 : i32
    %dma_start3A_188 = arith.constant 0 : i32
    %dma_start3A_189 = tpu.memref_slice %arg3[%add3A_183, %dma_start3A_187, %dma_start3A_188] : memref<64x384x384xf32, #tpu.memory_space<hbm>> -> memref<1x64x384xf32, #tpu.memory_space<hbm>>
    %dma_start3A_190 = tpu.memref_squeeze %dma_start3A_189 : memref<1x64x384xf32, #tpu.memory_space<hbm>> -> memref<64x384xf32, #tpu.memory_space<hbm>>
    %dma_start3A_191 = arith.constant 192 : i32
    %dma_start3A_192 = arith.constant 0 : i32
    %dma_start3A_193 = tpu.memref_slice %arg3[%add3A_183, %dma_start3A_191, %dma_start3A_192] : memref<64x384x384xf32, #tpu.memory_space<hbm>> -> memref<1x64x384xf32, #tpu.memory_space<hbm>>
    %dma_start3A_194 = tpu.memref_squeeze %dma_start3A_193 : memref<1x64x384xf32, #tpu.memory_space<hbm>> -> memref<64x384xf32, #tpu.memory_space<hbm>>
    %dma_start3A_195 = arith.constant 0 : i32
    %dma_start3A_196 = arith.constant 0 : i32
    %dma_start3A_197 = tpu.memref_slice %arg6[%dma_start3A_195, %dma_start3A_196] : memref<72x384xf32, #tpu.memory_space<vmem>> -> memref<64x384xf32, #tpu.memory_space<vmem>>
    tpu.enqueue_dma source(%dma_start3A_197 : memref<64x384xf32, #tpu.memory_space<vmem>>) target(%dma_start3A_194 : memref<64x384xf32, #tpu.memory_space<hbm>>) target_semaphore(%arg9 : memref<!tpu.dma_semaphore, #tpu.memory_space<semaphore_mem>>)
    %mul3A_198 = arith.constant 2 : i32
    %mul3A_199 = arith.muli %add3A, %mul3A_198 : i32
    %add3A_200 = arith.constant 1 : i32
    %add3A_201 = arith.addi %mul3A_199, %add3A_200 : i32
    %dma_start3A_202 = arith.constant 0 : i32
    %dma_start3A_203 = arith.constant 0 : i32
    %dma_start3A_204 = tpu.memref_slice %arg6[%dma_start3A_202, %dma_start3A_203] : memref<72x384xf32, #tpu.memory_space<vmem>> -> memref<64x384xf32, #tpu.memory_space<vmem>>
    %dma_start3A_205 = arith.constant 256 : i32
    %dma_start3A_206 = arith.constant 0 : i32
    %dma_start3A_207 = tpu.memref_slice %arg3[%add3A_201, %dma_start3A_205, %dma_start3A_206] : memref<64x384x384xf32, #tpu.memory_space<hbm>> -> memref<1x64x384xf32, #tpu.memory_space<hbm>>
    %dma_start3A_208 = tpu.memref_squeeze %dma_start3A_207 : memref<1x64x384xf32, #tpu.memory_space<hbm>> -> memref<64x384xf32, #tpu.memory_space<hbm>>
    %dma_start3A_209 = arith.constant 256 : i32
    %dma_start3A_210 = arith.constant 0 : i32
    %dma_start3A_211 = tpu.memref_slice %arg3[%add3A_201, %dma_start3A_209, %dma_start3A_210] : memref<64x384x384xf32, #tpu.memory_space<hbm>> -> memref<1x64x384xf32, #tpu.memory_space<hbm>>
    %dma_start3A_212 = tpu.memref_squeeze %dma_start3A_211 : memref<1x64x384xf32, #tpu.memory_space<hbm>> -> memref<64x384xf32, #tpu.memory_space<hbm>>
    %dma_start3A_213 = arith.constant 0 : i32
    %dma_start3A_214 = arith.constant 0 : i32
    %dma_start3A_215 = tpu.memref_slice %arg6[%dma_start3A_213, %dma_start3A_214] : memref<72x384xf32, #tpu.memory_space<vmem>> -> memref<64x384xf32, #tpu.memory_space<vmem>>
    tpu.enqueue_dma source(%dma_start3A_215 : memref<64x384xf32, #tpu.memory_space<vmem>>) target(%dma_start3A_212 : memref<64x384xf32, #tpu.memory_space<hbm>>) target_semaphore(%arg9 : memref<!tpu.dma_semaphore, #tpu.memory_space<semaphore_mem>>)
    %mul3A_216 = arith.constant 2 : i32
    %mul3A_217 = arith.muli %add3A, %mul3A_216 : i32
    %add3A_218 = arith.constant 1 : i32
    %add3A_219 = arith.addi %mul3A_217, %add3A_218 : i32
    %dma_start3A_220 = arith.constant 0 : i32
    %dma_start3A_221 = arith.constant 0 : i32
    %dma_start3A_222 = tpu.memref_slice %arg6[%dma_start3A_220, %dma_start3A_221] : memref<72x384xf32, #tpu.memory_space<vmem>> -> memref<64x384xf32, #tpu.memory_space<vmem>>
    %dma_start3A_223 = arith.constant 320 : i32
    %dma_start3A_224 = arith.constant 0 : i32
    %dma_start3A_225 = tpu.memref_slice %arg3[%add3A_219, %dma_start3A_223, %dma_start3A_224] : memref<64x384x384xf32, #tpu.memory_space<hbm>> -> memref<1x64x384xf32, #tpu.memory_space<hbm>>
    %dma_start3A_226 = tpu.memref_squeeze %dma_start3A_225 : memref<1x64x384xf32, #tpu.memory_space<hbm>> -> memref<64x384xf32, #tpu.memory_space<hbm>>
    %dma_start3A_227 = arith.constant 320 : i32
    %dma_start3A_228 = arith.constant 0 : i32
    %dma_start3A_229 = tpu.memref_slice %arg3[%add3A_219, %dma_start3A_227, %dma_start3A_228] : memref<64x384x384xf32, #tpu.memory_space<hbm>> -> memref<1x64x384xf32, #tpu.memory_space<hbm>>
    %dma_start3A_230 = tpu.memref_squeeze %dma_start3A_229 : memref<1x64x384xf32, #tpu.memory_space<hbm>> -> memref<64x384xf32, #tpu.memory_space<hbm>>
    %dma_start3A_231 = arith.constant 0 : i32
    %dma_start3A_232 = arith.constant 0 : i32
    %dma_start3A_233 = tpu.memref_slice %arg6[%dma_start3A_231, %dma_start3A_232] : memref<72x384xf32, #tpu.memory_space<vmem>> -> memref<64x384xf32, #tpu.memory_space<vmem>>
    tpu.enqueue_dma source(%dma_start3A_233 : memref<64x384xf32, #tpu.memory_space<vmem>>) target(%dma_start3A_230 : memref<64x384xf32, #tpu.memory_space<hbm>>) target_semaphore(%arg9 : memref<!tpu.dma_semaphore, #tpu.memory_space<semaphore_mem>>)
    %dma_wait3A = arith.constant 0 : i32
    %dma_wait3A_234 = tpu.memref_slice %arg2[%add3A, %dma_wait3A] : memref<40x16xf32, #tpu.memory_space<hbm>> -> memref<1x16xf32, #tpu.memory_space<hbm>>
    %dma_wait3A_235 = tpu.memref_squeeze %dma_wait3A_234 : memref<1x16xf32, #tpu.memory_space<hbm>> -> memref<16xf32, #tpu.memory_space<hbm>>
    %dma_wait3A_236 = arith.constant 0 : i32
    %dma_wait3A_237 = tpu.memref_slice %arg2[%add3A, %dma_wait3A_236] : memref<40x16xf32, #tpu.memory_space<hbm>> -> memref<1x16xf32, #tpu.memory_space<hbm>>
    %dma_wait3A_238 = tpu.memref_squeeze %dma_wait3A_237 : memref<1x16xf32, #tpu.memory_space<hbm>> -> memref<16xf32, #tpu.memory_space<hbm>>
    tpu.wait_dma2 semaphore(%arg7 : memref<!tpu.dma_semaphore, #tpu.memory_space<semaphore_mem>>) src(%dma_wait3A_238 : memref<16xf32, #tpu.memory_space<hbm>>) dst(%arg4 : memref<16xf32, #tpu.memory_space<vmem>>)
    %dma_wait3A_239 = arith.constant 32 : i32
    %dma_wait3A_240 = arith.constant 0 : i32
    %dma_wait3A_241 = tpu.memref_slice %arg2[%dma_wait3A_239, %dma_wait3A_240] : memref<40x16xf32, #tpu.memory_space<hbm>> -> memref<8x16xf32, #tpu.memory_space<hbm>>
    %dma_wait3A_242 = arith.constant 32 : i32
    %dma_wait3A_243 = arith.constant 0 : i32
    %dma_wait3A_244 = tpu.memref_slice %arg2[%dma_wait3A_242, %dma_wait3A_243] : memref<40x16xf32, #tpu.memory_space<hbm>> -> memref<8x16xf32, #tpu.memory_space<hbm>>
    tpu.wait_dma2 semaphore(%arg8 : memref<!tpu.dma_semaphore, #tpu.memory_space<semaphore_mem>>) src(%dma_wait3A_244 : memref<8x16xf32, #tpu.memory_space<hbm>>) dst(%arg5 : memref<8x16xf32, #tpu.memory_space<vmem>>)
    %iota3A = tpu.iota {dimensions = array<i32: 0>} : vector<16xi32>
    %get3A = arith.constant 0 : index
    %get3A_245 = tpu.vector_load %arg4[%get3A] {strides = array<i32>} : memref<16xf32, #tpu.memory_space<vmem>>, vector<16xf32>,
    %slice3A = vector.extract_strided_slice %get3A_245 {offsets = [0], sizes = [1], strides = [1]} : vector<16xf32> to vector<1xf32>
    %squeeze3A = vector.extract %slice3A[0] : f32 from vector<1xf32>
    %convert_element_type3A = arith.fptosi %squeeze3A : f32 to i32
    %jit3A = arith.constant 0 : i32
    %jit3A_246 = arith.constant 383 : i32
    %max3A = arith.maxsi %jit3A, %convert_element_type3A : i32
    %min3A = arith.minsi %jit3A_246, %max3A : i32
    %slice3A_247 = vector.extract_strided_slice %get3A_245 {offsets = [2], sizes = [1], strides = [1]} : vector<16xf32> to vector<1xf32>
    %squeeze3A_248 = vector.extract %slice3A_247[0] : f32 from vector<1xf32>
    %convert_element_type3A_249 = arith.fptosi %squeeze3A_248 : f32 to i32
    %jit3A_250 = arith.constant 0 : i32
    %jit3A_251 = arith.constant 383 : i32
    %max3A_252 = arith.maxsi %jit3A_250, %convert_element_type3A_249 : i32
    %min3A_253 = arith.minsi %jit3A_251, %max3A_252 : i32
    %slice3A_254 = vector.extract_strided_slice %get3A_245 {offsets = [1], sizes = [1], strides = [1]} : vector<16xf32> to vector<1xf32>
    %squeeze3A_255 = vector.extract %slice3A_254[0] : f32 from vector<1xf32>
    %convert_element_type3A_256 = arith.fptosi %squeeze3A_255 : f32 to i32
    %jit3A_257 = arith.constant 0 : i32
    %jit3A_258 = arith.constant 383 : i32
    %max3A_259 = arith.maxsi %jit3A_257, %convert_element_type3A_256 : i32
    %min3A_260 = arith.minsi %jit3A_258, %max3A_259 : i32
    %slice3A_261 = vector.extract_strided_slice %get3A_245 {offsets = [3], sizes = [1], strides = [1]} : vector<16xf32> to vector<1xf32>
    %squeeze3A_262 = vector.extract %slice3A_261[0] : f32 from vector<1xf32>
    %convert_element_type3A_263 = arith.fptosi %squeeze3A_262 : f32 to i32
    %jit3A_264 = arith.constant 0 : i32
    %jit3A_265 = arith.constant 383 : i32
    %max3A_266 = arith.maxsi %jit3A_264, %convert_element_type3A_263 : i32
    %min3A_267 = arith.minsi %jit3A_265, %max3A_266 : i32
    %sub3A = arith.constant 5 : i32
    %sub3A_268 = arith.subi %min3A_260, %sub3A : i32
    %div3A = arith.constant 8 : i32
    %div3A_269 = arith.divsi %sub3A_268, %div3A : i32
    %mul3A_270 = arith.constant 8 : i32
    %mul3A_271 = arith.muli %div3A_269, %mul3A_270 : i32
    %jit3A_272 = arith.constant 0 : i32
    %jit3A_273 = arith.constant 360 : i32
    %max3A_274 = arith.maxsi %jit3A_272, %mul3A_271 : i32
    %min3A_275 = arith.minsi %jit3A_273, %max3A_274 : i32
    %multiple_of3A = tpu.assume_multiple %min3A_275, 8 : i32
    %sub3A_276 = arith.constant 5 : i32
    %sub3A_277 = arith.subi %min3A_267, %sub3A_276 : i32
    %div3A_278 = arith.constant 8 : i32
    %div3A_279 = arith.divsi %sub3A_277, %div3A_278 : i32
    %mul3A_280 = arith.constant 8 : i32
    %mul3A_281 = arith.muli %div3A_279, %mul3A_280 : i32
    %jit3A_282 = arith.constant 0 : i32
    %jit3A_283 = arith.constant 360 : i32
    %max3A_284 = arith.maxsi %jit3A_282, %mul3A_281 : i32
    %min3A_285 = arith.minsi %jit3A_283, %max3A_284 : i32
    %multiple_of3A_286 = tpu.assume_multiple %min3A_285, 8 : i32
    %add3A_287 = arith.constant 0 : i32
    %add3A_288 = vector.broadcast %add3A_287 : i32 to vector<16xi32>
    %add3A_289 = arith.addi %iota3A, %add3A_288 : vector<16xi32>
    %div3A_290 = arith.constant 11 : i32
    %div3A_291 = vector.broadcast %div3A_290 : i32 to vector<16xi32>
    %div3A_292 = arith.divsi %add3A_289, %div3A_291 : vector<16xi32>
    %mul3A_293 = arith.constant 11 : i32
    %mul3A_294 = vector.broadcast %mul3A_293 : i32 to vector<16xi32>
    %mul3A_295 = arith.muli %div3A_292, %mul3A_294 : vector<16xi32>
    %sub3A_296 = arith.subi %add3A_289, %mul3A_295 : vector<16xi32>
    %lt3A = arith.constant 121 : i32
    %lt3A_297 = vector.broadcast %lt3A : i32 to vector<16xi32>
    %lt3A_298 = arith.cmpi slt, %add3A_289, %lt3A_297 : vector<16xi32>
    %get3A_299 = arith.constant 0 : i32
    %get3A_300 = arith.index_cast %get3A_299 : i32 to index
    %get3A_301 = arith.constant 0 : index
    %get3A_302 = tpu.vector_load %arg5[%get3A_300, %get3A_301] {strides = array<i32>} : memref<8x16xf32, #tpu.memory_space<vmem>>, vector<16xf32>,
    %add3A_303 = arith.constant 16 : i32
    %add3A_304 = vector.broadcast %add3A_303 : i32 to vector<16xi32>
    %add3A_305 = arith.addi %iota3A, %add3A_304 : vector<16xi32>
    %div3A_306 = arith.constant 11 : i32
    %div3A_307 = vector.broadcast %div3A_306 : i32 to vector<16xi32>
    %div3A_308 = arith.divsi %add3A_305, %div3A_307 : vector<16xi32>
    %mul3A_309 = arith.constant 11 : i32
    %mul3A_310 = vector.broadcast %mul3A_309 : i32 to vector<16xi32>
    %mul3A_311 = arith.muli %div3A_308, %mul3A_310 : vector<16xi32>
    %sub3A_312 = arith.subi %add3A_305, %mul3A_311 : vector<16xi32>
    %lt3A_313 = arith.constant 121 : i32
    %lt3A_314 = vector.broadcast %lt3A_313 : i32 to vector<16xi32>
    %lt3A_315 = arith.cmpi slt, %add3A_305, %lt3A_314 : vector<16xi32>
    %get3A_316 = arith.constant 1 : i32
    %get3A_317 = arith.index_cast %get3A_316 : i32 to index
    %get3A_318 = arith.constant 0 : index
    %get3A_319 = tpu.vector_load %arg5[%get3A_317, %get3A_318] {strides = array<i32>} : memref<8x16xf32, #tpu.memory_space<vmem>>, vector<16xf32>,
    %add3A_320 = arith.constant 32 : i32
    %add3A_321 = vector.broadcast %add3A_320 : i32 to vector<16xi32>
    %add3A_322 = arith.addi %iota3A, %add3A_321 : vector<16xi32>
    %div3A_323 = arith.constant 11 : i32
    %div3A_324 = vector.broadcast %div3A_323 : i32 to vector<16xi32>
    %div3A_325 = arith.divsi %add3A_322, %div3A_324 : vector<16xi32>
    %mul3A_326 = arith.constant 11 : i32
    %mul3A_327 = vector.broadcast %mul3A_326 : i32 to vector<16xi32>
    %mul3A_328 = arith.muli %div3A_325, %mul3A_327 : vector<16xi32>
    %sub3A_329 = arith.subi %add3A_322, %mul3A_328 : vector<16xi32>
    %lt3A_330 = arith.constant 121 : i32
    %lt3A_331 = vector.broadcast %lt3A_330 : i32 to vector<16xi32>
    %lt3A_332 = arith.cmpi slt, %add3A_322, %lt3A_331 : vector<16xi32>
    %get3A_333 = arith.constant 2 : i32
    %get3A_334 = arith.index_cast %get3A_333 : i32 to index
    %get3A_335 = arith.constant 0 : index
    %get3A_336 = tpu.vector_load %arg5[%get3A_334, %get3A_335] {strides = array<i32>} : memref<8x16xf32, #tpu.memory_space<vmem>>, vector<16xf32>,
    %add3A_337 = arith.constant 48 : i32
    %add3A_338 = vector.broadcast %add3A_337 : i32 to vector<16xi32>
    %add3A_339 = arith.addi %iota3A, %add3A_338 : vector<16xi32>
    %div3A_340 = arith.constant 11 : i32
    %div3A_341 = vector.broadcast %div3A_340 : i32 to vector<16xi32>
    %div3A_342 = arith.divsi %add3A_339, %div3A_341 : vector<16xi32>
    %mul3A_343 = arith.constant 11 : i32
    %mul3A_344 = vector.broadcast %mul3A_343 : i32 to vector<16xi32>
    %mul3A_345 = arith.muli %div3A_342, %mul3A_344 : vector<16xi32>
    %sub3A_346 = arith.subi %add3A_339, %mul3A_345 : vector<16xi32>
    %lt3A_347 = arith.constant 121 : i32
    %lt3A_348 = vector.broadcast %lt3A_347 : i32 to vector<16xi32>
    %lt3A_349 = arith.cmpi slt, %add3A_339, %lt3A_348 : vector<16xi32>
    %get3A_350 = arith.constant 3 : i32
    %get3A_351 = arith.index_cast %get3A_350 : i32 to index
    %get3A_352 = arith.constant 0 : index
    %get3A_353 = tpu.vector_load %arg5[%get3A_351, %get3A_352] {strides = array<i32>} : memref<8x16xf32, #tpu.memory_space<vmem>>, vector<16xf32>,
    %add3A_354 = arith.constant 64 : i32
    %add3A_355 = vector.broadcast %add3A_354 : i32 to vector<16xi32>
    %add3A_356 = arith.addi %iota3A, %add3A_355 : vector<16xi32>
    %div3A_357 = arith.constant 11 : i32
    %div3A_358 = vector.broadcast %div3A_357 : i32 to vector<16xi32>
    %div3A_359 = arith.divsi %add3A_356, %div3A_358 : vector<16xi32>
    %mul3A_360 = arith.constant 11 : i32
    %mul3A_361 = vector.broadcast %mul3A_360 : i32 to vector<16xi32>
    %mul3A_362 = arith.muli %div3A_359, %mul3A_361 : vector<16xi32>
    %sub3A_363 = arith.subi %add3A_356, %mul3A_362 : vector<16xi32>
    %lt3A_364 = arith.constant 121 : i32
    %lt3A_365 = vector.broadcast %lt3A_364 : i32 to vector<16xi32>
    %lt3A_366 = arith.cmpi slt, %add3A_356, %lt3A_365 : vector<16xi32>
    %get3A_367 = arith.constant 4 : i32
    %get3A_368 = arith.index_cast %get3A_367 : i32 to index
    %get3A_369 = arith.constant 0 : index
    %get3A_370 = tpu.vector_load %arg5[%get3A_368, %get3A_369] {strides = array<i32>} : memref<8x16xf32, #tpu.memory_space<vmem>>, vector<16xf32>,
    %add3A_371 = arith.constant 80 : i32
    %add3A_372 = vector.broadcast %add3A_371 : i32 to vector<16xi32>
    %add3A_373 = arith.addi %iota3A, %add3A_372 : vector<16xi32>
    %div3A_374 = arith.constant 11 : i32
    %div3A_375 = vector.broadcast %div3A_374 : i32 to vector<16xi32>
    %div3A_376 = arith.divsi %add3A_373, %div3A_375 : vector<16xi32>
    %mul3A_377 = arith.constant 11 : i32
    %mul3A_378 = vector.broadcast %mul3A_377 : i32 to vector<16xi32>
    %mul3A_379 = arith.muli %div3A_376, %mul3A_378 : vector<16xi32>
    %sub3A_380 = arith.subi %add3A_373, %mul3A_379 : vector<16xi32>
    %lt3A_381 = arith.constant 121 : i32
    %lt3A_382 = vector.broadcast %lt3A_381 : i32 to vector<16xi32>
    %lt3A_383 = arith.cmpi slt, %add3A_373, %lt3A_382 : vector<16xi32>
    %get3A_384 = arith.constant 5 : i32
    %get3A_385 = arith.index_cast %get3A_384 : i32 to index
    %get3A_386 = arith.constant 0 : index
    %get3A_387 = tpu.vector_load %arg5[%get3A_385, %get3A_386] {strides = array<i32>} : memref<8x16xf32, #tpu.memory_space<vmem>>, vector<16xf32>,
    %add3A_388 = arith.constant 96 : i32
    %add3A_389 = vector.broadcast %add3A_388 : i32 to vector<16xi32>
    %add3A_390 = arith.addi %iota3A, %add3A_389 : vector<16xi32>
    %div3A_391 = arith.constant 11 : i32
    %div3A_392 = vector.broadcast %div3A_391 : i32 to vector<16xi32>
    %div3A_393 = arith.divsi %add3A_390, %div3A_392 : vector<16xi32>
    %mul3A_394 = arith.constant 11 : i32
    %mul3A_395 = vector.broadcast %mul3A_394 : i32 to vector<16xi32>
    %mul3A_396 = arith.muli %div3A_393, %mul3A_395 : vector<16xi32>
    %sub3A_397 = arith.subi %add3A_390, %mul3A_396 : vector<16xi32>
    %lt3A_398 = arith.constant 121 : i32
    %lt3A_399 = vector.broadcast %lt3A_398 : i32 to vector<16xi32>
    %lt3A_400 = arith.cmpi slt, %add3A_390, %lt3A_399 : vector<16xi32>
    %get3A_401 = arith.constant 6 : i32
    %get3A_402 = arith.index_cast %get3A_401 : i32 to index
    %get3A_403 = arith.constant 0 : index
    %get3A_404 = tpu.vector_load %arg5[%get3A_402, %get3A_403] {strides = array<i32>} : memref<8x16xf32, #tpu.memory_space<vmem>>, vector<16xf32>,
    %add3A_405 = arith.constant 112 : i32
    %add3A_406 = vector.broadcast %add3A_405 : i32 to vector<16xi32>
    %add3A_407 = arith.addi %iota3A, %add3A_406 : vector<16xi32>
    %div3A_408 = arith.constant 11 : i32
    %div3A_409 = vector.broadcast %div3A_408 : i32 to vector<16xi32>
    %div3A_410 = arith.divsi %add3A_407, %div3A_409 : vector<16xi32>
    %mul3A_411 = arith.constant 11 : i32
    %mul3A_412 = vector.broadcast %mul3A_411 : i32 to vector<16xi32>
    %mul3A_413 = arith.muli %div3A_410, %mul3A_412 : vector<16xi32>
    %sub3A_414 = arith.subi %add3A_407, %mul3A_413 : vector<16xi32>
    %lt3A_415 = arith.constant 121 : i32
    %lt3A_416 = vector.broadcast %lt3A_415 : i32 to vector<16xi32>
    %lt3A_417 = arith.cmpi slt, %add3A_407, %lt3A_416 : vector<16xi32>
    %get3A_418 = arith.constant 7 : i32
    %get3A_419 = arith.index_cast %get3A_418 : i32 to index
    %get3A_420 = arith.constant 0 : index
    %get3A_421 = tpu.vector_load %arg5[%get3A_419, %get3A_420] {strides = array<i32>} : memref<8x16xf32, #tpu.memory_space<vmem>>, vector<16xf32>,
    %dma_wait3A_422 = arith.constant 0 : i32
    %dma_wait3A_423 = arith.constant 0 : i32
    %dma_wait3A_424 = tpu.memref_slice %arg6[%dma_wait3A_422, %dma_wait3A_423] : memref<72x384xf32, #tpu.memory_space<vmem>> -> memref<64x384xf32, #tpu.memory_space<vmem>>
    %dma_wait3A_425 = arith.constant 0 : i32
    %dma_wait3A_426 = arith.constant 0 : i32
    %dma_wait3A_427 = tpu.memref_slice %arg3[%add3A_21, %dma_wait3A_425, %dma_wait3A_426] : memref<64x384x384xf32, #tpu.memory_space<hbm>> -> memref<1x64x384xf32, #tpu.memory_space<hbm>>
    %dma_wait3A_428 = tpu.memref_squeeze %dma_wait3A_427 : memref<1x64x384xf32, #tpu.memory_space<hbm>> -> memref<64x384xf32, #tpu.memory_space<hbm>>
    %dma_wait3A_429 = arith.constant 0 : i32
    %dma_wait3A_430 = arith.constant 0 : i32
    %dma_wait3A_431 = tpu.memref_slice %arg3[%add3A_21, %dma_wait3A_429, %dma_wait3A_430] : memref<64x384x384xf32, #tpu.memory_space<hbm>> -> memref<1x64x384xf32, #tpu.memory_space<hbm>>
    %dma_wait3A_432 = tpu.memref_squeeze %dma_wait3A_431 : memref<1x64x384xf32, #tpu.memory_space<hbm>> -> memref<64x384xf32, #tpu.memory_space<hbm>>
    %dma_wait3A_433 = arith.constant 0 : i32
    %dma_wait3A_434 = arith.constant 0 : i32
    %dma_wait3A_435 = tpu.memref_slice %arg6[%dma_wait3A_433, %dma_wait3A_434] : memref<72x384xf32, #tpu.memory_space<vmem>> -> memref<64x384xf32, #tpu.memory_space<vmem>>
    tpu.wait_dma2 semaphore(%arg9 : memref<!tpu.dma_semaphore, #tpu.memory_space<semaphore_mem>>) src(%dma_wait3A_435 : memref<64x384xf32, #tpu.memory_space<vmem>>) dst(%dma_wait3A_432 : memref<64x384xf32, #tpu.memory_space<hbm>>)
    %dma_wait3A_436 = arith.constant 0 : i32
    %dma_wait3A_437 = arith.constant 0 : i32
    %dma_wait3A_438 = tpu.memref_slice %arg6[%dma_wait3A_436, %dma_wait3A_437] : memref<72x384xf32, #tpu.memory_space<vmem>> -> memref<64x384xf32, #tpu.memory_space<vmem>>
    %dma_wait3A_439 = arith.constant 64 : i32
    %dma_wait3A_440 = arith.constant 0 : i32
    %dma_wait3A_441 = tpu.memref_slice %arg3[%add3A_39, %dma_wait3A_439, %dma_wait3A_440] : memref<64x384x384xf32, #tpu.memory_space<hbm>> -> memref<1x64x384xf32, #tpu.memory_space<hbm>>
    %dma_wait3A_442 = tpu.memref_squeeze %dma_wait3A_441 : memref<1x64x384xf32, #tpu.memory_space<hbm>> -> memref<64x384xf32, #tpu.memory_space<hbm>>
    %dma_wait3A_443 = arith.constant 64 : i32
    %dma_wait3A_444 = arith.constant 0 : i32
    %dma_wait3A_445 = tpu.memref_slice %arg3[%add3A_39, %dma_wait3A_443, %dma_wait3A_444] : memref<64x384x384xf32, #tpu.memory_space<hbm>> -> memref<1x64x384xf32, #tpu.memory_space<hbm>>
    %dma_wait3A_446 = tpu.memref_squeeze %dma_wait3A_445 : memref<1x64x384xf32, #tpu.memory_space<hbm>> -> memref<64x384xf32, #tpu.memory_space<hbm>>
    %dma_wait3A_447 = arith.constant 0 : i32
    %dma_wait3A_448 = arith.constant 0 : i32
    %dma_wait3A_449 = tpu.memref_slice %arg6[%dma_wait3A_447, %dma_wait3A_448] : memref<72x384xf32, #tpu.memory_space<vmem>> -> memref<64x384xf32, #tpu.memory_space<vmem>>
    tpu.wait_dma2 semaphore(%arg9 : memref<!tpu.dma_semaphore, #tpu.memory_space<semaphore_mem>>) src(%dma_wait3A_449 : memref<64x384xf32, #tpu.memory_space<vmem>>) dst(%dma_wait3A_446 : memref<64x384xf32, #tpu.memory_space<hbm>>)
    %dma_wait3A_450 = arith.constant 0 : i32
    %dma_wait3A_451 = arith.constant 0 : i32
    %dma_wait3A_452 = tpu.memref_slice %arg6[%dma_wait3A_450, %dma_wait3A_451] : memref<72x384xf32, #tpu.memory_space<vmem>> -> memref<64x384xf32, #tpu.memory_space<vmem>>
    %dma_wait3A_453 = arith.constant 128 : i32
    %dma_wait3A_454 = arith.constant 0 : i32
    %dma_wait3A_455 = tpu.memref_slice %arg3[%add3A_57, %dma_wait3A_453, %dma_wait3A_454] : memref<64x384x384xf32, #tpu.memory_space<hbm>> -> memref<1x64x384xf32, #tpu.memory_space<hbm>>
    %dma_wait3A_456 = tpu.memref_squeeze %dma_wait3A_455 : memref<1x64x384xf32, #tpu.memory_space<hbm>> -> memref<64x384xf32, #tpu.memory_space<hbm>>
    %dma_wait3A_457 = arith.constant 128 : i32
    %dma_wait3A_458 = arith.constant 0 : i32
    %dma_wait3A_459 = tpu.memref_slice %arg3[%add3A_57, %dma_wait3A_457, %dma_wait3A_458] : memref<64x384x384xf32, #tpu.memory_space<hbm>> -> memref<1x64x384xf32, #tpu.memory_space<hbm>>
    %dma_wait3A_460 = tpu.memref_squeeze %dma_wait3A_459 : memref<1x64x384xf32, #tpu.memory_space<hbm>> -> memref<64x384xf32, #tpu.memory_space<hbm>>
    %dma_wait3A_461 = arith.constant 0 : i32
    %dma_wait3A_462 = arith.constant 0 : i32
    %dma_wait3A_463 = tpu.memref_slice %arg6[%dma_wait3A_461, %dma_wait3A_462] : memref<72x384xf32, #tpu.memory_space<vmem>> -> memref<64x384xf32, #tpu.memory_space<vmem>>
    tpu.wait_dma2 semaphore(%arg9 : memref<!tpu.dma_semaphore, #tpu.memory_space<semaphore_mem>>) src(%dma_wait3A_463 : memref<64x384xf32, #tpu.memory_space<vmem>>) dst(%dma_wait3A_460 : memref<64x384xf32, #tpu.memory_space<hbm>>)
    %dma_wait3A_464 = arith.constant 0 : i32
    %dma_wait3A_465 = arith.constant 0 : i32
    %dma_wait3A_466 = tpu.memref_slice %arg6[%dma_wait3A_464, %dma_wait3A_465] : memref<72x384xf32, #tpu.memory_space<vmem>> -> memref<64x384xf32, #tpu.memory_space<vmem>>
    %dma_wait3A_467 = arith.constant 192 : i32
    %dma_wait3A_468 = arith.constant 0 : i32
    %dma_wait3A_469 = tpu.memref_slice %arg3[%add3A_75, %dma_wait3A_467, %dma_wait3A_468] : memref<64x384x384xf32, #tpu.memory_space<hbm>> -> memref<1x64x384xf32, #tpu.memory_space<hbm>>
    %dma_wait3A_470 = tpu.memref_squeeze %dma_wait3A_469 : memref<1x64x384xf32, #tpu.memory_space<hbm>> -> memref<64x384xf32, #tpu.memory_space<hbm>>
    %dma_wait3A_471 = arith.constant 192 : i32
    %dma_wait3A_472 = arith.constant 0 : i32
    %dma_wait3A_473 = tpu.memref_slice %arg3[%add3A_75, %dma_wait3A_471, %dma_wait3A_472] : memref<64x384x384xf32, #tpu.memory_space<hbm>> -> memref<1x64x384xf32, #tpu.memory_space<hbm>>
    %dma_wait3A_474 = tpu.memref_squeeze %dma_wait3A_473 : memref<1x64x384xf32, #tpu.memory_space<hbm>> -> memref<64x384xf32, #tpu.memory_space<hbm>>
    %dma_wait3A_475 = arith.constant 0 : i32
    %dma_wait3A_476 = arith.constant 0 : i32
    %dma_wait3A_477 = tpu.memref_slice %arg6[%dma_wait3A_475, %dma_wait3A_476] : memref<72x384xf32, #tpu.memory_space<vmem>> -> memref<64x384xf32, #tpu.memory_space<vmem>>
    tpu.wait_dma2 semaphore(%arg9 : memref<!tpu.dma_semaphore, #tpu.memory_space<semaphore_mem>>) src(%dma_wait3A_477 : memref<64x384xf32, #tpu.memory_space<vmem>>) dst(%dma_wait3A_474 : memref<64x384xf32, #tpu.memory_space<hbm>>)
    %dma_wait3A_478 = arith.constant 0 : i32
    %dma_wait3A_479 = arith.constant 0 : i32
    %dma_wait3A_480 = tpu.memref_slice %arg6[%dma_wait3A_478, %dma_wait3A_479] : memref<72x384xf32, #tpu.memory_space<vmem>> -> memref<64x384xf32, #tpu.memory_space<vmem>>
    %dma_wait3A_481 = arith.constant 256 : i32
    %dma_wait3A_482 = arith.constant 0 : i32
    %dma_wait3A_483 = tpu.memref_slice %arg3[%add3A_93, %dma_wait3A_481, %dma_wait3A_482] : memref<64x384x384xf32, #tpu.memory_space<hbm>> -> memref<1x64x384xf32, #tpu.memory_space<hbm>>
    %dma_wait3A_484 = tpu.memref_squeeze %dma_wait3A_483 : memref<1x64x384xf32, #tpu.memory_space<hbm>> -> memref<64x384xf32, #tpu.memory_space<hbm>>
    %dma_wait3A_485 = arith.constant 256 : i32
    %dma_wait3A_486 = arith.constant 0 : i32
    %dma_wait3A_487 = tpu.memref_slice %arg3[%add3A_93, %dma_wait3A_485, %dma_wait3A_486] : memref<64x384x384xf32, #tpu.memory_space<hbm>> -> memref<1x64x384xf32, #tpu.memory_space<hbm>>
    %dma_wait3A_488 = tpu.memref_squeeze %dma_wait3A_487 : memref<1x64x384xf32, #tpu.memory_space<hbm>> -> memref<64x384xf32, #tpu.memory_space<hbm>>
    %dma_wait3A_489 = arith.constant 0 : i32
    %dma_wait3A_490 = arith.constant 0 : i32
    %dma_wait3A_491 = tpu.memref_slice %arg6[%dma_wait3A_489, %dma_wait3A_490] : memref<72x384xf32, #tpu.memory_space<vmem>> -> memref<64x384xf32, #tpu.memory_space<vmem>>
    tpu.wait_dma2 semaphore(%arg9 : memref<!tpu.dma_semaphore, #tpu.memory_space<semaphore_mem>>) src(%dma_wait3A_491 : memref<64x384xf32, #tpu.memory_space<vmem>>) dst(%dma_wait3A_488 : memref<64x384xf32, #tpu.memory_space<hbm>>)
    %dma_wait3A_492 = arith.constant 0 : i32
    %dma_wait3A_493 = arith.constant 0 : i32
    %dma_wait3A_494 = tpu.memref_slice %arg6[%dma_wait3A_492, %dma_wait3A_493] : memref<72x384xf32, #tpu.memory_space<vmem>> -> memref<64x384xf32, #tpu.memory_space<vmem>>
    %dma_wait3A_495 = arith.constant 320 : i32
    %dma_wait3A_496 = arith.constant 0 : i32
    %dma_wait3A_497 = tpu.memref_slice %arg3[%add3A_111, %dma_wait3A_495, %dma_wait3A_496] : memref<64x384x384xf32, #tpu.memory_space<hbm>> -> memref<1x64x384xf32, #tpu.memory_space<hbm>>
    %dma_wait3A_498 = tpu.memref_squeeze %dma_wait3A_497 : memref<1x64x384xf32, #tpu.memory_space<hbm>> -> memref<64x384xf32, #tpu.memory_space<hbm>>
    %dma_wait3A_499 = arith.constant 320 : i32
    %dma_wait3A_500 = arith.constant 0 : i32
    %dma_wait3A_501 = tpu.memref_slice %arg3[%add3A_111, %dma_wait3A_499, %dma_wait3A_500] : memref<64x384x384xf32, #tpu.memory_space<hbm>> -> memref<1x64x384xf32, #tpu.memory_space<hbm>>
    %dma_wait3A_502 = tpu.memref_squeeze %dma_wait3A_501 : memref<1x64x384xf32, #tpu.memory_space<hbm>> -> memref<64x384xf32, #tpu.memory_space<hbm>>
    %dma_wait3A_503 = arith.constant 0 : i32
    %dma_wait3A_504 = arith.constant 0 : i32
    %dma_wait3A_505 = tpu.memref_slice %arg6[%dma_wait3A_503, %dma_wait3A_504] : memref<72x384xf32, #tpu.memory_space<vmem>> -> memref<64x384xf32, #tpu.memory_space<vmem>>
    tpu.wait_dma2 semaphore(%arg9 : memref<!tpu.dma_semaphore, #tpu.memory_space<semaphore_mem>>) src(%dma_wait3A_505 : memref<64x384xf32, #tpu.memory_space<vmem>>) dst(%dma_wait3A_502 : memref<64x384xf32, #tpu.memory_space<hbm>>)
    %dma_wait3A_506 = arith.constant 0 : i32
    %dma_wait3A_507 = arith.constant 0 : i32
    %dma_wait3A_508 = tpu.memref_slice %arg6[%dma_wait3A_506, %dma_wait3A_507] : memref<72x384xf32, #tpu.memory_space<vmem>> -> memref<64x384xf32, #tpu.memory_space<vmem>>
    %dma_wait3A_509 = arith.constant 0 : i32
    %dma_wait3A_510 = arith.constant 0 : i32
    %dma_wait3A_511 = tpu.memref_slice %arg3[%add3A_129, %dma_wait3A_509, %dma_wait3A_510] : memref<64x384x384xf32, #tpu.memory_space<hbm>> -> memref<1x64x384xf32, #tpu.memory_space<hbm>>
    %dma_wait3A_512 = tpu.memref_squeeze %dma_wait3A_511 : memref<1x64x384xf32, #tpu.memory_space<hbm>> -> memref<64x384xf32, #tpu.memory_space<hbm>>
    %dma_wait3A_513 = arith.constant 0 : i32
    %dma_wait3A_514 = arith.constant 0 : i32
    %dma_wait3A_515 = tpu.memref_slice %arg3[%add3A_129, %dma_wait3A_513, %dma_wait3A_514] : memref<64x384x384xf32, #tpu.memory_space<hbm>> -> memref<1x64x384xf32, #tpu.memory_space<hbm>>
    %dma_wait3A_516 = tpu.memref_squeeze %dma_wait3A_515 : memref<1x64x384xf32, #tpu.memory_space<hbm>> -> memref<64x384xf32, #tpu.memory_space<hbm>>
    %dma_wait3A_517 = arith.constant 0 : i32
    %dma_wait3A_518 = arith.constant 0 : i32
    %dma_wait3A_519 = tpu.memref_slice %arg6[%dma_wait3A_517, %dma_wait3A_518] : memref<72x384xf32, #tpu.memory_space<vmem>> -> memref<64x384xf32, #tpu.memory_space<vmem>>
    tpu.wait_dma2 semaphore(%arg9 : memref<!tpu.dma_semaphore, #tpu.memory_space<semaphore_mem>>) src(%dma_wait3A_519 : memref<64x384xf32, #tpu.memory_space<vmem>>) dst(%dma_wait3A_516 : memref<64x384xf32, #tpu.memory_space<hbm>>)
    %dma_wait3A_520 = arith.constant 0 : i32
    %dma_wait3A_521 = arith.constant 0 : i32
    %dma_wait3A_522 = tpu.memref_slice %arg6[%dma_wait3A_520, %dma_wait3A_521] : memref<72x384xf32, #tpu.memory_space<vmem>> -> memref<64x384xf32, #tpu.memory_space<vmem>>
    %dma_wait3A_523 = arith.constant 64 : i32
    %dma_wait3A_524 = arith.constant 0 : i32
    %dma_wait3A_525 = tpu.memref_slice %arg3[%add3A_147, %dma_wait3A_523, %dma_wait3A_524] : memref<64x384x384xf32, #tpu.memory_space<hbm>> -> memref<1x64x384xf32, #tpu.memory_space<hbm>>
    %dma_wait3A_526 = tpu.memref_squeeze %dma_wait3A_525 : memref<1x64x384xf32, #tpu.memory_space<hbm>> -> memref<64x384xf32, #tpu.memory_space<hbm>>
    %dma_wait3A_527 = arith.constant 64 : i32
    %dma_wait3A_528 = arith.constant 0 : i32
    %dma_wait3A_529 = tpu.memref_slice %arg3[%add3A_147, %dma_wait3A_527, %dma_wait3A_528] : memref<64x384x384xf32, #tpu.memory_space<hbm>> -> memref<1x64x384xf32, #tpu.memory_space<hbm>>
    %dma_wait3A_530 = tpu.memref_squeeze %dma_wait3A_529 : memref<1x64x384xf32, #tpu.memory_space<hbm>> -> memref<64x384xf32, #tpu.memory_space<hbm>>
    %dma_wait3A_531 = arith.constant 0 : i32
    %dma_wait3A_532 = arith.constant 0 : i32
    %dma_wait3A_533 = tpu.memref_slice %arg6[%dma_wait3A_531, %dma_wait3A_532] : memref<72x384xf32, #tpu.memory_space<vmem>> -> memref<64x384xf32, #tpu.memory_space<vmem>>
    tpu.wait_dma2 semaphore(%arg9 : memref<!tpu.dma_semaphore, #tpu.memory_space<semaphore_mem>>) src(%dma_wait3A_533 : memref<64x384xf32, #tpu.memory_space<vmem>>) dst(%dma_wait3A_530 : memref<64x384xf32, #tpu.memory_space<hbm>>)
    %dma_wait3A_534 = arith.constant 0 : i32
    %dma_wait3A_535 = arith.constant 0 : i32
    %dma_wait3A_536 = tpu.memref_slice %arg6[%dma_wait3A_534, %dma_wait3A_535] : memref<72x384xf32, #tpu.memory_space<vmem>> -> memref<64x384xf32, #tpu.memory_space<vmem>>
    %dma_wait3A_537 = arith.constant 128 : i32
    %dma_wait3A_538 = arith.constant 0 : i32
    %dma_wait3A_539 = tpu.memref_slice %arg3[%add3A_165, %dma_wait3A_537, %dma_wait3A_538] : memref<64x384x384xf32, #tpu.memory_space<hbm>> -> memref<1x64x384xf32, #tpu.memory_space<hbm>>
    %dma_wait3A_540 = tpu.memref_squeeze %dma_wait3A_539 : memref<1x64x384xf32, #tpu.memory_space<hbm>> -> memref<64x384xf32, #tpu.memory_space<hbm>>
    %dma_wait3A_541 = arith.constant 128 : i32
    %dma_wait3A_542 = arith.constant 0 : i32
    %dma_wait3A_543 = tpu.memref_slice %arg3[%add3A_165, %dma_wait3A_541, %dma_wait3A_542] : memref<64x384x384xf32, #tpu.memory_space<hbm>> -> memref<1x64x384xf32, #tpu.memory_space<hbm>>
    %dma_wait3A_544 = tpu.memref_squeeze %dma_wait3A_543 : memref<1x64x384xf32, #tpu.memory_space<hbm>> -> memref<64x384xf32, #tpu.memory_space<hbm>>
    %dma_wait3A_545 = arith.constant 0 : i32
    %dma_wait3A_546 = arith.constant 0 : i32
    %dma_wait3A_547 = tpu.memref_slice %arg6[%dma_wait3A_545, %dma_wait3A_546] : memref<72x384xf32, #tpu.memory_space<vmem>> -> memref<64x384xf32, #tpu.memory_space<vmem>>
    tpu.wait_dma2 semaphore(%arg9 : memref<!tpu.dma_semaphore, #tpu.memory_space<semaphore_mem>>) src(%dma_wait3A_547 : memref<64x384xf32, #tpu.memory_space<vmem>>) dst(%dma_wait3A_544 : memref<64x384xf32, #tpu.memory_space<hbm>>)
    %dma_wait3A_548 = arith.constant 0 : i32
    %dma_wait3A_549 = arith.constant 0 : i32
    %dma_wait3A_550 = tpu.memref_slice %arg6[%dma_wait3A_548, %dma_wait3A_549] : memref<72x384xf32, #tpu.memory_space<vmem>> -> memref<64x384xf32, #tpu.memory_space<vmem>>
    %dma_wait3A_551 = arith.constant 192 : i32
    %dma_wait3A_552 = arith.constant 0 : i32
    %dma_wait3A_553 = tpu.memref_slice %arg3[%add3A_183, %dma_wait3A_551, %dma_wait3A_552] : memref<64x384x384xf32, #tpu.memory_space<hbm>> -> memref<1x64x384xf32, #tpu.memory_space<hbm>>
    %dma_wait3A_554 = tpu.memref_squeeze %dma_wait3A_553 : memref<1x64x384xf32, #tpu.memory_space<hbm>> -> memref<64x384xf32, #tpu.memory_space<hbm>>
    %dma_wait3A_555 = arith.constant 192 : i32
    %dma_wait3A_556 = arith.constant 0 : i32
    %dma_wait3A_557 = tpu.memref_slice %arg3[%add3A_183, %dma_wait3A_555, %dma_wait3A_556] : memref<64x384x384xf32, #tpu.memory_space<hbm>> -> memref<1x64x384xf32, #tpu.memory_space<hbm>>
    %dma_wait3A_558 = tpu.memref_squeeze %dma_wait3A_557 : memref<1x64x384xf32, #tpu.memory_space<hbm>> -> memref<64x384xf32, #tpu.memory_space<hbm>>
    %dma_wait3A_559 = arith.constant 0 : i32
    %dma_wait3A_560 = arith.constant 0 : i32
    %dma_wait3A_561 = tpu.memref_slice %arg6[%dma_wait3A_559, %dma_wait3A_560] : memref<72x384xf32, #tpu.memory_space<vmem>> -> memref<64x384xf32, #tpu.memory_space<vmem>>
    tpu.wait_dma2 semaphore(%arg9 : memref<!tpu.dma_semaphore, #tpu.memory_space<semaphore_mem>>) src(%dma_wait3A_561 : memref<64x384xf32, #tpu.memory_space<vmem>>) dst(%dma_wait3A_558 : memref<64x384xf32, #tpu.memory_space<hbm>>)
    %dma_wait3A_562 = arith.constant 0 : i32
    %dma_wait3A_563 = arith.constant 0 : i32
    %dma_wait3A_564 = tpu.memref_slice %arg6[%dma_wait3A_562, %dma_wait3A_563] : memref<72x384xf32, #tpu.memory_space<vmem>> -> memref<64x384xf32, #tpu.memory_space<vmem>>
    %dma_wait3A_565 = arith.constant 256 : i32
    %dma_wait3A_566 = arith.constant 0 : i32
    %dma_wait3A_567 = tpu.memref_slice %arg3[%add3A_201, %dma_wait3A_565, %dma_wait3A_566] : memref<64x384x384xf32, #tpu.memory_space<hbm>> -> memref<1x64x384xf32, #tpu.memory_space<hbm>>
    %dma_wait3A_568 = tpu.memref_squeeze %dma_wait3A_567 : memref<1x64x384xf32, #tpu.memory_space<hbm>> -> memref<64x384xf32, #tpu.memory_space<hbm>>
    %dma_wait3A_569 = arith.constant 256 : i32
    %dma_wait3A_570 = arith.constant 0 : i32
    %dma_wait3A_571 = tpu.memref_slice %arg3[%add3A_201, %dma_wait3A_569, %dma_wait3A_570] : memref<64x384x384xf32, #tpu.memory_space<hbm>> -> memref<1x64x384xf32, #tpu.memory_space<hbm>>
    %dma_wait3A_572 = tpu.memref_squeeze %dma_wait3A_571 : memref<1x64x384xf32, #tpu.memory_space<hbm>> -> memref<64x384xf32, #tpu.memory_space<hbm>>
    %dma_wait3A_573 = arith.constant 0 : i32
    %dma_wait3A_574 = arith.constant 0 : i32
    %dma_wait3A_575 = tpu.memref_slice %arg6[%dma_wait3A_573, %dma_wait3A_574] : memref<72x384xf32, #tpu.memory_space<vmem>> -> memref<64x384xf32, #tpu.memory_space<vmem>>
    tpu.wait_dma2 semaphore(%arg9 : memref<!tpu.dma_semaphore, #tpu.memory_space<semaphore_mem>>) src(%dma_wait3A_575 : memref<64x384xf32, #tpu.memory_space<vmem>>) dst(%dma_wait3A_572 : memref<64x384xf32, #tpu.memory_space<hbm>>)
    %dma_wait3A_576 = arith.constant 0 : i32
    %dma_wait3A_577 = arith.constant 0 : i32
    %dma_wait3A_578 = tpu.memref_slice %arg6[%dma_wait3A_576, %dma_wait3A_577] : memref<72x384xf32, #tpu.memory_space<vmem>> -> memref<64x384xf32, #tpu.memory_space<vmem>>
    %dma_wait3A_579 = arith.constant 320 : i32
    %dma_wait3A_580 = arith.constant 0 : i32
    %dma_wait3A_581 = tpu.memref_slice %arg3[%add3A_219, %dma_wait3A_579, %dma_wait3A_580] : memref<64x384x384xf32, #tpu.memory_space<hbm>> -> memref<1x64x384xf32, #tpu.memory_space<hbm>>
    %dma_wait3A_582 = tpu.memref_squeeze %dma_wait3A_581 : memref<1x64x384xf32, #tpu.memory_space<hbm>> -> memref<64x384xf32, #tpu.memory_space<hbm>>
    %dma_wait3A_583 = arith.constant 320 : i32
    %dma_wait3A_584 = arith.constant 0 : i32
    %dma_wait3A_585 = tpu.memref_slice %arg3[%add3A_219, %dma_wait3A_583, %dma_wait3A_584] : memref<64x384x384xf32, #tpu.memory_space<hbm>> -> memref<1x64x384xf32, #tpu.memory_space<hbm>>
    %dma_wait3A_586 = tpu.memref_squeeze %dma_wait3A_585 : memref<1x64x384xf32, #tpu.memory_space<hbm>> -> memref<64x384xf32, #tpu.memory_space<hbm>>
    %dma_wait3A_587 = arith.constant 0 : i32
    %dma_wait3A_588 = arith.constant 0 : i32
    %dma_wait3A_589 = tpu.memref_slice %arg6[%dma_wait3A_587, %dma_wait3A_588] : memref<72x384xf32, #tpu.memory_space<vmem>> -> memref<64x384xf32, #tpu.memory_space<vmem>>
    tpu.wait_dma2 semaphore(%arg9 : memref<!tpu.dma_semaphore, #tpu.memory_space<semaphore_mem>>) src(%dma_wait3A_589 : memref<64x384xf32, #tpu.memory_space<vmem>>) dst(%dma_wait3A_586 : memref<64x384xf32, #tpu.memory_space<hbm>>)
    %sub3A_590 = arith.constant 5 : i32
    %sub3A_591 = arith.subi %min3A_260, %sub3A_590 : i32
    %add3A_592 = vector.broadcast %sub3A_591 : i32 to vector<16xi32>
    %add3A_593 = arith.addi %div3A_292, %add3A_592 : vector<16xi32>
    %sub3A_594 = arith.constant 5 : i32
    %sub3A_595 = arith.subi %min3A, %sub3A_594 : i32
    %add3A_596 = vector.broadcast %sub3A_595 : i32 to vector<16xi32>
    %add3A_597 = arith.addi %sub3A_296, %add3A_596 : vector<16xi32>
    %lt3A_598 = arith.constant 0 : i32
    %lt3A_599 = vector.broadcast %lt3A_598 : i32 to vector<16xi32>
    %lt3A_600 = arith.cmpi slt, %add3A_597, %lt3A_599 : vector<16xi32>
    %add3A_601 = arith.constant 384 : i32
    %add3A_602 = vector.broadcast %add3A_601 : i32 to vector<16xi32>
    %add3A_603 = arith.addi %add3A_597, %add3A_602 : vector<16xi32>
    %select_n3A = arith.select %lt3A_600, %add3A_603, %add3A_597 : vector<16xi1>, vector<16xi32>
    %ge3A = arith.constant 0 : i32
    %ge3A_604 = vector.broadcast %ge3A : i32 to vector<16xi32>
    %ge3A_605 = arith.cmpi sge, %add3A_593, %ge3A_604 : vector<16xi32>
    %and3A = arith.andi %lt3A_298, %ge3A_605 : vector<16xi1>
    %lt3A_606 = arith.constant 384 : i32
    %lt3A_607 = vector.broadcast %lt3A_606 : i32 to vector<16xi32>
    %lt3A_608 = arith.cmpi slt, %add3A_593, %lt3A_607 : vector<16xi32>
    %and3A_609 = arith.andi %and3A, %lt3A_608 : vector<16xi1>
    %lt3A_610 = arith.constant 384 : i32
    %lt3A_611 = vector.broadcast %lt3A_610 : i32 to vector<16xi32>
    %lt3A_612 = arith.cmpi slt, %add3A_597, %lt3A_611 : vector<16xi32>
    %and3A_613 = arith.andi %and3A_609, %lt3A_612 : vector<16xi1>
    %lt3A_614 = arith.constant 0 : i32
    %lt3A_615 = vector.broadcast %lt3A_614 : i32 to vector<16xi32>
    %lt3A_616 = arith.cmpi slt, %add3A_593, %lt3A_615 : vector<16xi32>
    %and3A_617 = arith.andi %lt3A_298, %lt3A_616 : vector<16xi1>
    %lt3A_618 = arith.constant 384 : i32
    %lt3A_619 = vector.broadcast %lt3A_618 : i32 to vector<16xi32>
    %lt3A_620 = arith.cmpi slt, %add3A_597, %lt3A_619 : vector<16xi32>
    %and3A_621 = arith.andi %and3A_617, %lt3A_620 : vector<16xi1>
    %sub3A_622 = vector.broadcast %multiple_of3A : i32 to vector<16xi32>
    %sub3A_623 = arith.subi %add3A_593, %sub3A_622 : vector<16xi32>
    %add3A_624 = arith.constant 0 : i32
    %add3A_625 = vector.broadcast %add3A_624 : i32 to vector<16xi32>
    %add3A_626 = arith.addi %sub3A_623, %add3A_625 : vector<16xi32>
    %add3A_627 = arith.constant 0 : i32
    %add3A_628 = vector.broadcast %add3A_627 : i32 to vector<16xi32>
    %add3A_629 = arith.addi %add3A_626, %add3A_628 : vector<16xi32>
    %jit3A_630 = arith.constant 0 : i32
    %broadcast_in_dim3A_631 = vector.broadcast %jit3A_630 : i32 to vector<16xi32>
    %select_n3A_632 = arith.select %and3A_613, %add3A_629, %broadcast_in_dim3A_631 : vector<16xi1>, vector<16xi32>
    %or3A = arith.ori %and3A_613, %and3A_621 : vector<16xi1>
    %jit3A_633 = arith.constant 0 : i32
    %broadcast_in_dim3A_634 = vector.broadcast %jit3A_633 : i32 to vector<16xi32>
    %select_n3A_635 = arith.select %or3A, %select_n3A, %broadcast_in_dim3A_634 : vector<16xi1>, vector<16xi32>
    tpu.vector_store_idx %arg6[%select_n3A_632, %select_n3A_635], %get3A_302 masked %and3A_613 : memref<72x384xf32, #tpu.memory_space<vmem>>[vector<16xi32>, vector<16xi32>], vector<16xf32>, vector<16xi1>
    %sub3A_636 = arith.constant 5 : i32
    %sub3A_637 = arith.subi %min3A_260, %sub3A_636 : i32
    %add3A_638 = vector.broadcast %sub3A_637 : i32 to vector<16xi32>
    %add3A_639 = arith.addi %div3A_308, %add3A_638 : vector<16xi32>
    %sub3A_640 = arith.constant 5 : i32
    %sub3A_641 = arith.subi %min3A, %sub3A_640 : i32
    %add3A_642 = vector.broadcast %sub3A_641 : i32 to vector<16xi32>
    %add3A_643 = arith.addi %sub3A_312, %add3A_642 : vector<16xi32>
    %lt3A_644 = arith.constant 0 : i32
    %lt3A_645 = vector.broadcast %lt3A_644 : i32 to vector<16xi32>
    %lt3A_646 = arith.cmpi slt, %add3A_643, %lt3A_645 : vector<16xi32>
    %add3A_647 = arith.constant 384 : i32
    %add3A_648 = vector.broadcast %add3A_647 : i32 to vector<16xi32>
    %add3A_649 = arith.addi %add3A_643, %add3A_648 : vector<16xi32>
    %select_n3A_650 = arith.select %lt3A_646, %add3A_649, %add3A_643 : vector<16xi1>, vector<16xi32>
    %ge3A_651 = arith.constant 0 : i32
    %ge3A_652 = vector.broadcast %ge3A_651 : i32 to vector<16xi32>
    %ge3A_653 = arith.cmpi sge, %add3A_639, %ge3A_652 : vector<16xi32>
    %and3A_654 = arith.andi %lt3A_315, %ge3A_653 : vector<16xi1>
    %lt3A_655 = arith.constant 384 : i32
    %lt3A_656 = vector.broadcast %lt3A_655 : i32 to vector<16xi32>
    %lt3A_657 = arith.cmpi slt, %add3A_639, %lt3A_656 : vector<16xi32>
    %and3A_658 = arith.andi %and3A_654, %lt3A_657 : vector<16xi1>
    %lt3A_659 = arith.constant 384 : i32
    %lt3A_660 = vector.broadcast %lt3A_659 : i32 to vector<16xi32>
    %lt3A_661 = arith.cmpi slt, %add3A_643, %lt3A_660 : vector<16xi32>
    %and3A_662 = arith.andi %and3A_658, %lt3A_661 : vector<16xi1>
    %lt3A_663 = arith.constant 0 : i32
    %lt3A_664 = vector.broadcast %lt3A_663 : i32 to vector<16xi32>
    %lt3A_665 = arith.cmpi slt, %add3A_639, %lt3A_664 : vector<16xi32>
    %and3A_666 = arith.andi %lt3A_315, %lt3A_665 : vector<16xi1>
    %lt3A_667 = arith.constant 384 : i32
    %lt3A_668 = vector.broadcast %lt3A_667 : i32 to vector<16xi32>
    %lt3A_669 = arith.cmpi slt, %add3A_643, %lt3A_668 : vector<16xi32>
    %and3A_670 = arith.andi %and3A_666, %lt3A_669 : vector<16xi1>
    %sub3A_671 = vector.broadcast %multiple_of3A : i32 to vector<16xi32>
    %sub3A_672 = arith.subi %add3A_639, %sub3A_671 : vector<16xi32>
    %add3A_673 = arith.constant 0 : i32
    %add3A_674 = vector.broadcast %add3A_673 : i32 to vector<16xi32>
    %add3A_675 = arith.addi %sub3A_672, %add3A_674 : vector<16xi32>
    %add3A_676 = arith.constant 0 : i32
    %add3A_677 = vector.broadcast %add3A_676 : i32 to vector<16xi32>
    %add3A_678 = arith.addi %add3A_675, %add3A_677 : vector<16xi32>
    %jit3A_679 = arith.constant 0 : i32
    %broadcast_in_dim3A_680 = vector.broadcast %jit3A_679 : i32 to vector<16xi32>
    %select_n3A_681 = arith.select %and3A_662, %add3A_678, %broadcast_in_dim3A_680 : vector<16xi1>, vector<16xi32>
    %or3A_682 = arith.ori %and3A_662, %and3A_670 : vector<16xi1>
    %jit3A_683 = arith.constant 0 : i32
    %broadcast_in_dim3A_684 = vector.broadcast %jit3A_683 : i32 to vector<16xi32>
    %select_n3A_685 = arith.select %or3A_682, %select_n3A_650, %broadcast_in_dim3A_684 : vector<16xi1>, vector<16xi32>
    tpu.vector_store_idx %arg6[%select_n3A_681, %select_n3A_685], %get3A_319 masked %and3A_662 : memref<72x384xf32, #tpu.memory_space<vmem>>[vector<16xi32>, vector<16xi32>], vector<16xf32>, vector<16xi1>
    %sub3A_686 = arith.constant 5 : i32
    %sub3A_687 = arith.subi %min3A_260, %sub3A_686 : i32
    %add3A_688 = vector.broadcast %sub3A_687 : i32 to vector<16xi32>
    %add3A_689 = arith.addi %div3A_325, %add3A_688 : vector<16xi32>
    %sub3A_690 = arith.constant 5 : i32
    %sub3A_691 = arith.subi %min3A, %sub3A_690 : i32
    %add3A_692 = vector.broadcast %sub3A_691 : i32 to vector<16xi32>
    %add3A_693 = arith.addi %sub3A_329, %add3A_692 : vector<16xi32>
    %lt3A_694 = arith.constant 0 : i32
    %lt3A_695 = vector.broadcast %lt3A_694 : i32 to vector<16xi32>
    %lt3A_696 = arith.cmpi slt, %add3A_693, %lt3A_695 : vector<16xi32>
    %add3A_697 = arith.constant 384 : i32
    %add3A_698 = vector.broadcast %add3A_697 : i32 to vector<16xi32>
    %add3A_699 = arith.addi %add3A_693, %add3A_698 : vector<16xi32>
    %select_n3A_700 = arith.select %lt3A_696, %add3A_699, %add3A_693 : vector<16xi1>, vector<16xi32>
    %ge3A_701 = arith.constant 0 : i32
    %ge3A_702 = vector.broadcast %ge3A_701 : i32 to vector<16xi32>
    %ge3A_703 = arith.cmpi sge, %add3A_689, %ge3A_702 : vector<16xi32>
    %and3A_704 = arith.andi %lt3A_332, %ge3A_703 : vector<16xi1>
    %lt3A_705 = arith.constant 384 : i32
    %lt3A_706 = vector.broadcast %lt3A_705 : i32 to vector<16xi32>
    %lt3A_707 = arith.cmpi slt, %add3A_689, %lt3A_706 : vector<16xi32>
    %and3A_708 = arith.andi %and3A_704, %lt3A_707 : vector<16xi1>
    %lt3A_709 = arith.constant 384 : i32
    %lt3A_710 = vector.broadcast %lt3A_709 : i32 to vector<16xi32>
    %lt3A_711 = arith.cmpi slt, %add3A_693, %lt3A_710 : vector<16xi32>
    %and3A_712 = arith.andi %and3A_708, %lt3A_711 : vector<16xi1>
    %lt3A_713 = arith.constant 0 : i32
    %lt3A_714 = vector.broadcast %lt3A_713 : i32 to vector<16xi32>
    %lt3A_715 = arith.cmpi slt, %add3A_689, %lt3A_714 : vector<16xi32>
    %and3A_716 = arith.andi %lt3A_332, %lt3A_715 : vector<16xi1>
    %lt3A_717 = arith.constant 384 : i32
    %lt3A_718 = vector.broadcast %lt3A_717 : i32 to vector<16xi32>
    %lt3A_719 = arith.cmpi slt, %add3A_693, %lt3A_718 : vector<16xi32>
    %and3A_720 = arith.andi %and3A_716, %lt3A_719 : vector<16xi1>
    %sub3A_721 = vector.broadcast %multiple_of3A : i32 to vector<16xi32>
    %sub3A_722 = arith.subi %add3A_689, %sub3A_721 : vector<16xi32>
    %add3A_723 = arith.constant 0 : i32
    %add3A_724 = vector.broadcast %add3A_723 : i32 to vector<16xi32>
    %add3A_725 = arith.addi %sub3A_722, %add3A_724 : vector<16xi32>
    %add3A_726 = arith.constant 0 : i32
    %add3A_727 = vector.broadcast %add3A_726 : i32 to vector<16xi32>
    %add3A_728 = arith.addi %add3A_725, %add3A_727 : vector<16xi32>
    %jit3A_729 = arith.constant 0 : i32
    %broadcast_in_dim3A_730 = vector.broadcast %jit3A_729 : i32 to vector<16xi32>
    %select_n3A_731 = arith.select %and3A_712, %add3A_728, %broadcast_in_dim3A_730 : vector<16xi1>, vector<16xi32>
    %or3A_732 = arith.ori %and3A_712, %and3A_720 : vector<16xi1>
    %jit3A_733 = arith.constant 0 : i32
    %broadcast_in_dim3A_734 = vector.broadcast %jit3A_733 : i32 to vector<16xi32>
    %select_n3A_735 = arith.select %or3A_732, %select_n3A_700, %broadcast_in_dim3A_734 : vector<16xi1>, vector<16xi32>
    tpu.vector_store_idx %arg6[%select_n3A_731, %select_n3A_735], %get3A_336 masked %and3A_712 : memref<72x384xf32, #tpu.memory_space<vmem>>[vector<16xi32>, vector<16xi32>], vector<16xf32>, vector<16xi1>
    %sub3A_736 = arith.constant 5 : i32
    %sub3A_737 = arith.subi %min3A_260, %sub3A_736 : i32
    %add3A_738 = vector.broadcast %sub3A_737 : i32 to vector<16xi32>
    %add3A_739 = arith.addi %div3A_342, %add3A_738 : vector<16xi32>
    %sub3A_740 = arith.constant 5 : i32
    %sub3A_741 = arith.subi %min3A, %sub3A_740 : i32
    %add3A_742 = vector.broadcast %sub3A_741 : i32 to vector<16xi32>
    %add3A_743 = arith.addi %sub3A_346, %add3A_742 : vector<16xi32>
    %lt3A_744 = arith.constant 0 : i32
    %lt3A_745 = vector.broadcast %lt3A_744 : i32 to vector<16xi32>
    %lt3A_746 = arith.cmpi slt, %add3A_743, %lt3A_745 : vector<16xi32>
    %add3A_747 = arith.constant 384 : i32
    %add3A_748 = vector.broadcast %add3A_747 : i32 to vector<16xi32>
    %add3A_749 = arith.addi %add3A_743, %add3A_748 : vector<16xi32>
    %select_n3A_750 = arith.select %lt3A_746, %add3A_749, %add3A_743 : vector<16xi1>, vector<16xi32>
    %ge3A_751 = arith.constant 0 : i32
    %ge3A_752 = vector.broadcast %ge3A_751 : i32 to vector<16xi32>
    %ge3A_753 = arith.cmpi sge, %add3A_739, %ge3A_752 : vector<16xi32>
    %and3A_754 = arith.andi %lt3A_349, %ge3A_753 : vector<16xi1>
    %lt3A_755 = arith.constant 384 : i32
    %lt3A_756 = vector.broadcast %lt3A_755 : i32 to vector<16xi32>
    %lt3A_757 = arith.cmpi slt, %add3A_739, %lt3A_756 : vector<16xi32>
    %and3A_758 = arith.andi %and3A_754, %lt3A_757 : vector<16xi1>
    %lt3A_759 = arith.constant 384 : i32
    %lt3A_760 = vector.broadcast %lt3A_759 : i32 to vector<16xi32>
    %lt3A_761 = arith.cmpi slt, %add3A_743, %lt3A_760 : vector<16xi32>
    %and3A_762 = arith.andi %and3A_758, %lt3A_761 : vector<16xi1>
    %lt3A_763 = arith.constant 0 : i32
    %lt3A_764 = vector.broadcast %lt3A_763 : i32 to vector<16xi32>
    %lt3A_765 = arith.cmpi slt, %add3A_739, %lt3A_764 : vector<16xi32>
    %and3A_766 = arith.andi %lt3A_349, %lt3A_765 : vector<16xi1>
    %lt3A_767 = arith.constant 384 : i32
    %lt3A_768 = vector.broadcast %lt3A_767 : i32 to vector<16xi32>
    %lt3A_769 = arith.cmpi slt, %add3A_743, %lt3A_768 : vector<16xi32>
    %and3A_770 = arith.andi %and3A_766, %lt3A_769 : vector<16xi1>
    %sub3A_771 = vector.broadcast %multiple_of3A : i32 to vector<16xi32>
    %sub3A_772 = arith.subi %add3A_739, %sub3A_771 : vector<16xi32>
    %add3A_773 = arith.constant 0 : i32
    %add3A_774 = vector.broadcast %add3A_773 : i32 to vector<16xi32>
    %add3A_775 = arith.addi %sub3A_772, %add3A_774 : vector<16xi32>
    %add3A_776 = arith.constant 0 : i32
    %add3A_777 = vector.broadcast %add3A_776 : i32 to vector<16xi32>
    %add3A_778 = arith.addi %add3A_775, %add3A_777 : vector<16xi32>
    %jit3A_779 = arith.constant 0 : i32
    %broadcast_in_dim3A_780 = vector.broadcast %jit3A_779 : i32 to vector<16xi32>
    %select_n3A_781 = arith.select %and3A_762, %add3A_778, %broadcast_in_dim3A_780 : vector<16xi1>, vector<16xi32>
    %or3A_782 = arith.ori %and3A_762, %and3A_770 : vector<16xi1>
    %jit3A_783 = arith.constant 0 : i32
    %broadcast_in_dim3A_784 = vector.broadcast %jit3A_783 : i32 to vector<16xi32>
    %select_n3A_785 = arith.select %or3A_782, %select_n3A_750, %broadcast_in_dim3A_784 : vector<16xi1>, vector<16xi32>
    tpu.vector_store_idx %arg6[%select_n3A_781, %select_n3A_785], %get3A_353 masked %and3A_762 : memref<72x384xf32, #tpu.memory_space<vmem>>[vector<16xi32>, vector<16xi32>], vector<16xf32>, vector<16xi1>
    %sub3A_786 = arith.constant 5 : i32
    %sub3A_787 = arith.subi %min3A_260, %sub3A_786 : i32
    %add3A_788 = vector.broadcast %sub3A_787 : i32 to vector<16xi32>
    %add3A_789 = arith.addi %div3A_359, %add3A_788 : vector<16xi32>
    %sub3A_790 = arith.constant 5 : i32
    %sub3A_791 = arith.subi %min3A, %sub3A_790 : i32
    %add3A_792 = vector.broadcast %sub3A_791 : i32 to vector<16xi32>
    %add3A_793 = arith.addi %sub3A_363, %add3A_792 : vector<16xi32>
    %lt3A_794 = arith.constant 0 : i32
    %lt3A_795 = vector.broadcast %lt3A_794 : i32 to vector<16xi32>
    %lt3A_796 = arith.cmpi slt, %add3A_793, %lt3A_795 : vector<16xi32>
    %add3A_797 = arith.constant 384 : i32
    %add3A_798 = vector.broadcast %add3A_797 : i32 to vector<16xi32>
    %add3A_799 = arith.addi %add3A_793, %add3A_798 : vector<16xi32>
    %select_n3A_800 = arith.select %lt3A_796, %add3A_799, %add3A_793 : vector<16xi1>, vector<16xi32>
    %ge3A_801 = arith.constant 0 : i32
    %ge3A_802 = vector.broadcast %ge3A_801 : i32 to vector<16xi32>
    %ge3A_803 = arith.cmpi sge, %add3A_789, %ge3A_802 : vector<16xi32>
    %and3A_804 = arith.andi %lt3A_366, %ge3A_803 : vector<16xi1>
    %lt3A_805 = arith.constant 384 : i32
    %lt3A_806 = vector.broadcast %lt3A_805 : i32 to vector<16xi32>
    %lt3A_807 = arith.cmpi slt, %add3A_789, %lt3A_806 : vector<16xi32>
    %and3A_808 = arith.andi %and3A_804, %lt3A_807 : vector<16xi1>
    %lt3A_809 = arith.constant 384 : i32
    %lt3A_810 = vector.broadcast %lt3A_809 : i32 to vector<16xi32>
    %lt3A_811 = arith.cmpi slt, %add3A_793, %lt3A_810 : vector<16xi32>
    %and3A_812 = arith.andi %and3A_808, %lt3A_811 : vector<16xi1>
    %lt3A_813 = arith.constant 0 : i32
    %lt3A_814 = vector.broadcast %lt3A_813 : i32 to vector<16xi32>
    %lt3A_815 = arith.cmpi slt, %add3A_789, %lt3A_814 : vector<16xi32>
    %and3A_816 = arith.andi %lt3A_366, %lt3A_815 : vector<16xi1>
    %lt3A_817 = arith.constant 384 : i32
    %lt3A_818 = vector.broadcast %lt3A_817 : i32 to vector<16xi32>
    %lt3A_819 = arith.cmpi slt, %add3A_793, %lt3A_818 : vector<16xi32>
    %and3A_820 = arith.andi %and3A_816, %lt3A_819 : vector<16xi1>
    %sub3A_821 = vector.broadcast %multiple_of3A : i32 to vector<16xi32>
    %sub3A_822 = arith.subi %add3A_789, %sub3A_821 : vector<16xi32>
    %add3A_823 = arith.constant 0 : i32
    %add3A_824 = vector.broadcast %add3A_823 : i32 to vector<16xi32>
    %add3A_825 = arith.addi %sub3A_822, %add3A_824 : vector<16xi32>
    %add3A_826 = arith.constant 0 : i32
    %add3A_827 = vector.broadcast %add3A_826 : i32 to vector<16xi32>
    %add3A_828 = arith.addi %add3A_825, %add3A_827 : vector<16xi32>
    %jit3A_829 = arith.constant 0 : i32
    %broadcast_in_dim3A_830 = vector.broadcast %jit3A_829 : i32 to vector<16xi32>
    %select_n3A_831 = arith.select %and3A_812, %add3A_828, %broadcast_in_dim3A_830 : vector<16xi1>, vector<16xi32>
    %or3A_832 = arith.ori %and3A_812, %and3A_820 : vector<16xi1>
    %jit3A_833 = arith.constant 0 : i32
    %broadcast_in_dim3A_834 = vector.broadcast %jit3A_833 : i32 to vector<16xi32>
    %select_n3A_835 = arith.select %or3A_832, %select_n3A_800, %broadcast_in_dim3A_834 : vector<16xi1>, vector<16xi32>
    tpu.vector_store_idx %arg6[%select_n3A_831, %select_n3A_835], %get3A_370 masked %and3A_812 : memref<72x384xf32, #tpu.memory_space<vmem>>[vector<16xi32>, vector<16xi32>], vector<16xf32>, vector<16xi1>
    %sub3A_836 = arith.constant 5 : i32
    %sub3A_837 = arith.subi %min3A_260, %sub3A_836 : i32
    %add3A_838 = vector.broadcast %sub3A_837 : i32 to vector<16xi32>
    %add3A_839 = arith.addi %div3A_376, %add3A_838 : vector<16xi32>
    %sub3A_840 = arith.constant 5 : i32
    %sub3A_841 = arith.subi %min3A, %sub3A_840 : i32
    %add3A_842 = vector.broadcast %sub3A_841 : i32 to vector<16xi32>
    %add3A_843 = arith.addi %sub3A_380, %add3A_842 : vector<16xi32>
    %lt3A_844 = arith.constant 0 : i32
    %lt3A_845 = vector.broadcast %lt3A_844 : i32 to vector<16xi32>
    %lt3A_846 = arith.cmpi slt, %add3A_843, %lt3A_845 : vector<16xi32>
    %add3A_847 = arith.constant 384 : i32
    %add3A_848 = vector.broadcast %add3A_847 : i32 to vector<16xi32>
    %add3A_849 = arith.addi %add3A_843, %add3A_848 : vector<16xi32>
    %select_n3A_850 = arith.select %lt3A_846, %add3A_849, %add3A_843 : vector<16xi1>, vector<16xi32>
    %ge3A_851 = arith.constant 0 : i32
    %ge3A_852 = vector.broadcast %ge3A_851 : i32 to vector<16xi32>
    %ge3A_853 = arith.cmpi sge, %add3A_839, %ge3A_852 : vector<16xi32>
    %and3A_854 = arith.andi %lt3A_383, %ge3A_853 : vector<16xi1>
    %lt3A_855 = arith.constant 384 : i32
    %lt3A_856 = vector.broadcast %lt3A_855 : i32 to vector<16xi32>
    %lt3A_857 = arith.cmpi slt, %add3A_839, %lt3A_856 : vector<16xi32>
    %and3A_858 = arith.andi %and3A_854, %lt3A_857 : vector<16xi1>
    %lt3A_859 = arith.constant 384 : i32
    %lt3A_860 = vector.broadcast %lt3A_859 : i32 to vector<16xi32>
    %lt3A_861 = arith.cmpi slt, %add3A_843, %lt3A_860 : vector<16xi32>
    %and3A_862 = arith.andi %and3A_858, %lt3A_861 : vector<16xi1>
    %lt3A_863 = arith.constant 0 : i32
    %lt3A_864 = vector.broadcast %lt3A_863 : i32 to vector<16xi32>
    %lt3A_865 = arith.cmpi slt, %add3A_839, %lt3A_864 : vector<16xi32>
    %and3A_866 = arith.andi %lt3A_383, %lt3A_865 : vector<16xi1>
    %lt3A_867 = arith.constant 384 : i32
    %lt3A_868 = vector.broadcast %lt3A_867 : i32 to vector<16xi32>
    %lt3A_869 = arith.cmpi slt, %add3A_843, %lt3A_868 : vector<16xi32>
    %and3A_870 = arith.andi %and3A_866, %lt3A_869 : vector<16xi1>
    %sub3A_871 = vector.broadcast %multiple_of3A : i32 to vector<16xi32>
    %sub3A_872 = arith.subi %add3A_839, %sub3A_871 : vector<16xi32>
    %add3A_873 = arith.constant 0 : i32
    %add3A_874 = vector.broadcast %add3A_873 : i32 to vector<16xi32>
    %add3A_875 = arith.addi %sub3A_872, %add3A_874 : vector<16xi32>
    %add3A_876 = arith.constant 0 : i32
    %add3A_877 = vector.broadcast %add3A_876 : i32 to vector<16xi32>
    %add3A_878 = arith.addi %add3A_875, %add3A_877 : vector<16xi32>
    %jit3A_879 = arith.constant 0 : i32
    %broadcast_in_dim3A_880 = vector.broadcast %jit3A_879 : i32 to vector<16xi32>
    %select_n3A_881 = arith.select %and3A_862, %add3A_878, %broadcast_in_dim3A_880 : vector<16xi1>, vector<16xi32>
    %or3A_882 = arith.ori %and3A_862, %and3A_870 : vector<16xi1>
    %jit3A_883 = arith.constant 0 : i32
    %broadcast_in_dim3A_884 = vector.broadcast %jit3A_883 : i32 to vector<16xi32>
    %select_n3A_885 = arith.select %or3A_882, %select_n3A_850, %broadcast_in_dim3A_884 : vector<16xi1>, vector<16xi32>
    tpu.vector_store_idx %arg6[%select_n3A_881, %select_n3A_885], %get3A_387 masked %and3A_862 : memref<72x384xf32, #tpu.memory_space<vmem>>[vector<16xi32>, vector<16xi32>], vector<16xf32>, vector<16xi1>
    %sub3A_886 = arith.constant 5 : i32
    %sub3A_887 = arith.subi %min3A_260, %sub3A_886 : i32
    %add3A_888 = vector.broadcast %sub3A_887 : i32 to vector<16xi32>
    %add3A_889 = arith.addi %div3A_393, %add3A_888 : vector<16xi32>
    %sub3A_890 = arith.constant 5 : i32
    %sub3A_891 = arith.subi %min3A, %sub3A_890 : i32
    %add3A_892 = vector.broadcast %sub3A_891 : i32 to vector<16xi32>
    %add3A_893 = arith.addi %sub3A_397, %add3A_892 : vector<16xi32>
    %lt3A_894 = arith.constant 0 : i32
    %lt3A_895 = vector.broadcast %lt3A_894 : i32 to vector<16xi32>
    %lt3A_896 = arith.cmpi slt, %add3A_893, %lt3A_895 : vector<16xi32>
    %add3A_897 = arith.constant 384 : i32
    %add3A_898 = vector.broadcast %add3A_897 : i32 to vector<16xi32>
    %add3A_899 = arith.addi %add3A_893, %add3A_898 : vector<16xi32>
    %select_n3A_900 = arith.select %lt3A_896, %add3A_899, %add3A_893 : vector<16xi1>, vector<16xi32>
    %ge3A_901 = arith.constant 0 : i32
    %ge3A_902 = vector.broadcast %ge3A_901 : i32 to vector<16xi32>
    %ge3A_903 = arith.cmpi sge, %add3A_889, %ge3A_902 : vector<16xi32>
    %and3A_904 = arith.andi %lt3A_400, %ge3A_903 : vector<16xi1>
    %lt3A_905 = arith.constant 384 : i32
    %lt3A_906 = vector.broadcast %lt3A_905 : i32 to vector<16xi32>
    %lt3A_907 = arith.cmpi slt, %add3A_889, %lt3A_906 : vector<16xi32>
    %and3A_908 = arith.andi %and3A_904, %lt3A_907 : vector<16xi1>
    %lt3A_909 = arith.constant 384 : i32
    %lt3A_910 = vector.broadcast %lt3A_909 : i32 to vector<16xi32>
    %lt3A_911 = arith.cmpi slt, %add3A_893, %lt3A_910 : vector<16xi32>
    %and3A_912 = arith.andi %and3A_908, %lt3A_911 : vector<16xi1>
    %lt3A_913 = arith.constant 0 : i32
    %lt3A_914 = vector.broadcast %lt3A_913 : i32 to vector<16xi32>
    %lt3A_915 = arith.cmpi slt, %add3A_889, %lt3A_914 : vector<16xi32>
    %and3A_916 = arith.andi %lt3A_400, %lt3A_915 : vector<16xi1>
    %lt3A_917 = arith.constant 384 : i32
    %lt3A_918 = vector.broadcast %lt3A_917 : i32 to vector<16xi32>
    %lt3A_919 = arith.cmpi slt, %add3A_893, %lt3A_918 : vector<16xi32>
    %and3A_920 = arith.andi %and3A_916, %lt3A_919 : vector<16xi1>
    %sub3A_921 = vector.broadcast %multiple_of3A : i32 to vector<16xi32>
    %sub3A_922 = arith.subi %add3A_889, %sub3A_921 : vector<16xi32>
    %add3A_923 = arith.constant 0 : i32
    %add3A_924 = vector.broadcast %add3A_923 : i32 to vector<16xi32>
    %add3A_925 = arith.addi %sub3A_922, %add3A_924 : vector<16xi32>
    %add3A_926 = arith.constant 0 : i32
    %add3A_927 = vector.broadcast %add3A_926 : i32 to vector<16xi32>
    %add3A_928 = arith.addi %add3A_925, %add3A_927 : vector<16xi32>
    %jit3A_929 = arith.constant 0 : i32
    %broadcast_in_dim3A_930 = vector.broadcast %jit3A_929 : i32 to vector<16xi32>
    %select_n3A_931 = arith.select %and3A_912, %add3A_928, %broadcast_in_dim3A_930 : vector<16xi1>, vector<16xi32>
    %or3A_932 = arith.ori %and3A_912, %and3A_920 : vector<16xi1>
    %jit3A_933 = arith.constant 0 : i32
    %broadcast_in_dim3A_934 = vector.broadcast %jit3A_933 : i32 to vector<16xi32>
    %select_n3A_935 = arith.select %or3A_932, %select_n3A_900, %broadcast_in_dim3A_934 : vector<16xi1>, vector<16xi32>
    tpu.vector_store_idx %arg6[%select_n3A_931, %select_n3A_935], %get3A_404 masked %and3A_912 : memref<72x384xf32, #tpu.memory_space<vmem>>[vector<16xi32>, vector<16xi32>], vector<16xf32>, vector<16xi1>
    %sub3A_936 = arith.constant 5 : i32
    %sub3A_937 = arith.subi %min3A_260, %sub3A_936 : i32
    %add3A_938 = vector.broadcast %sub3A_937 : i32 to vector<16xi32>
    %add3A_939 = arith.addi %div3A_410, %add3A_938 : vector<16xi32>
    %sub3A_940 = arith.constant 5 : i32
    %sub3A_941 = arith.subi %min3A, %sub3A_940 : i32
    %add3A_942 = vector.broadcast %sub3A_941 : i32 to vector<16xi32>
    %add3A_943 = arith.addi %sub3A_414, %add3A_942 : vector<16xi32>
    %lt3A_944 = arith.constant 0 : i32
    %lt3A_945 = vector.broadcast %lt3A_944 : i32 to vector<16xi32>
    %lt3A_946 = arith.cmpi slt, %add3A_943, %lt3A_945 : vector<16xi32>
    %add3A_947 = arith.constant 384 : i32
    %add3A_948 = vector.broadcast %add3A_947 : i32 to vector<16xi32>
    %add3A_949 = arith.addi %add3A_943, %add3A_948 : vector<16xi32>
    %select_n3A_950 = arith.select %lt3A_946, %add3A_949, %add3A_943 : vector<16xi1>, vector<16xi32>
    %ge3A_951 = arith.constant 0 : i32
    %ge3A_952 = vector.broadcast %ge3A_951 : i32 to vector<16xi32>
    %ge3A_953 = arith.cmpi sge, %add3A_939, %ge3A_952 : vector<16xi32>
    %and3A_954 = arith.andi %lt3A_417, %ge3A_953 : vector<16xi1>
    %lt3A_955 = arith.constant 384 : i32
    %lt3A_956 = vector.broadcast %lt3A_955 : i32 to vector<16xi32>
    %lt3A_957 = arith.cmpi slt, %add3A_939, %lt3A_956 : vector<16xi32>
    %and3A_958 = arith.andi %and3A_954, %lt3A_957 : vector<16xi1>
    %lt3A_959 = arith.constant 384 : i32
    %lt3A_960 = vector.broadcast %lt3A_959 : i32 to vector<16xi32>
    %lt3A_961 = arith.cmpi slt, %add3A_943, %lt3A_960 : vector<16xi32>
    %and3A_962 = arith.andi %and3A_958, %lt3A_961 : vector<16xi1>
    %lt3A_963 = arith.constant 0 : i32
    %lt3A_964 = vector.broadcast %lt3A_963 : i32 to vector<16xi32>
    %lt3A_965 = arith.cmpi slt, %add3A_939, %lt3A_964 : vector<16xi32>
    %and3A_966 = arith.andi %lt3A_417, %lt3A_965 : vector<16xi1>
    %lt3A_967 = arith.constant 384 : i32
    %lt3A_968 = vector.broadcast %lt3A_967 : i32 to vector<16xi32>
    %lt3A_969 = arith.cmpi slt, %add3A_943, %lt3A_968 : vector<16xi32>
    %and3A_970 = arith.andi %and3A_966, %lt3A_969 : vector<16xi1>
    %sub3A_971 = vector.broadcast %multiple_of3A : i32 to vector<16xi32>
    %sub3A_972 = arith.subi %add3A_939, %sub3A_971 : vector<16xi32>
    %add3A_973 = arith.constant 0 : i32
    %add3A_974 = vector.broadcast %add3A_973 : i32 to vector<16xi32>
    %add3A_975 = arith.addi %sub3A_972, %add3A_974 : vector<16xi32>
    %add3A_976 = arith.constant 0 : i32
    %add3A_977 = vector.broadcast %add3A_976 : i32 to vector<16xi32>
    %add3A_978 = arith.addi %add3A_975, %add3A_977 : vector<16xi32>
    %jit3A_979 = arith.constant 0 : i32
    %broadcast_in_dim3A_980 = vector.broadcast %jit3A_979 : i32 to vector<16xi32>
    %select_n3A_981 = arith.select %and3A_962, %add3A_978, %broadcast_in_dim3A_980 : vector<16xi1>, vector<16xi32>
    %or3A_982 = arith.ori %and3A_962, %and3A_970 : vector<16xi1>
    %jit3A_983 = arith.constant 0 : i32
    %broadcast_in_dim3A_984 = vector.broadcast %jit3A_983 : i32 to vector<16xi32>
    %select_n3A_985 = arith.select %or3A_982, %select_n3A_950, %broadcast_in_dim3A_984 : vector<16xi1>, vector<16xi32>
    tpu.vector_store_idx %arg6[%select_n3A_981, %select_n3A_985], %get3A_421 masked %and3A_962 : memref<72x384xf32, #tpu.memory_space<vmem>>[vector<16xi32>, vector<16xi32>], vector<16xf32>, vector<16xi1>
    %sub3A_986 = arith.constant 5 : i32
    %sub3A_987 = arith.subi %min3A_267, %sub3A_986 : i32
    %add3A_988 = vector.broadcast %sub3A_987 : i32 to vector<16xi32>
    %add3A_989 = arith.addi %div3A_292, %add3A_988 : vector<16xi32>
    %sub3A_990 = arith.constant 5 : i32
    %sub3A_991 = arith.subi %min3A_253, %sub3A_990 : i32
    %add3A_992 = vector.broadcast %sub3A_991 : i32 to vector<16xi32>
    %add3A_993 = arith.addi %sub3A_296, %add3A_992 : vector<16xi32>
    %lt3A_994 = arith.constant 0 : i32
    %lt3A_995 = vector.broadcast %lt3A_994 : i32 to vector<16xi32>
    %lt3A_996 = arith.cmpi slt, %add3A_993, %lt3A_995 : vector<16xi32>
    %add3A_997 = arith.constant 384 : i32
    %add3A_998 = vector.broadcast %add3A_997 : i32 to vector<16xi32>
    %add3A_999 = arith.addi %add3A_993, %add3A_998 : vector<16xi32>
    %select_n3A_1000 = arith.select %lt3A_996, %add3A_999, %add3A_993 : vector<16xi1>, vector<16xi32>
    %ge3A_1001 = arith.constant 0 : i32
    %ge3A_1002 = vector.broadcast %ge3A_1001 : i32 to vector<16xi32>
    %ge3A_1003 = arith.cmpi sge, %add3A_989, %ge3A_1002 : vector<16xi32>
    %and3A_1004 = arith.andi %lt3A_298, %ge3A_1003 : vector<16xi1>
    %lt3A_1005 = arith.constant 384 : i32
    %lt3A_1006 = vector.broadcast %lt3A_1005 : i32 to vector<16xi32>
    %lt3A_1007 = arith.cmpi slt, %add3A_989, %lt3A_1006 : vector<16xi32>
    %and3A_1008 = arith.andi %and3A_1004, %lt3A_1007 : vector<16xi1>
    %lt3A_1009 = arith.constant 384 : i32
    %lt3A_1010 = vector.broadcast %lt3A_1009 : i32 to vector<16xi32>
    %lt3A_1011 = arith.cmpi slt, %add3A_993, %lt3A_1010 : vector<16xi32>
    %and3A_1012 = arith.andi %and3A_1008, %lt3A_1011 : vector<16xi1>
    %lt3A_1013 = arith.constant 0 : i32
    %lt3A_1014 = vector.broadcast %lt3A_1013 : i32 to vector<16xi32>
    %lt3A_1015 = arith.cmpi slt, %add3A_989, %lt3A_1014 : vector<16xi32>
    %and3A_1016 = arith.andi %lt3A_298, %lt3A_1015 : vector<16xi1>
    %lt3A_1017 = arith.constant 384 : i32
    %lt3A_1018 = vector.broadcast %lt3A_1017 : i32 to vector<16xi32>
    %lt3A_1019 = arith.cmpi slt, %add3A_993, %lt3A_1018 : vector<16xi32>
    %and3A_1020 = arith.andi %and3A_1016, %lt3A_1019 : vector<16xi1>
    %sub3A_1021 = vector.broadcast %multiple_of3A_286 : i32 to vector<16xi32>
    %sub3A_1022 = arith.subi %add3A_989, %sub3A_1021 : vector<16xi32>
    %add3A_1023 = arith.constant 0 : i32
    %add3A_1024 = vector.broadcast %add3A_1023 : i32 to vector<16xi32>
    %add3A_1025 = arith.addi %sub3A_1022, %add3A_1024 : vector<16xi32>
    %add3A_1026 = arith.constant 24 : i32
    %add3A_1027 = vector.broadcast %add3A_1026 : i32 to vector<16xi32>
    %add3A_1028 = arith.addi %add3A_1025, %add3A_1027 : vector<16xi32>
    %jit3A_1029 = arith.constant 24 : i32
    %broadcast_in_dim3A_1030 = vector.broadcast %jit3A_1029 : i32 to vector<16xi32>
    %select_n3A_1031 = arith.select %and3A_1012, %add3A_1028, %broadcast_in_dim3A_1030 : vector<16xi1>, vector<16xi32>
    %or3A_1032 = arith.ori %and3A_1012, %and3A_1020 : vector<16xi1>
    %jit3A_1033 = arith.constant 0 : i32
    %broadcast_in_dim3A_1034 = vector.broadcast %jit3A_1033 : i32 to vector<16xi32>
    %select_n3A_1035 = arith.select %or3A_1032, %select_n3A_1000, %broadcast_in_dim3A_1034 : vector<16xi1>, vector<16xi32>
    tpu.vector_store_idx %arg6[%select_n3A_1031, %select_n3A_1035], %get3A_302 masked %and3A_1012 : memref<72x384xf32, #tpu.memory_space<vmem>>[vector<16xi32>, vector<16xi32>], vector<16xf32>, vector<16xi1>
    %sub3A_1036 = arith.constant 5 : i32
    %sub3A_1037 = arith.subi %min3A_267, %sub3A_1036 : i32
    %add3A_1038 = vector.broadcast %sub3A_1037 : i32 to vector<16xi32>
    %add3A_1039 = arith.addi %div3A_308, %add3A_1038 : vector<16xi32>
    %sub3A_1040 = arith.constant 5 : i32
    %sub3A_1041 = arith.subi %min3A_253, %sub3A_1040 : i32
    %add3A_1042 = vector.broadcast %sub3A_1041 : i32 to vector<16xi32>
    %add3A_1043 = arith.addi %sub3A_312, %add3A_1042 : vector<16xi32>
    %lt3A_1044 = arith.constant 0 : i32
    %lt3A_1045 = vector.broadcast %lt3A_1044 : i32 to vector<16xi32>
    %lt3A_1046 = arith.cmpi slt, %add3A_1043, %lt3A_1045 : vector<16xi32>
    %add3A_1047 = arith.constant 384 : i32
    %add3A_1048 = vector.broadcast %add3A_1047 : i32 to vector<16xi32>
    %add3A_1049 = arith.addi %add3A_1043, %add3A_1048 : vector<16xi32>
    %select_n3A_1050 = arith.select %lt3A_1046, %add3A_1049, %add3A_1043 : vector<16xi1>, vector<16xi32>
    %ge3A_1051 = arith.constant 0 : i32
    %ge3A_1052 = vector.broadcast %ge3A_1051 : i32 to vector<16xi32>
    %ge3A_1053 = arith.cmpi sge, %add3A_1039, %ge3A_1052 : vector<16xi32>
    %and3A_1054 = arith.andi %lt3A_315, %ge3A_1053 : vector<16xi1>
    %lt3A_1055 = arith.constant 384 : i32
    %lt3A_1056 = vector.broadcast %lt3A_1055 : i32 to vector<16xi32>
    %lt3A_1057 = arith.cmpi slt, %add3A_1039, %lt3A_1056 : vector<16xi32>
    %and3A_1058 = arith.andi %and3A_1054, %lt3A_1057 : vector<16xi1>
    %lt3A_1059 = arith.constant 384 : i32
    %lt3A_1060 = vector.broadcast %lt3A_1059 : i32 to vector<16xi32>
    %lt3A_1061 = arith.cmpi slt, %add3A_1043, %lt3A_1060 : vector<16xi32>
    %and3A_1062 = arith.andi %and3A_1058, %lt3A_1061 : vector<16xi1>
    %lt3A_1063 = arith.constant 0 : i32
    %lt3A_1064 = vector.broadcast %lt3A_1063 : i32 to vector<16xi32>
    %lt3A_1065 = arith.cmpi slt, %add3A_1039, %lt3A_1064 : vector<16xi32>
    %and3A_1066 = arith.andi %lt3A_315, %lt3A_1065 : vector<16xi1>
    %lt3A_1067 = arith.constant 384 : i32
    %lt3A_1068 = vector.broadcast %lt3A_1067 : i32 to vector<16xi32>
    %lt3A_1069 = arith.cmpi slt, %add3A_1043, %lt3A_1068 : vector<16xi32>
    %and3A_1070 = arith.andi %and3A_1066, %lt3A_1069 : vector<16xi1>
    %sub3A_1071 = vector.broadcast %multiple_of3A_286 : i32 to vector<16xi32>
    %sub3A_1072 = arith.subi %add3A_1039, %sub3A_1071 : vector<16xi32>
    %add3A_1073 = arith.constant 0 : i32
    %add3A_1074 = vector.broadcast %add3A_1073 : i32 to vector<16xi32>
    %add3A_1075 = arith.addi %sub3A_1072, %add3A_1074 : vector<16xi32>
    %add3A_1076 = arith.constant 24 : i32
    %add3A_1077 = vector.broadcast %add3A_1076 : i32 to vector<16xi32>
    %add3A_1078 = arith.addi %add3A_1075, %add3A_1077 : vector<16xi32>
    %jit3A_1079 = arith.constant 24 : i32
    %broadcast_in_dim3A_1080 = vector.broadcast %jit3A_1079 : i32 to vector<16xi32>
    %select_n3A_1081 = arith.select %and3A_1062, %add3A_1078, %broadcast_in_dim3A_1080 : vector<16xi1>, vector<16xi32>
    %or3A_1082 = arith.ori %and3A_1062, %and3A_1070 : vector<16xi1>
    %jit3A_1083 = arith.constant 0 : i32
    %broadcast_in_dim3A_1084 = vector.broadcast %jit3A_1083 : i32 to vector<16xi32>
    %select_n3A_1085 = arith.select %or3A_1082, %select_n3A_1050, %broadcast_in_dim3A_1084 : vector<16xi1>, vector<16xi32>
    tpu.vector_store_idx %arg6[%select_n3A_1081, %select_n3A_1085], %get3A_319 masked %and3A_1062 : memref<72x384xf32, #tpu.memory_space<vmem>>[vector<16xi32>, vector<16xi32>], vector<16xf32>, vector<16xi1>
    %sub3A_1086 = arith.constant 5 : i32
    %sub3A_1087 = arith.subi %min3A_267, %sub3A_1086 : i32
    %add3A_1088 = vector.broadcast %sub3A_1087 : i32 to vector<16xi32>
    %add3A_1089 = arith.addi %div3A_325, %add3A_1088 : vector<16xi32>
    %sub3A_1090 = arith.constant 5 : i32
    %sub3A_1091 = arith.subi %min3A_253, %sub3A_1090 : i32
    %add3A_1092 = vector.broadcast %sub3A_1091 : i32 to vector<16xi32>
    %add3A_1093 = arith.addi %sub3A_329, %add3A_1092 : vector<16xi32>
    %lt3A_1094 = arith.constant 0 : i32
    %lt3A_1095 = vector.broadcast %lt3A_1094 : i32 to vector<16xi32>
    %lt3A_1096 = arith.cmpi slt, %add3A_1093, %lt3A_1095 : vector<16xi32>
    %add3A_1097 = arith.constant 384 : i32
    %add3A_1098 = vector.broadcast %add3A_1097 : i32 to vector<16xi32>
    %add3A_1099 = arith.addi %add3A_1093, %add3A_1098 : vector<16xi32>
    %select_n3A_1100 = arith.select %lt3A_1096, %add3A_1099, %add3A_1093 : vector<16xi1>, vector<16xi32>
    %ge3A_1101 = arith.constant 0 : i32
    %ge3A_1102 = vector.broadcast %ge3A_1101 : i32 to vector<16xi32>
    %ge3A_1103 = arith.cmpi sge, %add3A_1089, %ge3A_1102 : vector<16xi32>
    %and3A_1104 = arith.andi %lt3A_332, %ge3A_1103 : vector<16xi1>
    %lt3A_1105 = arith.constant 384 : i32
    %lt3A_1106 = vector.broadcast %lt3A_1105 : i32 to vector<16xi32>
    %lt3A_1107 = arith.cmpi slt, %add3A_1089, %lt3A_1106 : vector<16xi32>
    %and3A_1108 = arith.andi %and3A_1104, %lt3A_1107 : vector<16xi1>
    %lt3A_1109 = arith.constant 384 : i32
    %lt3A_1110 = vector.broadcast %lt3A_1109 : i32 to vector<16xi32>
    %lt3A_1111 = arith.cmpi slt, %add3A_1093, %lt3A_1110 : vector<16xi32>
    %and3A_1112 = arith.andi %and3A_1108, %lt3A_1111 : vector<16xi1>
    %lt3A_1113 = arith.constant 0 : i32
    %lt3A_1114 = vector.broadcast %lt3A_1113 : i32 to vector<16xi32>
    %lt3A_1115 = arith.cmpi slt, %add3A_1089, %lt3A_1114 : vector<16xi32>
    %and3A_1116 = arith.andi %lt3A_332, %lt3A_1115 : vector<16xi1>
    %lt3A_1117 = arith.constant 384 : i32
    %lt3A_1118 = vector.broadcast %lt3A_1117 : i32 to vector<16xi32>
    %lt3A_1119 = arith.cmpi slt, %add3A_1093, %lt3A_1118 : vector<16xi32>
    %and3A_1120 = arith.andi %and3A_1116, %lt3A_1119 : vector<16xi1>
    %sub3A_1121 = vector.broadcast %multiple_of3A_286 : i32 to vector<16xi32>
    %sub3A_1122 = arith.subi %add3A_1089, %sub3A_1121 : vector<16xi32>
    %add3A_1123 = arith.constant 0 : i32
    %add3A_1124 = vector.broadcast %add3A_1123 : i32 to vector<16xi32>
    %add3A_1125 = arith.addi %sub3A_1122, %add3A_1124 : vector<16xi32>
    %add3A_1126 = arith.constant 24 : i32
    %add3A_1127 = vector.broadcast %add3A_1126 : i32 to vector<16xi32>
    %add3A_1128 = arith.addi %add3A_1125, %add3A_1127 : vector<16xi32>
    %jit3A_1129 = arith.constant 24 : i32
    %broadcast_in_dim3A_1130 = vector.broadcast %jit3A_1129 : i32 to vector<16xi32>
    %select_n3A_1131 = arith.select %and3A_1112, %add3A_1128, %broadcast_in_dim3A_1130 : vector<16xi1>, vector<16xi32>
    %or3A_1132 = arith.ori %and3A_1112, %and3A_1120 : vector<16xi1>
    %jit3A_1133 = arith.constant 0 : i32
    %broadcast_in_dim3A_1134 = vector.broadcast %jit3A_1133 : i32 to vector<16xi32>
    %select_n3A_1135 = arith.select %or3A_1132, %select_n3A_1100, %broadcast_in_dim3A_1134 : vector<16xi1>, vector<16xi32>
    tpu.vector_store_idx %arg6[%select_n3A_1131, %select_n3A_1135], %get3A_336 masked %and3A_1112 : memref<72x384xf32, #tpu.memory_space<vmem>>[vector<16xi32>, vector<16xi32>], vector<16xf32>, vector<16xi1>
    %sub3A_1136 = arith.constant 5 : i32
    %sub3A_1137 = arith.subi %min3A_267, %sub3A_1136 : i32
    %add3A_1138 = vector.broadcast %sub3A_1137 : i32 to vector<16xi32>
    %add3A_1139 = arith.addi %div3A_342, %add3A_1138 : vector<16xi32>
    %sub3A_1140 = arith.constant 5 : i32
    %sub3A_1141 = arith.subi %min3A_253, %sub3A_1140 : i32
    %add3A_1142 = vector.broadcast %sub3A_1141 : i32 to vector<16xi32>
    %add3A_1143 = arith.addi %sub3A_346, %add3A_1142 : vector<16xi32>
    %lt3A_1144 = arith.constant 0 : i32
    %lt3A_1145 = vector.broadcast %lt3A_1144 : i32 to vector<16xi32>
    %lt3A_1146 = arith.cmpi slt, %add3A_1143, %lt3A_1145 : vector<16xi32>
    %add3A_1147 = arith.constant 384 : i32
    %add3A_1148 = vector.broadcast %add3A_1147 : i32 to vector<16xi32>
    %add3A_1149 = arith.addi %add3A_1143, %add3A_1148 : vector<16xi32>
    %select_n3A_1150 = arith.select %lt3A_1146, %add3A_1149, %add3A_1143 : vector<16xi1>, vector<16xi32>
    %ge3A_1151 = arith.constant 0 : i32
    %ge3A_1152 = vector.broadcast %ge3A_1151 : i32 to vector<16xi32>
    %ge3A_1153 = arith.cmpi sge, %add3A_1139, %ge3A_1152 : vector<16xi32>
    %and3A_1154 = arith.andi %lt3A_349, %ge3A_1153 : vector<16xi1>
    %lt3A_1155 = arith.constant 384 : i32
    %lt3A_1156 = vector.broadcast %lt3A_1155 : i32 to vector<16xi32>
    %lt3A_1157 = arith.cmpi slt, %add3A_1139, %lt3A_1156 : vector<16xi32>
    %and3A_1158 = arith.andi %and3A_1154, %lt3A_1157 : vector<16xi1>
    %lt3A_1159 = arith.constant 384 : i32
    %lt3A_1160 = vector.broadcast %lt3A_1159 : i32 to vector<16xi32>
    %lt3A_1161 = arith.cmpi slt, %add3A_1143, %lt3A_1160 : vector<16xi32>
    %and3A_1162 = arith.andi %and3A_1158, %lt3A_1161 : vector<16xi1>
    %lt3A_1163 = arith.constant 0 : i32
    %lt3A_1164 = vector.broadcast %lt3A_1163 : i32 to vector<16xi32>
    %lt3A_1165 = arith.cmpi slt, %add3A_1139, %lt3A_1164 : vector<16xi32>
    %and3A_1166 = arith.andi %lt3A_349, %lt3A_1165 : vector<16xi1>
    %lt3A_1167 = arith.constant 384 : i32
    %lt3A_1168 = vector.broadcast %lt3A_1167 : i32 to vector<16xi32>
    %lt3A_1169 = arith.cmpi slt, %add3A_1143, %lt3A_1168 : vector<16xi32>
    %and3A_1170 = arith.andi %and3A_1166, %lt3A_1169 : vector<16xi1>
    %sub3A_1171 = vector.broadcast %multiple_of3A_286 : i32 to vector<16xi32>
    %sub3A_1172 = arith.subi %add3A_1139, %sub3A_1171 : vector<16xi32>
    %add3A_1173 = arith.constant 0 : i32
    %add3A_1174 = vector.broadcast %add3A_1173 : i32 to vector<16xi32>
    %add3A_1175 = arith.addi %sub3A_1172, %add3A_1174 : vector<16xi32>
    %add3A_1176 = arith.constant 24 : i32
    %add3A_1177 = vector.broadcast %add3A_1176 : i32 to vector<16xi32>
    %add3A_1178 = arith.addi %add3A_1175, %add3A_1177 : vector<16xi32>
    %jit3A_1179 = arith.constant 24 : i32
    %broadcast_in_dim3A_1180 = vector.broadcast %jit3A_1179 : i32 to vector<16xi32>
    %select_n3A_1181 = arith.select %and3A_1162, %add3A_1178, %broadcast_in_dim3A_1180 : vector<16xi1>, vector<16xi32>
    %or3A_1182 = arith.ori %and3A_1162, %and3A_1170 : vector<16xi1>
    %jit3A_1183 = arith.constant 0 : i32
    %broadcast_in_dim3A_1184 = vector.broadcast %jit3A_1183 : i32 to vector<16xi32>
    %select_n3A_1185 = arith.select %or3A_1182, %select_n3A_1150, %broadcast_in_dim3A_1184 : vector<16xi1>, vector<16xi32>
    tpu.vector_store_idx %arg6[%select_n3A_1181, %select_n3A_1185], %get3A_353 masked %and3A_1162 : memref<72x384xf32, #tpu.memory_space<vmem>>[vector<16xi32>, vector<16xi32>], vector<16xf32>, vector<16xi1>
    %sub3A_1186 = arith.constant 5 : i32
    %sub3A_1187 = arith.subi %min3A_267, %sub3A_1186 : i32
    %add3A_1188 = vector.broadcast %sub3A_1187 : i32 to vector<16xi32>
    %add3A_1189 = arith.addi %div3A_359, %add3A_1188 : vector<16xi32>
    %sub3A_1190 = arith.constant 5 : i32
    %sub3A_1191 = arith.subi %min3A_253, %sub3A_1190 : i32
    %add3A_1192 = vector.broadcast %sub3A_1191 : i32 to vector<16xi32>
    %add3A_1193 = arith.addi %sub3A_363, %add3A_1192 : vector<16xi32>
    %lt3A_1194 = arith.constant 0 : i32
    %lt3A_1195 = vector.broadcast %lt3A_1194 : i32 to vector<16xi32>
    %lt3A_1196 = arith.cmpi slt, %add3A_1193, %lt3A_1195 : vector<16xi32>
    %add3A_1197 = arith.constant 384 : i32
    %add3A_1198 = vector.broadcast %add3A_1197 : i32 to vector<16xi32>
    %add3A_1199 = arith.addi %add3A_1193, %add3A_1198 : vector<16xi32>
    %select_n3A_1200 = arith.select %lt3A_1196, %add3A_1199, %add3A_1193 : vector<16xi1>, vector<16xi32>
    %ge3A_1201 = arith.constant 0 : i32
    %ge3A_1202 = vector.broadcast %ge3A_1201 : i32 to vector<16xi32>
    %ge3A_1203 = arith.cmpi sge, %add3A_1189, %ge3A_1202 : vector<16xi32>
    %and3A_1204 = arith.andi %lt3A_366, %ge3A_1203 : vector<16xi1>
    %lt3A_1205 = arith.constant 384 : i32
    %lt3A_1206 = vector.broadcast %lt3A_1205 : i32 to vector<16xi32>
    %lt3A_1207 = arith.cmpi slt, %add3A_1189, %lt3A_1206 : vector<16xi32>
    %and3A_1208 = arith.andi %and3A_1204, %lt3A_1207 : vector<16xi1>
    %lt3A_1209 = arith.constant 384 : i32
    %lt3A_1210 = vector.broadcast %lt3A_1209 : i32 to vector<16xi32>
    %lt3A_1211 = arith.cmpi slt, %add3A_1193, %lt3A_1210 : vector<16xi32>
    %and3A_1212 = arith.andi %and3A_1208, %lt3A_1211 : vector<16xi1>
    %lt3A_1213 = arith.constant 0 : i32
    %lt3A_1214 = vector.broadcast %lt3A_1213 : i32 to vector<16xi32>
    %lt3A_1215 = arith.cmpi slt, %add3A_1189, %lt3A_1214 : vector<16xi32>
    %and3A_1216 = arith.andi %lt3A_366, %lt3A_1215 : vector<16xi1>
    %lt3A_1217 = arith.constant 384 : i32
    %lt3A_1218 = vector.broadcast %lt3A_1217 : i32 to vector<16xi32>
    %lt3A_1219 = arith.cmpi slt, %add3A_1193, %lt3A_1218 : vector<16xi32>
    %and3A_1220 = arith.andi %and3A_1216, %lt3A_1219 : vector<16xi1>
    %sub3A_1221 = vector.broadcast %multiple_of3A_286 : i32 to vector<16xi32>
    %sub3A_1222 = arith.subi %add3A_1189, %sub3A_1221 : vector<16xi32>
    %add3A_1223 = arith.constant 0 : i32
    %add3A_1224 = vector.broadcast %add3A_1223 : i32 to vector<16xi32>
    %add3A_1225 = arith.addi %sub3A_1222, %add3A_1224 : vector<16xi32>
    %add3A_1226 = arith.constant 24 : i32
    %add3A_1227 = vector.broadcast %add3A_1226 : i32 to vector<16xi32>
    %add3A_1228 = arith.addi %add3A_1225, %add3A_1227 : vector<16xi32>
    %jit3A_1229 = arith.constant 24 : i32
    %broadcast_in_dim3A_1230 = vector.broadcast %jit3A_1229 : i32 to vector<16xi32>
    %select_n3A_1231 = arith.select %and3A_1212, %add3A_1228, %broadcast_in_dim3A_1230 : vector<16xi1>, vector<16xi32>
    %or3A_1232 = arith.ori %and3A_1212, %and3A_1220 : vector<16xi1>
    %jit3A_1233 = arith.constant 0 : i32
    %broadcast_in_dim3A_1234 = vector.broadcast %jit3A_1233 : i32 to vector<16xi32>
    %select_n3A_1235 = arith.select %or3A_1232, %select_n3A_1200, %broadcast_in_dim3A_1234 : vector<16xi1>, vector<16xi32>
    tpu.vector_store_idx %arg6[%select_n3A_1231, %select_n3A_1235], %get3A_370 masked %and3A_1212 : memref<72x384xf32, #tpu.memory_space<vmem>>[vector<16xi32>, vector<16xi32>], vector<16xf32>, vector<16xi1>
    %sub3A_1236 = arith.constant 5 : i32
    %sub3A_1237 = arith.subi %min3A_267, %sub3A_1236 : i32
    %add3A_1238 = vector.broadcast %sub3A_1237 : i32 to vector<16xi32>
    %add3A_1239 = arith.addi %div3A_376, %add3A_1238 : vector<16xi32>
    %sub3A_1240 = arith.constant 5 : i32
    %sub3A_1241 = arith.subi %min3A_253, %sub3A_1240 : i32
    %add3A_1242 = vector.broadcast %sub3A_1241 : i32 to vector<16xi32>
    %add3A_1243 = arith.addi %sub3A_380, %add3A_1242 : vector<16xi32>
    %lt3A_1244 = arith.constant 0 : i32
    %lt3A_1245 = vector.broadcast %lt3A_1244 : i32 to vector<16xi32>
    %lt3A_1246 = arith.cmpi slt, %add3A_1243, %lt3A_1245 : vector<16xi32>
    %add3A_1247 = arith.constant 384 : i32
    %add3A_1248 = vector.broadcast %add3A_1247 : i32 to vector<16xi32>
    %add3A_1249 = arith.addi %add3A_1243, %add3A_1248 : vector<16xi32>
    %select_n3A_1250 = arith.select %lt3A_1246, %add3A_1249, %add3A_1243 : vector<16xi1>, vector<16xi32>
    %ge3A_1251 = arith.constant 0 : i32
    %ge3A_1252 = vector.broadcast %ge3A_1251 : i32 to vector<16xi32>
    %ge3A_1253 = arith.cmpi sge, %add3A_1239, %ge3A_1252 : vector<16xi32>
    %and3A_1254 = arith.andi %lt3A_383, %ge3A_1253 : vector<16xi1>
    %lt3A_1255 = arith.constant 384 : i32
    %lt3A_1256 = vector.broadcast %lt3A_1255 : i32 to vector<16xi32>
    %lt3A_1257 = arith.cmpi slt, %add3A_1239, %lt3A_1256 : vector<16xi32>
    %and3A_1258 = arith.andi %and3A_1254, %lt3A_1257 : vector<16xi1>
    %lt3A_1259 = arith.constant 384 : i32
    %lt3A_1260 = vector.broadcast %lt3A_1259 : i32 to vector<16xi32>
    %lt3A_1261 = arith.cmpi slt, %add3A_1243, %lt3A_1260 : vector<16xi32>
    %and3A_1262 = arith.andi %and3A_1258, %lt3A_1261 : vector<16xi1>
    %lt3A_1263 = arith.constant 0 : i32
    %lt3A_1264 = vector.broadcast %lt3A_1263 : i32 to vector<16xi32>
    %lt3A_1265 = arith.cmpi slt, %add3A_1239, %lt3A_1264 : vector<16xi32>
    %and3A_1266 = arith.andi %lt3A_383, %lt3A_1265 : vector<16xi1>
    %lt3A_1267 = arith.constant 384 : i32
    %lt3A_1268 = vector.broadcast %lt3A_1267 : i32 to vector<16xi32>
    %lt3A_1269 = arith.cmpi slt, %add3A_1243, %lt3A_1268 : vector<16xi32>
    %and3A_1270 = arith.andi %and3A_1266, %lt3A_1269 : vector<16xi1>
    %sub3A_1271 = vector.broadcast %multiple_of3A_286 : i32 to vector<16xi32>
    %sub3A_1272 = arith.subi %add3A_1239, %sub3A_1271 : vector<16xi32>
    %add3A_1273 = arith.constant 0 : i32
    %add3A_1274 = vector.broadcast %add3A_1273 : i32 to vector<16xi32>
    %add3A_1275 = arith.addi %sub3A_1272, %add3A_1274 : vector<16xi32>
    %add3A_1276 = arith.constant 24 : i32
    %add3A_1277 = vector.broadcast %add3A_1276 : i32 to vector<16xi32>
    %add3A_1278 = arith.addi %add3A_1275, %add3A_1277 : vector<16xi32>
    %jit3A_1279 = arith.constant 24 : i32
    %broadcast_in_dim3A_1280 = vector.broadcast %jit3A_1279 : i32 to vector<16xi32>
    %select_n3A_1281 = arith.select %and3A_1262, %add3A_1278, %broadcast_in_dim3A_1280 : vector<16xi1>, vector<16xi32>
    %or3A_1282 = arith.ori %and3A_1262, %and3A_1270 : vector<16xi1>
    %jit3A_1283 = arith.constant 0 : i32
    %broadcast_in_dim3A_1284 = vector.broadcast %jit3A_1283 : i32 to vector<16xi32>
    %select_n3A_1285 = arith.select %or3A_1282, %select_n3A_1250, %broadcast_in_dim3A_1284 : vector<16xi1>, vector<16xi32>
    tpu.vector_store_idx %arg6[%select_n3A_1281, %select_n3A_1285], %get3A_387 masked %and3A_1262 : memref<72x384xf32, #tpu.memory_space<vmem>>[vector<16xi32>, vector<16xi32>], vector<16xf32>, vector<16xi1>
    %sub3A_1286 = arith.constant 5 : i32
    %sub3A_1287 = arith.subi %min3A_267, %sub3A_1286 : i32
    %add3A_1288 = vector.broadcast %sub3A_1287 : i32 to vector<16xi32>
    %add3A_1289 = arith.addi %div3A_393, %add3A_1288 : vector<16xi32>
    %sub3A_1290 = arith.constant 5 : i32
    %sub3A_1291 = arith.subi %min3A_253, %sub3A_1290 : i32
    %add3A_1292 = vector.broadcast %sub3A_1291 : i32 to vector<16xi32>
    %add3A_1293 = arith.addi %sub3A_397, %add3A_1292 : vector<16xi32>
    %lt3A_1294 = arith.constant 0 : i32
    %lt3A_1295 = vector.broadcast %lt3A_1294 : i32 to vector<16xi32>
    %lt3A_1296 = arith.cmpi slt, %add3A_1293, %lt3A_1295 : vector<16xi32>
    %add3A_1297 = arith.constant 384 : i32
    %add3A_1298 = vector.broadcast %add3A_1297 : i32 to vector<16xi32>
    %add3A_1299 = arith.addi %add3A_1293, %add3A_1298 : vector<16xi32>
    %select_n3A_1300 = arith.select %lt3A_1296, %add3A_1299, %add3A_1293 : vector<16xi1>, vector<16xi32>
    %ge3A_1301 = arith.constant 0 : i32
    %ge3A_1302 = vector.broadcast %ge3A_1301 : i32 to vector<16xi32>
    %ge3A_1303 = arith.cmpi sge, %add3A_1289, %ge3A_1302 : vector<16xi32>
    %and3A_1304 = arith.andi %lt3A_400, %ge3A_1303 : vector<16xi1>
    %lt3A_1305 = arith.constant 384 : i32
    %lt3A_1306 = vector.broadcast %lt3A_1305 : i32 to vector<16xi32>
    %lt3A_1307 = arith.cmpi slt, %add3A_1289, %lt3A_1306 : vector<16xi32>
    %and3A_1308 = arith.andi %and3A_1304, %lt3A_1307 : vector<16xi1>
    %lt3A_1309 = arith.constant 384 : i32
    %lt3A_1310 = vector.broadcast %lt3A_1309 : i32 to vector<16xi32>
    %lt3A_1311 = arith.cmpi slt, %add3A_1293, %lt3A_1310 : vector<16xi32>
    %and3A_1312 = arith.andi %and3A_1308, %lt3A_1311 : vector<16xi1>
    %lt3A_1313 = arith.constant 0 : i32
    %lt3A_1314 = vector.broadcast %lt3A_1313 : i32 to vector<16xi32>
    %lt3A_1315 = arith.cmpi slt, %add3A_1289, %lt3A_1314 : vector<16xi32>
    %and3A_1316 = arith.andi %lt3A_400, %lt3A_1315 : vector<16xi1>
    %lt3A_1317 = arith.constant 384 : i32
    %lt3A_1318 = vector.broadcast %lt3A_1317 : i32 to vector<16xi32>
    %lt3A_1319 = arith.cmpi slt, %add3A_1293, %lt3A_1318 : vector<16xi32>
    %and3A_1320 = arith.andi %and3A_1316, %lt3A_1319 : vector<16xi1>
    %sub3A_1321 = vector.broadcast %multiple_of3A_286 : i32 to vector<16xi32>
    %sub3A_1322 = arith.subi %add3A_1289, %sub3A_1321 : vector<16xi32>
    %add3A_1323 = arith.constant 0 : i32
    %add3A_1324 = vector.broadcast %add3A_1323 : i32 to vector<16xi32>
    %add3A_1325 = arith.addi %sub3A_1322, %add3A_1324 : vector<16xi32>
    %add3A_1326 = arith.constant 24 : i32
    %add3A_1327 = vector.broadcast %add3A_1326 : i32 to vector<16xi32>
    %add3A_1328 = arith.addi %add3A_1325, %add3A_1327 : vector<16xi32>
    %jit3A_1329 = arith.constant 24 : i32
    %broadcast_in_dim3A_1330 = vector.broadcast %jit3A_1329 : i32 to vector<16xi32>
    %select_n3A_1331 = arith.select %and3A_1312, %add3A_1328, %broadcast_in_dim3A_1330 : vector<16xi1>, vector<16xi32>
    %or3A_1332 = arith.ori %and3A_1312, %and3A_1320 : vector<16xi1>
    %jit3A_1333 = arith.constant 0 : i32
    %broadcast_in_dim3A_1334 = vector.broadcast %jit3A_1333 : i32 to vector<16xi32>
    %select_n3A_1335 = arith.select %or3A_1332, %select_n3A_1300, %broadcast_in_dim3A_1334 : vector<16xi1>, vector<16xi32>
    tpu.vector_store_idx %arg6[%select_n3A_1331, %select_n3A_1335], %get3A_404 masked %and3A_1312 : memref<72x384xf32, #tpu.memory_space<vmem>>[vector<16xi32>, vector<16xi32>], vector<16xf32>, vector<16xi1>
    %sub3A_1336 = arith.constant 5 : i32
    %sub3A_1337 = arith.subi %min3A_267, %sub3A_1336 : i32
    %add3A_1338 = vector.broadcast %sub3A_1337 : i32 to vector<16xi32>
    %add3A_1339 = arith.addi %div3A_410, %add3A_1338 : vector<16xi32>
    %sub3A_1340 = arith.constant 5 : i32
    %sub3A_1341 = arith.subi %min3A_253, %sub3A_1340 : i32
    %add3A_1342 = vector.broadcast %sub3A_1341 : i32 to vector<16xi32>
    %add3A_1343 = arith.addi %sub3A_414, %add3A_1342 : vector<16xi32>
    %lt3A_1344 = arith.constant 0 : i32
    %lt3A_1345 = vector.broadcast %lt3A_1344 : i32 to vector<16xi32>
    %lt3A_1346 = arith.cmpi slt, %add3A_1343, %lt3A_1345 : vector<16xi32>
    %add3A_1347 = arith.constant 384 : i32
    %add3A_1348 = vector.broadcast %add3A_1347 : i32 to vector<16xi32>
    %add3A_1349 = arith.addi %add3A_1343, %add3A_1348 : vector<16xi32>
    %select_n3A_1350 = arith.select %lt3A_1346, %add3A_1349, %add3A_1343 : vector<16xi1>, vector<16xi32>
    %ge3A_1351 = arith.constant 0 : i32
    %ge3A_1352 = vector.broadcast %ge3A_1351 : i32 to vector<16xi32>
    %ge3A_1353 = arith.cmpi sge, %add3A_1339, %ge3A_1352 : vector<16xi32>
    %and3A_1354 = arith.andi %lt3A_417, %ge3A_1353 : vector<16xi1>
    %lt3A_1355 = arith.constant 384 : i32
    %lt3A_1356 = vector.broadcast %lt3A_1355 : i32 to vector<16xi32>
    %lt3A_1357 = arith.cmpi slt, %add3A_1339, %lt3A_1356 : vector<16xi32>
    %and3A_1358 = arith.andi %and3A_1354, %lt3A_1357 : vector<16xi1>
    %lt3A_1359 = arith.constant 384 : i32
    %lt3A_1360 = vector.broadcast %lt3A_1359 : i32 to vector<16xi32>
    %lt3A_1361 = arith.cmpi slt, %add3A_1343, %lt3A_1360 : vector<16xi32>
    %and3A_1362 = arith.andi %and3A_1358, %lt3A_1361 : vector<16xi1>
    %lt3A_1363 = arith.constant 0 : i32
    %lt3A_1364 = vector.broadcast %lt3A_1363 : i32 to vector<16xi32>
    %lt3A_1365 = arith.cmpi slt, %add3A_1339, %lt3A_1364 : vector<16xi32>
    %and3A_1366 = arith.andi %lt3A_417, %lt3A_1365 : vector<16xi1>
    %lt3A_1367 = arith.constant 384 : i32
    %lt3A_1368 = vector.broadcast %lt3A_1367 : i32 to vector<16xi32>
    %lt3A_1369 = arith.cmpi slt, %add3A_1343, %lt3A_1368 : vector<16xi32>
    %and3A_1370 = arith.andi %and3A_1366, %lt3A_1369 : vector<16xi1>
    %sub3A_1371 = vector.broadcast %multiple_of3A_286 : i32 to vector<16xi32>
    %sub3A_1372 = arith.subi %add3A_1339, %sub3A_1371 : vector<16xi32>
    %add3A_1373 = arith.constant 0 : i32
    %add3A_1374 = vector.broadcast %add3A_1373 : i32 to vector<16xi32>
    %add3A_1375 = arith.addi %sub3A_1372, %add3A_1374 : vector<16xi32>
    %add3A_1376 = arith.constant 24 : i32
    %add3A_1377 = vector.broadcast %add3A_1376 : i32 to vector<16xi32>
    %add3A_1378 = arith.addi %add3A_1375, %add3A_1377 : vector<16xi32>
    %jit3A_1379 = arith.constant 24 : i32
    %broadcast_in_dim3A_1380 = vector.broadcast %jit3A_1379 : i32 to vector<16xi32>
    %select_n3A_1381 = arith.select %and3A_1362, %add3A_1378, %broadcast_in_dim3A_1380 : vector<16xi1>, vector<16xi32>
    %or3A_1382 = arith.ori %and3A_1362, %and3A_1370 : vector<16xi1>
    %jit3A_1383 = arith.constant 0 : i32
    %broadcast_in_dim3A_1384 = vector.broadcast %jit3A_1383 : i32 to vector<16xi32>
    %select_n3A_1385 = arith.select %or3A_1382, %select_n3A_1350, %broadcast_in_dim3A_1384 : vector<16xi1>, vector<16xi32>
    tpu.vector_store_idx %arg6[%select_n3A_1381, %select_n3A_1385], %get3A_421 masked %and3A_1362 : memref<72x384xf32, #tpu.memory_space<vmem>>[vector<16xi32>, vector<16xi32>], vector<16xf32>, vector<16xi1>
    %mul3A_1386 = arith.constant 2 : i32
    %mul3A_1387 = arith.muli %add3A, %mul3A_1386 : i32
    %add3A_1388 = arith.constant 0 : i32
    %add3A_1389 = arith.addi %mul3A_1387, %add3A_1388 : i32
    %dma_start3A_1390 = arith.constant 0 : i32
    %dma_start3A_1391 = arith.constant 0 : i32
    %dma_start3A_1392 = tpu.memref_slice %arg6[%dma_start3A_1390, %dma_start3A_1391] : memref<72x384xf32, #tpu.memory_space<vmem>> -> memref<24x384xf32, #tpu.memory_space<vmem>>
    %dma_start3A_1393 = arith.constant 0 : i32
    %dma_start3A_1394 = tpu.memref_slice %arg3[%add3A_1389, %multiple_of3A, %dma_start3A_1393] : memref<64x384x384xf32, #tpu.memory_space<hbm>> -> memref<1x24x384xf32, #tpu.memory_space<hbm>>
    %dma_start3A_1395 = tpu.memref_squeeze %dma_start3A_1394 : memref<1x24x384xf32, #tpu.memory_space<hbm>> -> memref<24x384xf32, #tpu.memory_space<hbm>>
    %dma_start3A_1396 = arith.constant 0 : i32
    %dma_start3A_1397 = tpu.memref_slice %arg3[%add3A_1389, %multiple_of3A, %dma_start3A_1396] : memref<64x384x384xf32, #tpu.memory_space<hbm>> -> memref<1x24x384xf32, #tpu.memory_space<hbm>>
    %dma_start3A_1398 = tpu.memref_squeeze %dma_start3A_1397 : memref<1x24x384xf32, #tpu.memory_space<hbm>> -> memref<24x384xf32, #tpu.memory_space<hbm>>
    %dma_start3A_1399 = arith.constant 0 : i32
    %dma_start3A_1400 = arith.constant 0 : i32
    %dma_start3A_1401 = tpu.memref_slice %arg6[%dma_start3A_1399, %dma_start3A_1400] : memref<72x384xf32, #tpu.memory_space<vmem>> -> memref<24x384xf32, #tpu.memory_space<vmem>>
    tpu.enqueue_dma source(%dma_start3A_1401 : memref<24x384xf32, #tpu.memory_space<vmem>>) target(%dma_start3A_1398 : memref<24x384xf32, #tpu.memory_space<hbm>>) target_semaphore(%arg10 : memref<!tpu.dma_semaphore, #tpu.memory_space<semaphore_mem>>)
    %mul3A_1402 = arith.constant 2 : i32
    %mul3A_1403 = arith.muli %add3A, %mul3A_1402 : i32
    %add3A_1404 = arith.constant 1 : i32
    %add3A_1405 = arith.addi %mul3A_1403, %add3A_1404 : i32
    %dma_start3A_1406 = arith.constant 24 : i32
    %dma_start3A_1407 = arith.constant 0 : i32
    %dma_start3A_1408 = tpu.memref_slice %arg6[%dma_start3A_1406, %dma_start3A_1407] : memref<72x384xf32, #tpu.memory_space<vmem>> -> memref<24x384xf32, #tpu.memory_space<vmem>>
    %dma_start3A_1409 = arith.constant 0 : i32
    %dma_start3A_1410 = tpu.memref_slice %arg3[%add3A_1405, %multiple_of3A_286, %dma_start3A_1409] : memref<64x384x384xf32, #tpu.memory_space<hbm>> -> memref<1x24x384xf32, #tpu.memory_space<hbm>>
    %dma_start3A_1411 = tpu.memref_squeeze %dma_start3A_1410 : memref<1x24x384xf32, #tpu.memory_space<hbm>> -> memref<24x384xf32, #tpu.memory_space<hbm>>
    %dma_start3A_1412 = arith.constant 0 : i32
    %dma_start3A_1413 = tpu.memref_slice %arg3[%add3A_1405, %multiple_of3A_286, %dma_start3A_1412] : memref<64x384x384xf32, #tpu.memory_space<hbm>> -> memref<1x24x384xf32, #tpu.memory_space<hbm>>
    %dma_start3A_1414 = tpu.memref_squeeze %dma_start3A_1413 : memref<1x24x384xf32, #tpu.memory_space<hbm>> -> memref<24x384xf32, #tpu.memory_space<hbm>>
    %dma_start3A_1415 = arith.constant 24 : i32
    %dma_start3A_1416 = arith.constant 0 : i32
    %dma_start3A_1417 = tpu.memref_slice %arg6[%dma_start3A_1415, %dma_start3A_1416] : memref<72x384xf32, #tpu.memory_space<vmem>> -> memref<24x384xf32, #tpu.memory_space<vmem>>
    tpu.enqueue_dma source(%dma_start3A_1417 : memref<24x384xf32, #tpu.memory_space<vmem>>) target(%dma_start3A_1414 : memref<24x384xf32, #tpu.memory_space<hbm>>) target_semaphore(%arg10 : memref<!tpu.dma_semaphore, #tpu.memory_space<semaphore_mem>>)
    %dma_wait3A_1418 = arith.constant 0 : i32
    %dma_wait3A_1419 = arith.constant 0 : i32
    %dma_wait3A_1420 = tpu.memref_slice %arg6[%dma_wait3A_1418, %dma_wait3A_1419] : memref<72x384xf32, #tpu.memory_space<vmem>> -> memref<24x384xf32, #tpu.memory_space<vmem>>
    %dma_wait3A_1421 = arith.constant 0 : i32
    %dma_wait3A_1422 = tpu.memref_slice %arg3[%add3A_1389, %multiple_of3A, %dma_wait3A_1421] : memref<64x384x384xf32, #tpu.memory_space<hbm>> -> memref<1x24x384xf32, #tpu.memory_space<hbm>>
    %dma_wait3A_1423 = tpu.memref_squeeze %dma_wait3A_1422 : memref<1x24x384xf32, #tpu.memory_space<hbm>> -> memref<24x384xf32, #tpu.memory_space<hbm>>
    %dma_wait3A_1424 = arith.constant 0 : i32
    %dma_wait3A_1425 = tpu.memref_slice %arg3[%add3A_1389, %multiple_of3A, %dma_wait3A_1424] : memref<64x384x384xf32, #tpu.memory_space<hbm>> -> memref<1x24x384xf32, #tpu.memory_space<hbm>>
    %dma_wait3A_1426 = tpu.memref_squeeze %dma_wait3A_1425 : memref<1x24x384xf32, #tpu.memory_space<hbm>> -> memref<24x384xf32, #tpu.memory_space<hbm>>
    %dma_wait3A_1427 = arith.constant 0 : i32
    %dma_wait3A_1428 = arith.constant 0 : i32
    %dma_wait3A_1429 = tpu.memref_slice %arg6[%dma_wait3A_1427, %dma_wait3A_1428] : memref<72x384xf32, #tpu.memory_space<vmem>> -> memref<24x384xf32, #tpu.memory_space<vmem>>
    tpu.wait_dma2 semaphore(%arg10 : memref<!tpu.dma_semaphore, #tpu.memory_space<semaphore_mem>>) src(%dma_wait3A_1429 : memref<24x384xf32, #tpu.memory_space<vmem>>) dst(%dma_wait3A_1426 : memref<24x384xf32, #tpu.memory_space<hbm>>)
    %dma_wait3A_1430 = arith.constant 24 : i32
    %dma_wait3A_1431 = arith.constant 0 : i32
    %dma_wait3A_1432 = tpu.memref_slice %arg6[%dma_wait3A_1430, %dma_wait3A_1431] : memref<72x384xf32, #tpu.memory_space<vmem>> -> memref<24x384xf32, #tpu.memory_space<vmem>>
    %dma_wait3A_1433 = arith.constant 0 : i32
    %dma_wait3A_1434 = tpu.memref_slice %arg3[%add3A_1405, %multiple_of3A_286, %dma_wait3A_1433] : memref<64x384x384xf32, #tpu.memory_space<hbm>> -> memref<1x24x384xf32, #tpu.memory_space<hbm>>
    %dma_wait3A_1435 = tpu.memref_squeeze %dma_wait3A_1434 : memref<1x24x384xf32, #tpu.memory_space<hbm>> -> memref<24x384xf32, #tpu.memory_space<hbm>>
    %dma_wait3A_1436 = arith.constant 0 : i32
    %dma_wait3A_1437 = tpu.memref_slice %arg3[%add3A_1405, %multiple_of3A_286, %dma_wait3A_1436] : memref<64x384x384xf32, #tpu.memory_space<hbm>> -> memref<1x24x384xf32, #tpu.memory_space<hbm>>
    %dma_wait3A_1438 = tpu.memref_squeeze %dma_wait3A_1437 : memref<1x24x384xf32, #tpu.memory_space<hbm>> -> memref<24x384xf32, #tpu.memory_space<hbm>>
    %dma_wait3A_1439 = arith.constant 24 : i32
    %dma_wait3A_1440 = arith.constant 0 : i32
    %dma_wait3A_1441 = tpu.memref_slice %arg6[%dma_wait3A_1439, %dma_wait3A_1440] : memref<72x384xf32, #tpu.memory_space<vmem>> -> memref<24x384xf32, #tpu.memory_space<vmem>>
    tpu.wait_dma2 semaphore(%arg10 : memref<!tpu.dma_semaphore, #tpu.memory_space<semaphore_mem>>) src(%dma_wait3A_1441 : memref<24x384xf32, #tpu.memory_space<vmem>>) dst(%dma_wait3A_1438 : memref<24x384xf32, #tpu.memory_space<hbm>>)
    %lt3A_1442 = arith.constant 5 : i32
    %lt3A_1443 = arith.cmpi slt, %min3A_260, %lt3A_1442 : i32
    %convert_element_type3A_1444 = arith.extui %lt3A_1443 : i1 to i32
    %cond3A = arith.constant 0 : i32
    %cond3A_1445 = arith.cmpi ne, %convert_element_type3A_1444, %cond3A : i32
    scf.if %cond3A_1445 {
      %sub3A_1451 = arith.constant 5 : i32
      %sub3A_1452 = arith.subi %min3A_260, %sub3A_1451 : i32
      %add3A_1453 = vector.broadcast %sub3A_1452 : i32 to vector<16xi32>
      %add3A_1454 = arith.addi %div3A_292, %add3A_1453 : vector<16xi32>
      %add3A_1455 = arith.constant 24 : i32
      %add3A_1456 = vector.broadcast %add3A_1455 : i32 to vector<16xi32>
      %add3A_1457 = arith.addi %add3A_1454, %add3A_1456 : vector<16xi32>
      %add3A_1458 = arith.constant 48 : i32
      %add3A_1459 = vector.broadcast %add3A_1458 : i32 to vector<16xi32>
      %add3A_1460 = arith.addi %add3A_1457, %add3A_1459 : vector<16xi32>
      %jit3A_1461 = arith.constant 48 : i32
      %broadcast_in_dim3A_1462 = vector.broadcast %jit3A_1461 : i32 to vector<16xi32>
      %select_n3A_1463 = arith.select %and3A_621, %add3A_1460, %broadcast_in_dim3A_1462 : vector<16xi1>, vector<16xi32>
      tpu.vector_store_idx %arg6[%select_n3A_1463, %select_n3A_635], %get3A_302 masked %and3A_621 : memref<72x384xf32, #tpu.memory_space<vmem>>[vector<16xi32>, vector<16xi32>], vector<16xf32>, vector<16xi1>
      %sub3A_1464 = arith.constant 5 : i32
      %sub3A_1465 = arith.subi %min3A_260, %sub3A_1464 : i32
      %add3A_1466 = vector.broadcast %sub3A_1465 : i32 to vector<16xi32>
      %add3A_1467 = arith.addi %div3A_308, %add3A_1466 : vector<16xi32>
      %add3A_1468 = arith.constant 24 : i32
      %add3A_1469 = vector.broadcast %add3A_1468 : i32 to vector<16xi32>
      %add3A_1470 = arith.addi %add3A_1467, %add3A_1469 : vector<16xi32>
      %add3A_1471 = arith.constant 48 : i32
      %add3A_1472 = vector.broadcast %add3A_1471 : i32 to vector<16xi32>
      %add3A_1473 = arith.addi %add3A_1470, %add3A_1472 : vector<16xi32>
      %jit3A_1474 = arith.constant 48 : i32
      %broadcast_in_dim3A_1475 = vector.broadcast %jit3A_1474 : i32 to vector<16xi32>
      %select_n3A_1476 = arith.select %and3A_670, %add3A_1473, %broadcast_in_dim3A_1475 : vector<16xi1>, vector<16xi32>
      tpu.vector_store_idx %arg6[%select_n3A_1476, %select_n3A_685], %get3A_319 masked %and3A_670 : memref<72x384xf32, #tpu.memory_space<vmem>>[vector<16xi32>, vector<16xi32>], vector<16xf32>, vector<16xi1>
      %sub3A_1477 = arith.constant 5 : i32
      %sub3A_1478 = arith.subi %min3A_260, %sub3A_1477 : i32
      %add3A_1479 = vector.broadcast %sub3A_1478 : i32 to vector<16xi32>
      %add3A_1480 = arith.addi %div3A_325, %add3A_1479 : vector<16xi32>
      %add3A_1481 = arith.constant 24 : i32
      %add3A_1482 = vector.broadcast %add3A_1481 : i32 to vector<16xi32>
      %add3A_1483 = arith.addi %add3A_1480, %add3A_1482 : vector<16xi32>
      %add3A_1484 = arith.constant 48 : i32
      %add3A_1485 = vector.broadcast %add3A_1484 : i32 to vector<16xi32>
      %add3A_1486 = arith.addi %add3A_1483, %add3A_1485 : vector<16xi32>
      %jit3A_1487 = arith.constant 48 : i32
      %broadcast_in_dim3A_1488 = vector.broadcast %jit3A_1487 : i32 to vector<16xi32>
      %select_n3A_1489 = arith.select %and3A_720, %add3A_1486, %broadcast_in_dim3A_1488 : vector<16xi1>, vector<16xi32>
      tpu.vector_store_idx %arg6[%select_n3A_1489, %select_n3A_735], %get3A_336 masked %and3A_720 : memref<72x384xf32, #tpu.memory_space<vmem>>[vector<16xi32>, vector<16xi32>], vector<16xf32>, vector<16xi1>
      %sub3A_1490 = arith.constant 5 : i32
      %sub3A_1491 = arith.subi %min3A_260, %sub3A_1490 : i32
      %add3A_1492 = vector.broadcast %sub3A_1491 : i32 to vector<16xi32>
      %add3A_1493 = arith.addi %div3A_342, %add3A_1492 : vector<16xi32>
      %add3A_1494 = arith.constant 24 : i32
      %add3A_1495 = vector.broadcast %add3A_1494 : i32 to vector<16xi32>
      %add3A_1496 = arith.addi %add3A_1493, %add3A_1495 : vector<16xi32>
      %add3A_1497 = arith.constant 48 : i32
      %add3A_1498 = vector.broadcast %add3A_1497 : i32 to vector<16xi32>
      %add3A_1499 = arith.addi %add3A_1496, %add3A_1498 : vector<16xi32>
      %jit3A_1500 = arith.constant 48 : i32
      %broadcast_in_dim3A_1501 = vector.broadcast %jit3A_1500 : i32 to vector<16xi32>
      %select_n3A_1502 = arith.select %and3A_770, %add3A_1499, %broadcast_in_dim3A_1501 : vector<16xi1>, vector<16xi32>
      tpu.vector_store_idx %arg6[%select_n3A_1502, %select_n3A_785], %get3A_353 masked %and3A_770 : memref<72x384xf32, #tpu.memory_space<vmem>>[vector<16xi32>, vector<16xi32>], vector<16xf32>, vector<16xi1>
      %sub3A_1503 = arith.constant 5 : i32
      %sub3A_1504 = arith.subi %min3A_260, %sub3A_1503 : i32
      %add3A_1505 = vector.broadcast %sub3A_1504 : i32 to vector<16xi32>
      %add3A_1506 = arith.addi %div3A_359, %add3A_1505 : vector<16xi32>
      %add3A_1507 = arith.constant 24 : i32
      %add3A_1508 = vector.broadcast %add3A_1507 : i32 to vector<16xi32>
      %add3A_1509 = arith.addi %add3A_1506, %add3A_1508 : vector<16xi32>
      %add3A_1510 = arith.constant 48 : i32
      %add3A_1511 = vector.broadcast %add3A_1510 : i32 to vector<16xi32>
      %add3A_1512 = arith.addi %add3A_1509, %add3A_1511 : vector<16xi32>
      %jit3A_1513 = arith.constant 48 : i32
      %broadcast_in_dim3A_1514 = vector.broadcast %jit3A_1513 : i32 to vector<16xi32>
      %select_n3A_1515 = arith.select %and3A_820, %add3A_1512, %broadcast_in_dim3A_1514 : vector<16xi1>, vector<16xi32>
      tpu.vector_store_idx %arg6[%select_n3A_1515, %select_n3A_835], %get3A_370 masked %and3A_820 : memref<72x384xf32, #tpu.memory_space<vmem>>[vector<16xi32>, vector<16xi32>], vector<16xf32>, vector<16xi1>
      %sub3A_1516 = arith.constant 5 : i32
      %sub3A_1517 = arith.subi %min3A_260, %sub3A_1516 : i32
      %add3A_1518 = vector.broadcast %sub3A_1517 : i32 to vector<16xi32>
      %add3A_1519 = arith.addi %div3A_376, %add3A_1518 : vector<16xi32>
      %add3A_1520 = arith.constant 24 : i32
      %add3A_1521 = vector.broadcast %add3A_1520 : i32 to vector<16xi32>
      %add3A_1522 = arith.addi %add3A_1519, %add3A_1521 : vector<16xi32>
      %add3A_1523 = arith.constant 48 : i32
      %add3A_1524 = vector.broadcast %add3A_1523 : i32 to vector<16xi32>
      %add3A_1525 = arith.addi %add3A_1522, %add3A_1524 : vector<16xi32>
      %jit3A_1526 = arith.constant 48 : i32
      %broadcast_in_dim3A_1527 = vector.broadcast %jit3A_1526 : i32 to vector<16xi32>
      %select_n3A_1528 = arith.select %and3A_870, %add3A_1525, %broadcast_in_dim3A_1527 : vector<16xi1>, vector<16xi32>
      tpu.vector_store_idx %arg6[%select_n3A_1528, %select_n3A_885], %get3A_387 masked %and3A_870 : memref<72x384xf32, #tpu.memory_space<vmem>>[vector<16xi32>, vector<16xi32>], vector<16xf32>, vector<16xi1>
      %sub3A_1529 = arith.constant 5 : i32
      %sub3A_1530 = arith.subi %min3A_260, %sub3A_1529 : i32
      %add3A_1531 = vector.broadcast %sub3A_1530 : i32 to vector<16xi32>
      %add3A_1532 = arith.addi %div3A_393, %add3A_1531 : vector<16xi32>
      %add3A_1533 = arith.constant 24 : i32
      %add3A_1534 = vector.broadcast %add3A_1533 : i32 to vector<16xi32>
      %add3A_1535 = arith.addi %add3A_1532, %add3A_1534 : vector<16xi32>
      %add3A_1536 = arith.constant 48 : i32
      %add3A_1537 = vector.broadcast %add3A_1536 : i32 to vector<16xi32>
      %add3A_1538 = arith.addi %add3A_1535, %add3A_1537 : vector<16xi32>
      %jit3A_1539 = arith.constant 48 : i32
      %broadcast_in_dim3A_1540 = vector.broadcast %jit3A_1539 : i32 to vector<16xi32>
      %select_n3A_1541 = arith.select %and3A_920, %add3A_1538, %broadcast_in_dim3A_1540 : vector<16xi1>, vector<16xi32>
      tpu.vector_store_idx %arg6[%select_n3A_1541, %select_n3A_935], %get3A_404 masked %and3A_920 : memref<72x384xf32, #tpu.memory_space<vmem>>[vector<16xi32>, vector<16xi32>], vector<16xf32>, vector<16xi1>
      %sub3A_1542 = arith.constant 5 : i32
      %sub3A_1543 = arith.subi %min3A_260, %sub3A_1542 : i32
      %add3A_1544 = vector.broadcast %sub3A_1543 : i32 to vector<16xi32>
      %add3A_1545 = arith.addi %div3A_410, %add3A_1544 : vector<16xi32>
      %add3A_1546 = arith.constant 24 : i32
      %add3A_1547 = vector.broadcast %add3A_1546 : i32 to vector<16xi32>
      %add3A_1548 = arith.addi %add3A_1545, %add3A_1547 : vector<16xi32>
      %add3A_1549 = arith.constant 48 : i32
      %add3A_1550 = vector.broadcast %add3A_1549 : i32 to vector<16xi32>
      %add3A_1551 = arith.addi %add3A_1548, %add3A_1550 : vector<16xi32>
      %jit3A_1552 = arith.constant 48 : i32
      %broadcast_in_dim3A_1553 = vector.broadcast %jit3A_1552 : i32 to vector<16xi32>
      %select_n3A_1554 = arith.select %and3A_970, %add3A_1551, %broadcast_in_dim3A_1553 : vector<16xi1>, vector<16xi32>
      tpu.vector_store_idx %arg6[%select_n3A_1554, %select_n3A_985], %get3A_421 masked %and3A_970 : memref<72x384xf32, #tpu.memory_space<vmem>>[vector<16xi32>, vector<16xi32>], vector<16xf32>, vector<16xi1>
      %mul3A_1555 = arith.constant 2 : i32
      %mul3A_1556 = arith.muli %add3A, %mul3A_1555 : i32
      %add3A_1557 = arith.constant 0 : i32
      %add3A_1558 = arith.addi %mul3A_1556, %add3A_1557 : i32
      "tpu.region"() ({
        %run_scoped3A = tpu.sem_alloc : memref<!tpu.dma_semaphore, #tpu.memory_space<semaphore_mem>>
        %dma_start3A_1559 = arith.constant 48 : i32
        %dma_start3A_1560 = arith.constant 0 : i32
        %dma_start3A_1561 = tpu.memref_slice %arg6[%dma_start3A_1559, %dma_start3A_1560] : memref<72x384xf32, #tpu.memory_space<vmem>> -> memref<24x384xf32, #tpu.memory_space<vmem>>
        %dma_start3A_1562 = arith.constant 360 : i32
        %dma_start3A_1563 = arith.constant 0 : i32
        %dma_start3A_1564 = tpu.memref_slice %arg3[%add3A_1558, %dma_start3A_1562, %dma_start3A_1563] : memref<64x384x384xf32, #tpu.memory_space<hbm>> -> memref<1x24x384xf32, #tpu.memory_space<hbm>>
        %dma_start3A_1565 = tpu.memref_squeeze %dma_start3A_1564 : memref<1x24x384xf32, #tpu.memory_space<hbm>> -> memref<24x384xf32, #tpu.memory_space<hbm>>
        %dma_start3A_1566 = arith.constant 360 : i32
        %dma_start3A_1567 = arith.constant 0 : i32
        %dma_start3A_1568 = tpu.memref_slice %arg3[%add3A_1558, %dma_start3A_1566, %dma_start3A_1567] : memref<64x384x384xf32, #tpu.memory_space<hbm>> -> memref<1x24x384xf32, #tpu.memory_space<hbm>>
        %dma_start3A_1569 = tpu.memref_squeeze %dma_start3A_1568 : memref<1x24x384xf32, #tpu.memory_space<hbm>> -> memref<24x384xf32, #tpu.memory_space<hbm>>
        %dma_start3A_1570 = arith.constant 48 : i32
        %dma_start3A_1571 = arith.constant 0 : i32
        %dma_start3A_1572 = tpu.memref_slice %arg6[%dma_start3A_1570, %dma_start3A_1571] : memref<72x384xf32, #tpu.memory_space<vmem>> -> memref<24x384xf32, #tpu.memory_space<vmem>>
        tpu.enqueue_dma source(%dma_start3A_1572 : memref<24x384xf32, #tpu.memory_space<vmem>>) target(%dma_start3A_1569 : memref<24x384xf32, #tpu.memory_space<hbm>>) target_semaphore(%run_scoped3A : memref<!tpu.dma_semaphore, #tpu.memory_space<semaphore_mem>>)
        %dma_wait3A_1573 = arith.constant 48 : i32
        %dma_wait3A_1574 = arith.constant 0 : i32
        %dma_wait3A_1575 = tpu.memref_slice %arg6[%dma_wait3A_1573, %dma_wait3A_1574] : memref<72x384xf32, #tpu.memory_space<vmem>> -> memref<24x384xf32, #tpu.memory_space<vmem>>
        %dma_wait3A_1576 = arith.constant 360 : i32
        %dma_wait3A_1577 = arith.constant 0 : i32
        %dma_wait3A_1578 = tpu.memref_slice %arg3[%add3A_1558, %dma_wait3A_1576, %dma_wait3A_1577] : memref<64x384x384xf32, #tpu.memory_space<hbm>> -> memref<1x24x384xf32, #tpu.memory_space<hbm>>
        %dma_wait3A_1579 = tpu.memref_squeeze %dma_wait3A_1578 : memref<1x24x384xf32, #tpu.memory_space<hbm>> -> memref<24x384xf32, #tpu.memory_space<hbm>>
        %dma_wait3A_1580 = arith.constant 360 : i32
        %dma_wait3A_1581 = arith.constant 0 : i32
        %dma_wait3A_1582 = tpu.memref_slice %arg3[%add3A_1558, %dma_wait3A_1580, %dma_wait3A_1581] : memref<64x384x384xf32, #tpu.memory_space<hbm>> -> memref<1x24x384xf32, #tpu.memory_space<hbm>>
        %dma_wait3A_1583 = tpu.memref_squeeze %dma_wait3A_1582 : memref<1x24x384xf32, #tpu.memory_space<hbm>> -> memref<24x384xf32, #tpu.memory_space<hbm>>
        %dma_wait3A_1584 = arith.constant 48 : i32
        %dma_wait3A_1585 = arith.constant 0 : i32
        %dma_wait3A_1586 = tpu.memref_slice %arg6[%dma_wait3A_1584, %dma_wait3A_1585] : memref<72x384xf32, #tpu.memory_space<vmem>> -> memref<24x384xf32, #tpu.memory_space<vmem>>
        tpu.wait_dma2 semaphore(%run_scoped3A : memref<!tpu.dma_semaphore, #tpu.memory_space<semaphore_mem>>) src(%dma_wait3A_1586 : memref<24x384xf32, #tpu.memory_space<vmem>>) dst(%dma_wait3A_1583 : memref<24x384xf32, #tpu.memory_space<hbm>>)
        tpu.yield
      }) : () -> ()
      tpu.vector_store_idx %arg6[%select_n3A_1463, %select_n3A_635], %broadcast_in_dim3A_12 masked %and3A_621 : memref<72x384xf32, #tpu.memory_space<vmem>>[vector<16xi32>, vector<16xi32>], vector<16xf32>, vector<16xi1>
      tpu.vector_store_idx %arg6[%select_n3A_1476, %select_n3A_685], %broadcast_in_dim3A_12 masked %and3A_670 : memref<72x384xf32, #tpu.memory_space<vmem>>[vector<16xi32>, vector<16xi32>], vector<16xf32>, vector<16xi1>
      tpu.vector_store_idx %arg6[%select_n3A_1489, %select_n3A_735], %broadcast_in_dim3A_12 masked %and3A_720 : memref<72x384xf32, #tpu.memory_space<vmem>>[vector<16xi32>, vector<16xi32>], vector<16xf32>, vector<16xi1>
      tpu.vector_store_idx %arg6[%select_n3A_1502, %select_n3A_785], %broadcast_in_dim3A_12 masked %and3A_770 : memref<72x384xf32, #tpu.memory_space<vmem>>[vector<16xi32>, vector<16xi32>], vector<16xf32>, vector<16xi1>
      tpu.vector_store_idx %arg6[%select_n3A_1515, %select_n3A_835], %broadcast_in_dim3A_12 masked %and3A_820 : memref<72x384xf32, #tpu.memory_space<vmem>>[vector<16xi32>, vector<16xi32>], vector<16xf32>, vector<16xi1>
      tpu.vector_store_idx %arg6[%select_n3A_1528, %select_n3A_885], %broadcast_in_dim3A_12 masked %and3A_870 : memref<72x384xf32, #tpu.memory_space<vmem>>[vector<16xi32>, vector<16xi32>], vector<16xf32>, vector<16xi1>
      tpu.vector_store_idx %arg6[%select_n3A_1541, %select_n3A_935], %broadcast_in_dim3A_12 masked %and3A_920 : memref<72x384xf32, #tpu.memory_space<vmem>>[vector<16xi32>, vector<16xi32>], vector<16xf32>, vector<16xi1>
      tpu.vector_store_idx %arg6[%select_n3A_1554, %select_n3A_985], %broadcast_in_dim3A_12 masked %and3A_970 : memref<72x384xf32, #tpu.memory_space<vmem>>[vector<16xi32>, vector<16xi32>], vector<16xf32>, vector<16xi1>
    } else {
    }
    %lt3A_1446 = arith.constant 5 : i32
    %lt3A_1447 = arith.cmpi slt, %min3A_267, %lt3A_1446 : i32
    %convert_element_type3A_1448 = arith.extui %lt3A_1447 : i1 to i32
    %cond3A_1449 = arith.constant 0 : i32
    %cond3A_1450 = arith.cmpi ne, %convert_element_type3A_1448, %cond3A_1449 : i32
    scf.if %cond3A_1450 {
      %sub3A_1451 = arith.constant 5 : i32
      %sub3A_1452 = arith.subi %min3A_267, %sub3A_1451 : i32
      %add3A_1453 = vector.broadcast %sub3A_1452 : i32 to vector<16xi32>
      %add3A_1454 = arith.addi %div3A_292, %add3A_1453 : vector<16xi32>
      %add3A_1455 = arith.constant 24 : i32
      %add3A_1456 = vector.broadcast %add3A_1455 : i32 to vector<16xi32>
      %add3A_1457 = arith.addi %add3A_1454, %add3A_1456 : vector<16xi32>
      %add3A_1458 = arith.constant 48 : i32
      %add3A_1459 = vector.broadcast %add3A_1458 : i32 to vector<16xi32>
      %add3A_1460 = arith.addi %add3A_1457, %add3A_1459 : vector<16xi32>
      %jit3A_1461 = arith.constant 48 : i32
      %broadcast_in_dim3A_1462 = vector.broadcast %jit3A_1461 : i32 to vector<16xi32>
      %select_n3A_1463 = arith.select %and3A_1020, %add3A_1460, %broadcast_in_dim3A_1462 : vector<16xi1>, vector<16xi32>
      tpu.vector_store_idx %arg6[%select_n3A_1463, %select_n3A_1035], %get3A_302 masked %and3A_1020 : memref<72x384xf32, #tpu.memory_space<vmem>>[vector<16xi32>, vector<16xi32>], vector<16xf32>, vector<16xi1>
      %sub3A_1464 = arith.constant 5 : i32
      %sub3A_1465 = arith.subi %min3A_267, %sub3A_1464 : i32
      %add3A_1466 = vector.broadcast %sub3A_1465 : i32 to vector<16xi32>
      %add3A_1467 = arith.addi %div3A_308, %add3A_1466 : vector<16xi32>
      %add3A_1468 = arith.constant 24 : i32
      %add3A_1469 = vector.broadcast %add3A_1468 : i32 to vector<16xi32>
      %add3A_1470 = arith.addi %add3A_1467, %add3A_1469 : vector<16xi32>
      %add3A_1471 = arith.constant 48 : i32
      %add3A_1472 = vector.broadcast %add3A_1471 : i32 to vector<16xi32>
      %add3A_1473 = arith.addi %add3A_1470, %add3A_1472 : vector<16xi32>
      %jit3A_1474 = arith.constant 48 : i32
      %broadcast_in_dim3A_1475 = vector.broadcast %jit3A_1474 : i32 to vector<16xi32>
      %select_n3A_1476 = arith.select %and3A_1070, %add3A_1473, %broadcast_in_dim3A_1475 : vector<16xi1>, vector<16xi32>
      tpu.vector_store_idx %arg6[%select_n3A_1476, %select_n3A_1085], %get3A_319 masked %and3A_1070 : memref<72x384xf32, #tpu.memory_space<vmem>>[vector<16xi32>, vector<16xi32>], vector<16xf32>, vector<16xi1>
      %sub3A_1477 = arith.constant 5 : i32
      %sub3A_1478 = arith.subi %min3A_267, %sub3A_1477 : i32
      %add3A_1479 = vector.broadcast %sub3A_1478 : i32 to vector<16xi32>
      %add3A_1480 = arith.addi %div3A_325, %add3A_1479 : vector<16xi32>
      %add3A_1481 = arith.constant 24 : i32
      %add3A_1482 = vector.broadcast %add3A_1481 : i32 to vector<16xi32>
      %add3A_1483 = arith.addi %add3A_1480, %add3A_1482 : vector<16xi32>
      %add3A_1484 = arith.constant 48 : i32
      %add3A_1485 = vector.broadcast %add3A_1484 : i32 to vector<16xi32>
      %add3A_1486 = arith.addi %add3A_1483, %add3A_1485 : vector<16xi32>
      %jit3A_1487 = arith.constant 48 : i32
      %broadcast_in_dim3A_1488 = vector.broadcast %jit3A_1487 : i32 to vector<16xi32>
      %select_n3A_1489 = arith.select %and3A_1120, %add3A_1486, %broadcast_in_dim3A_1488 : vector<16xi1>, vector<16xi32>
      tpu.vector_store_idx %arg6[%select_n3A_1489, %select_n3A_1135], %get3A_336 masked %and3A_1120 : memref<72x384xf32, #tpu.memory_space<vmem>>[vector<16xi32>, vector<16xi32>], vector<16xf32>, vector<16xi1>
      %sub3A_1490 = arith.constant 5 : i32
      %sub3A_1491 = arith.subi %min3A_267, %sub3A_1490 : i32
      %add3A_1492 = vector.broadcast %sub3A_1491 : i32 to vector<16xi32>
      %add3A_1493 = arith.addi %div3A_342, %add3A_1492 : vector<16xi32>
      %add3A_1494 = arith.constant 24 : i32
      %add3A_1495 = vector.broadcast %add3A_1494 : i32 to vector<16xi32>
      %add3A_1496 = arith.addi %add3A_1493, %add3A_1495 : vector<16xi32>
      %add3A_1497 = arith.constant 48 : i32
      %add3A_1498 = vector.broadcast %add3A_1497 : i32 to vector<16xi32>
      %add3A_1499 = arith.addi %add3A_1496, %add3A_1498 : vector<16xi32>
      %jit3A_1500 = arith.constant 48 : i32
      %broadcast_in_dim3A_1501 = vector.broadcast %jit3A_1500 : i32 to vector<16xi32>
      %select_n3A_1502 = arith.select %and3A_1170, %add3A_1499, %broadcast_in_dim3A_1501 : vector<16xi1>, vector<16xi32>
      tpu.vector_store_idx %arg6[%select_n3A_1502, %select_n3A_1185], %get3A_353 masked %and3A_1170 : memref<72x384xf32, #tpu.memory_space<vmem>>[vector<16xi32>, vector<16xi32>], vector<16xf32>, vector<16xi1>
      %sub3A_1503 = arith.constant 5 : i32
      %sub3A_1504 = arith.subi %min3A_267, %sub3A_1503 : i32
      %add3A_1505 = vector.broadcast %sub3A_1504 : i32 to vector<16xi32>
      %add3A_1506 = arith.addi %div3A_359, %add3A_1505 : vector<16xi32>
      %add3A_1507 = arith.constant 24 : i32
      %add3A_1508 = vector.broadcast %add3A_1507 : i32 to vector<16xi32>
      %add3A_1509 = arith.addi %add3A_1506, %add3A_1508 : vector<16xi32>
      %add3A_1510 = arith.constant 48 : i32
      %add3A_1511 = vector.broadcast %add3A_1510 : i32 to vector<16xi32>
      %add3A_1512 = arith.addi %add3A_1509, %add3A_1511 : vector<16xi32>
      %jit3A_1513 = arith.constant 48 : i32
      %broadcast_in_dim3A_1514 = vector.broadcast %jit3A_1513 : i32 to vector<16xi32>
      %select_n3A_1515 = arith.select %and3A_1220, %add3A_1512, %broadcast_in_dim3A_1514 : vector<16xi1>, vector<16xi32>
      tpu.vector_store_idx %arg6[%select_n3A_1515, %select_n3A_1235], %get3A_370 masked %and3A_1220 : memref<72x384xf32, #tpu.memory_space<vmem>>[vector<16xi32>, vector<16xi32>], vector<16xf32>, vector<16xi1>
      %sub3A_1516 = arith.constant 5 : i32
      %sub3A_1517 = arith.subi %min3A_267, %sub3A_1516 : i32
      %add3A_1518 = vector.broadcast %sub3A_1517 : i32 to vector<16xi32>
      %add3A_1519 = arith.addi %div3A_376, %add3A_1518 : vector<16xi32>
      %add3A_1520 = arith.constant 24 : i32
      %add3A_1521 = vector.broadcast %add3A_1520 : i32 to vector<16xi32>
      %add3A_1522 = arith.addi %add3A_1519, %add3A_1521 : vector<16xi32>
      %add3A_1523 = arith.constant 48 : i32
      %add3A_1524 = vector.broadcast %add3A_1523 : i32 to vector<16xi32>
      %add3A_1525 = arith.addi %add3A_1522, %add3A_1524 : vector<16xi32>
      %jit3A_1526 = arith.constant 48 : i32
      %broadcast_in_dim3A_1527 = vector.broadcast %jit3A_1526 : i32 to vector<16xi32>
      %select_n3A_1528 = arith.select %and3A_1270, %add3A_1525, %broadcast_in_dim3A_1527 : vector<16xi1>, vector<16xi32>
      tpu.vector_store_idx %arg6[%select_n3A_1528, %select_n3A_1285], %get3A_387 masked %and3A_1270 : memref<72x384xf32, #tpu.memory_space<vmem>>[vector<16xi32>, vector<16xi32>], vector<16xf32>, vector<16xi1>
      %sub3A_1529 = arith.constant 5 : i32
      %sub3A_1530 = arith.subi %min3A_267, %sub3A_1529 : i32
      %add3A_1531 = vector.broadcast %sub3A_1530 : i32 to vector<16xi32>
      %add3A_1532 = arith.addi %div3A_393, %add3A_1531 : vector<16xi32>
      %add3A_1533 = arith.constant 24 : i32
      %add3A_1534 = vector.broadcast %add3A_1533 : i32 to vector<16xi32>
      %add3A_1535 = arith.addi %add3A_1532, %add3A_1534 : vector<16xi32>
      %add3A_1536 = arith.constant 48 : i32
      %add3A_1537 = vector.broadcast %add3A_1536 : i32 to vector<16xi32>
      %add3A_1538 = arith.addi %add3A_1535, %add3A_1537 : vector<16xi32>
      %jit3A_1539 = arith.constant 48 : i32
      %broadcast_in_dim3A_1540 = vector.broadcast %jit3A_1539 : i32 to vector<16xi32>
      %select_n3A_1541 = arith.select %and3A_1320, %add3A_1538, %broadcast_in_dim3A_1540 : vector<16xi1>, vector<16xi32>
      tpu.vector_store_idx %arg6[%select_n3A_1541, %select_n3A_1335], %get3A_404 masked %and3A_1320 : memref<72x384xf32, #tpu.memory_space<vmem>>[vector<16xi32>, vector<16xi32>], vector<16xf32>, vector<16xi1>
      %sub3A_1542 = arith.constant 5 : i32
      %sub3A_1543 = arith.subi %min3A_267, %sub3A_1542 : i32
      %add3A_1544 = vector.broadcast %sub3A_1543 : i32 to vector<16xi32>
      %add3A_1545 = arith.addi %div3A_410, %add3A_1544 : vector<16xi32>
      %add3A_1546 = arith.constant 24 : i32
      %add3A_1547 = vector.broadcast %add3A_1546 : i32 to vector<16xi32>
      %add3A_1548 = arith.addi %add3A_1545, %add3A_1547 : vector<16xi32>
      %add3A_1549 = arith.constant 48 : i32
      %add3A_1550 = vector.broadcast %add3A_1549 : i32 to vector<16xi32>
      %add3A_1551 = arith.addi %add3A_1548, %add3A_1550 : vector<16xi32>
      %jit3A_1552 = arith.constant 48 : i32
      %broadcast_in_dim3A_1553 = vector.broadcast %jit3A_1552 : i32 to vector<16xi32>
      %select_n3A_1554 = arith.select %and3A_1370, %add3A_1551, %broadcast_in_dim3A_1553 : vector<16xi1>, vector<16xi32>
      tpu.vector_store_idx %arg6[%select_n3A_1554, %select_n3A_1385], %get3A_421 masked %and3A_1370 : memref<72x384xf32, #tpu.memory_space<vmem>>[vector<16xi32>, vector<16xi32>], vector<16xf32>, vector<16xi1>
      %mul3A_1555 = arith.constant 2 : i32
      %mul3A_1556 = arith.muli %add3A, %mul3A_1555 : i32
      %add3A_1557 = arith.constant 1 : i32
      %add3A_1558 = arith.addi %mul3A_1556, %add3A_1557 : i32
      "tpu.region"() ({
        %run_scoped3A = tpu.sem_alloc : memref<!tpu.dma_semaphore, #tpu.memory_space<semaphore_mem>>
        %dma_start3A_1559 = arith.constant 48 : i32
        %dma_start3A_1560 = arith.constant 0 : i32
        %dma_start3A_1561 = tpu.memref_slice %arg6[%dma_start3A_1559, %dma_start3A_1560] : memref<72x384xf32, #tpu.memory_space<vmem>> -> memref<24x384xf32, #tpu.memory_space<vmem>>
        %dma_start3A_1562 = arith.constant 360 : i32
        %dma_start3A_1563 = arith.constant 0 : i32
        %dma_start3A_1564 = tpu.memref_slice %arg3[%add3A_1558, %dma_start3A_1562, %dma_start3A_1563] : memref<64x384x384xf32, #tpu.memory_space<hbm>> -> memref<1x24x384xf32, #tpu.memory_space<hbm>>
        %dma_start3A_1565 = tpu.memref_squeeze %dma_start3A_1564 : memref<1x24x384xf32, #tpu.memory_space<hbm>> -> memref<24x384xf32, #tpu.memory_space<hbm>>
        %dma_start3A_1566 = arith.constant 360 : i32
        %dma_start3A_1567 = arith.constant 0 : i32
        %dma_start3A_1568 = tpu.memref_slice %arg3[%add3A_1558, %dma_start3A_1566, %dma_start3A_1567] : memref<64x384x384xf32, #tpu.memory_space<hbm>> -> memref<1x24x384xf32, #tpu.memory_space<hbm>>
        %dma_start3A_1569 = tpu.memref_squeeze %dma_start3A_1568 : memref<1x24x384xf32, #tpu.memory_space<hbm>> -> memref<24x384xf32, #tpu.memory_space<hbm>>
        %dma_start3A_1570 = arith.constant 48 : i32
        %dma_start3A_1571 = arith.constant 0 : i32
        %dma_start3A_1572 = tpu.memref_slice %arg6[%dma_start3A_1570, %dma_start3A_1571] : memref<72x384xf32, #tpu.memory_space<vmem>> -> memref<24x384xf32, #tpu.memory_space<vmem>>
        tpu.enqueue_dma source(%dma_start3A_1572 : memref<24x384xf32, #tpu.memory_space<vmem>>) target(%dma_start3A_1569 : memref<24x384xf32, #tpu.memory_space<hbm>>) target_semaphore(%run_scoped3A : memref<!tpu.dma_semaphore, #tpu.memory_space<semaphore_mem>>)
        %dma_wait3A_1573 = arith.constant 48 : i32
        %dma_wait3A_1574 = arith.constant 0 : i32
        %dma_wait3A_1575 = tpu.memref_slice %arg6[%dma_wait3A_1573, %dma_wait3A_1574] : memref<72x384xf32, #tpu.memory_space<vmem>> -> memref<24x384xf32, #tpu.memory_space<vmem>>
        %dma_wait3A_1576 = arith.constant 360 : i32
        %dma_wait3A_1577 = arith.constant 0 : i32
        %dma_wait3A_1578 = tpu.memref_slice %arg3[%add3A_1558, %dma_wait3A_1576, %dma_wait3A_1577] : memref<64x384x384xf32, #tpu.memory_space<hbm>> -> memref<1x24x384xf32, #tpu.memory_space<hbm>>
        %dma_wait3A_1579 = tpu.memref_squeeze %dma_wait3A_1578 : memref<1x24x384xf32, #tpu.memory_space<hbm>> -> memref<24x384xf32, #tpu.memory_space<hbm>>
        %dma_wait3A_1580 = arith.constant 360 : i32
        %dma_wait3A_1581 = arith.constant 0 : i32
        %dma_wait3A_1582 = tpu.memref_slice %arg3[%add3A_1558, %dma_wait3A_1580, %dma_wait3A_1581] : memref<64x384x384xf32, #tpu.memory_space<hbm>> -> memref<1x24x384xf32, #tpu.memory_space<hbm>>
        %dma_wait3A_1583 = tpu.memref_squeeze %dma_wait3A_1582 : memref<1x24x384xf32, #tpu.memory_space<hbm>> -> memref<24x384xf32, #tpu.memory_space<hbm>>
        %dma_wait3A_1584 = arith.constant 48 : i32
        %dma_wait3A_1585 = arith.constant 0 : i32
        %dma_wait3A_1586 = tpu.memref_slice %arg6[%dma_wait3A_1584, %dma_wait3A_1585] : memref<72x384xf32, #tpu.memory_space<vmem>> -> memref<24x384xf32, #tpu.memory_space<vmem>>
        tpu.wait_dma2 semaphore(%run_scoped3A : memref<!tpu.dma_semaphore, #tpu.memory_space<semaphore_mem>>) src(%dma_wait3A_1586 : memref<24x384xf32, #tpu.memory_space<vmem>>) dst(%dma_wait3A_1583 : memref<24x384xf32, #tpu.memory_space<hbm>>)
        tpu.yield
      }) : () -> ()
      tpu.vector_store_idx %arg6[%select_n3A_1463, %select_n3A_1035], %broadcast_in_dim3A_12 masked %and3A_1020 : memref<72x384xf32, #tpu.memory_space<vmem>>[vector<16xi32>, vector<16xi32>], vector<16xf32>, vector<16xi1>
      tpu.vector_store_idx %arg6[%select_n3A_1476, %select_n3A_1085], %broadcast_in_dim3A_12 masked %and3A_1070 : memref<72x384xf32, #tpu.memory_space<vmem>>[vector<16xi32>, vector<16xi32>], vector<16xf32>, vector<16xi1>
      tpu.vector_store_idx %arg6[%select_n3A_1489, %select_n3A_1135], %broadcast_in_dim3A_12 masked %and3A_1120 : memref<72x384xf32, #tpu.memory_space<vmem>>[vector<16xi32>, vector<16xi32>], vector<16xf32>, vector<16xi1>
      tpu.vector_store_idx %arg6[%select_n3A_1502, %select_n3A_1185], %broadcast_in_dim3A_12 masked %and3A_1170 : memref<72x384xf32, #tpu.memory_space<vmem>>[vector<16xi32>, vector<16xi32>], vector<16xf32>, vector<16xi1>
      tpu.vector_store_idx %arg6[%select_n3A_1515, %select_n3A_1235], %broadcast_in_dim3A_12 masked %and3A_1220 : memref<72x384xf32, #tpu.memory_space<vmem>>[vector<16xi32>, vector<16xi32>], vector<16xf32>, vector<16xi1>
      tpu.vector_store_idx %arg6[%select_n3A_1528, %select_n3A_1285], %broadcast_in_dim3A_12 masked %and3A_1270 : memref<72x384xf32, #tpu.memory_space<vmem>>[vector<16xi32>, vector<16xi32>], vector<16xf32>, vector<16xi1>
      tpu.vector_store_idx %arg6[%select_n3A_1541, %select_n3A_1335], %broadcast_in_dim3A_12 masked %and3A_1320 : memref<72x384xf32, #tpu.memory_space<vmem>>[vector<16xi32>, vector<16xi32>], vector<16xf32>, vector<16xi1>
      tpu.vector_store_idx %arg6[%select_n3A_1554, %select_n3A_1385], %broadcast_in_dim3A_12 masked %and3A_1370 : memref<72x384xf32, #tpu.memory_space<vmem>>[vector<16xi32>, vector<16xi32>], vector<16xf32>, vector<16xi1>
    } else {
    }
    return
  }
}

</mosaic_0001>

<sc_bundles>
// kernel: _heatmap_sc.3.cloned.1.call-start
scs
__scs_entry_jumppad:
0x0: {  	(pc) =	sbr.rel $0x88, $3  }
0x1: {  	(tag) =	ssettag $0x0;
	lr =	simm.s32 $0x1  }
0x2: {  	[smem:$0x3FA0] =	sst lr;
	_ =	strace $0xD0000000  }
0x3: {  	_ = 	snop  }
0x4: {  	_ = 	snop  }
0x5: {  	_ = 	snop  }
0x6: {  	_ = 	snop  }
0x7: {  	_ = 	snop  }
__scs_overlays_trampoline_lowered:
0x8: {  	[smem:$0x3FAF] =	sst s0  }
0x9: {  	[smem:$0x3FB0] =	sst s1  }
0xa: {  	[smem:$0x3FB1] =	sst s2  }
0xb: {  	[smem:$0x3FB2] =	sst s3  }
0xc: {  	[smem:$0x3FB3] =	sst s4  }
0xd: {  	[smem:$0x3FB4] =	sst s5  }
0xe: {  	[smem:$0x3FB5] =	sst s6  }
0xf: {  	[smem:$0x3FB6] =	sst s7  }
0x10: {  	[smem:$0x3FB7] =	sst s8  }
0x11: {  	[smem:$0x3FB8] =	sst s9;
	s0 =	simm.s32 @!p0 $0x0  }
0x12: {  	s1 =	sld [smem:$0x3F9E];
	s0 =	simm.s32 @p0 $0x1  }
0x13: {  	[smem:$0x3FB9] =	sst s0;
	s0 =	simm.s32 @!p1 $0x0  }
0x14: {  	s2 =	sld [smem:$0x3F9D];
	s0 =	simm.s32 @p1 $0x1  }
0x15: {  	[smem:$0x3FBA] =	sst s0;
	s0 =	simm.s32 @!p2 $0x0  }
0x16: {  	s3 =	sld [smem:$0x3FDB];
	s0 =	simm.s32 @p2 $0x1  }
0x17: {  	s4 =	simm.s32 $0x1BF5;
	[smem:$0x3FBC] =	sst s0  }
0x18: {  	s0 =	sld [smem:$0x3F9F];
	_ =	swait.ge [sflag:s4], $0x0  }
0x19: {  	s7 =	sld [smem:$0x3FA0]  }
0x1a: {  	s8 =	sadd.s32 $0xFFFFE003, lr  }
0x1b: {  	s9 =	sadd.s32 $0xFFFFFEF7, lr;
	s5 =	simm.s32 $0xFFFFFFFF;
	p2 =	slt.u32 s8, $0xFFFFF086  }
0x1c: {  	p1 =	slt.u32 s9, $0xF7A;
	s5 =	simm.s32 @!p2 $0x0  }
0x1d: {  	s5 =	simm.s32 @p1 $0x1;
	p0 =	seq.s32 s7, s2  }
0x1e: {  	s7 =	smul.u32 @!p0 $0xF7A, s2;
	p2 =	seq.s32 @!p0 s5, $0x0  }
0x1f: {  	s9 =	smul.u32 $0xF7A, s1;
	s8 =	simm.s32 @!p0 $0x1BF5;
	p2 =	por !p2, p0  }
0x20: {  	[sflag:s8] =	ssyncset.s32 @!p0 $0xFFFFF086;
	s6 =	sadd.s32 @!p0 s3, s7;
	s7 =	simm.s32 @!p0 $0x108  }
0x21: {  	s3 =	sadd.s32 s3, s9;
	s6 =	sadd.s32 @!p0 $0x88, s6;
	s7 =	simm.s32 @p2 $0x1082  }
0x22: {  	[simem:s7], [sflag:s8] =	dma.local @!p0 [hbm:s6], $0xF7A  }
0x23: {  	s9 =	sor.u32 $0xD0000000, s2;
	s6 =	simm.s32 $0x108;
	_ =	swait.ge @!p0 [sflag:s8], $0x0  }
0x24: {  	s3 =	sadd.s32 $0x88, s3;
	s6 =	simm.s32 @!p1 $0x1082;
	[sflag:s4] =	ssyncset.s32 $0xFFFFF086  }
0x25: {  	[simem:s6], [sflag:s4] =	dma.local [hbm:s3], $0xF7A  }
0x26: {  	[smem:$0x3FA0] =	sst s1;
	(tag) =	ssettag s2;
	_ =	strace s9  }
0x27: {  	s1 =	sld [smem:$0x3FB0]  }
0x28: {  	s2 =	sld [smem:$0x3FB1]  }
0x29: {  	s4 =	sld [smem:$0x3FB3]  }
0x2a: {  	p0 =	seq.s32 s5, $0x0;
	s5 =	sld [smem:$0x3FB4]  }
0x2b: {  	s6 =	sld [smem:$0x3FB5]  }
0x2c: {  	s7 =	sld [smem:$0x3FB6]  }
0x2d: {  	s3 =	simm.s32 $0x108;
	s8 =	sld [smem:$0x3FB7]  }
0x2e: {  	s3 =	simm.s32 @!p0 $0x1082;
	s9 =	sld [smem:$0x3FB8]  }
0x2f: {  	lr =	sadd.s32 s0, s3;
	s0 =	sld [smem:$0x3FAF]  }
0x30: {  	s3 =	sld [smem:$0x3FB2]  }
0x31: {  	[smem:$0x3FBB] =	sst s10  }
0x32: {  	s10 =	sld [smem:$0x3FB9];
	_ =	sdelay $0x3  }
0x33: {  	p0 =	seq.s32 s10, $0x1;
	s10 =	sld [smem:$0x3FBB];
	_ =	sdelay $0x3  }
0x34: {  	[smem:$0x3FBB] =	sst s10  }
0x35: {  	s10 =	sld [smem:$0x3FBA];
	_ =	sdelay $0x3  }
0x36: {  	p1 =	seq.s32 s10, $0x1;
	s10 =	sld [smem:$0x3FBB];
	_ =	sdelay $0x3  }
0x37: {  	[smem:$0x3FBB] =	sst s10  }
0x38: {  	s10 =	sld [smem:$0x3FBC]  }
0x39: {  	_ = 	snop;
	(pc) =	sbr.ind lr, $3  }
0x3a: {  	_ = 	snop  }
0x3b: {  	_ = 	snop  }
0x3c: {  	p2 =	seq.s32 s10, $0x1;
	s10 =	sld [smem:$0x3FBB]  }
0x3d: {  	_ =	shalt  }
0x3e: {  	_ =	shalt  }
0x3f: {  	_ =	shalt  }
0x40: {  	_ =	shalt  }
0x41: {  	_ =	shalt  }
0x42: {  	_ =	shalt  }
0x43: {  	_ =	shalt  }
0x44: {  	_ =	shalt  }
0x45: {  	_ =	shalt  }
0x46: {  	_ =	shalt  }
0x47: {  	_ =	shalt  }
0x48: {  	_ =	shalt  }
0x49: {  	_ =	shalt  }
0x4a: {  	_ =	shalt  }
0x4b: {  	_ =	shalt  }
0x4c: {  	_ =	shalt  }
0x4d: {  	_ =	shalt  }
0x4e: {  	_ =	shalt  }
0x4f: {  	_ =	shalt  }
0x50: {  	_ =	shalt  }
0x51: {  	_ =	shalt  }
0x52: {  	_ =	shalt  }
0x53: {  	_ =	shalt  }
0x54: {  	_ =	shalt  }
0x55: {  	_ =	shalt  }
0x56: {  	_ =	shalt  }
0x57: {  	_ =	shalt  }
0x58: {  	_ =	shalt  }
0x59: {  	_ =	shalt  }
0x5a: {  	_ =	shalt  }
0x5b: {  	_ =	shalt  }
0x5c: {  	_ =	shalt  }
0x5d: {  	_ =	shalt  }
0x5e: {  	_ =	shalt  }
0x5f: {  	_ =	shalt  }
0x60: {  	_ =	shalt  }
0x61: {  	_ =	shalt  }
0x62: {  	_ =	shalt  }
0x63: {  	_ =	shalt  }
0x64: {  	_ =	shalt  }
0x65: {  	_ =	shalt  }
0x66: {  	_ =	shalt  }
0x67: {  	_ =	shalt  }
0x68: {  	_ =	shalt  }
0x69: {  	_ =	shalt  }
0x6a: {  	_ =	shalt  }
0x6b: {  	_ =	shalt  }
0x6c: {  	_ =	shalt  }
0x6d: {  	_ =	shalt  }
0x6e: {  	_ =	shalt  }
0x6f: {  	_ =	shalt  }
0x70: {  	_ =	shalt  }
0x71: {  	_ =	shalt  }
0x72: {  	_ =	shalt  }
0x73: {  	_ =	shalt  }
0x74: {  	_ =	shalt  }
0x75: {  	_ =	shalt  }
0x76: {  	_ =	shalt  }
0x77: {  	_ =	shalt  }
0x78: {  	_ =	shalt  }
0x79: {  	_ =	shalt  }
0x7a: {  	_ =	shalt  }
0x7b: {  	_ =	shalt  }
0x7c: {  	_ =	shalt  }
0x7d: {  	_ =	shalt  }
0x7e: {  	_ =	shalt  }
0x7f: {  	_ =	shalt  }
0x80: {  	_ =	shalt  }
0x81: {  	_ =	shalt  }
0x82: {  	_ =	shalt  }
0x83: {  	_ =	shalt  }
0x84: {  	_ =	shalt  }
0x85: {  	_ =	shalt  }
0x86: {  	_ =	shalt  }
0x87: {  	_ =	shalt  }
.Lfunc_end0:
.L_simem_size_0:
called_computation_lowered:
.L_overlay_start_0:
0x88: {  	s2 =	sld [smem:$0x3FD9]  }
0x89: {  	s3 =	sld [smem:$0x3FFE];
	_ =	sdelay $0x1  }
0x8a: {  	s1 =	srdreg.scid  }
0x8b: {  	s0 =	sand.u32 $0x1, s1  }
0x8c: {  	s17 =	sshll.u32 s0, $0xA;
	s2 =	sadd.s32 s3, s2  }
0x8d: {  	s2 =	sadd.s32 s2, s17  }
0x8e: {  	[smem:$0x3FC7] =	sst s2  }
0x8f: {  	_ = 	snop  }
0x90: {  	s2 =	sld [smem:$0x3FD0];
	(tm) =	ssettm $0x1  }
0x91: {  	s18 =	sld [smem:$0x3FFB];
	_ =	sdelay $0x3  }
0x92: {  	_ =	strace s18  }
0x93: {  	s3 =	sld [smem:$0x3FFC];
	_ =	sdelay $0x3  }
0x94: {  	_ =	strace s3  }
0x95: {  	s3 =	sld [smem:$0x3FFD];
	_ =	sdelay $0x3  }
0x96: {  	_ =	strace s3  }
0x97: {  	_ =	strace $0x8FFFFFFF  }
0x98: {  	s19 =	sld [smem:$0x3FDB];
	_ =	sdelay $0x1  }
0x99: {  	s4 =	simm.s32 $_scs_section_size  }
0x9a: {  	s5 =	simm.s32 $_size__tile_overlayer_lowered;
	s6 =	simm.s32 $_tile_overlayer_lowered  }
0x9b: {  	s22 =	simm.s32 $0x1BFF;
	s21 =	sshll.u32 s6, $0x1;
	s3 =	sadd.s32 s4, s19  }
0x9c: {  	s7 =	simm.s32 $0x0;
	s20 =	sshll.u32 s5, $0x1;
	s5 =	sadd.s32 s21, s3  }
0x9d: {  	[timem:s7], [sflag:s22] =	dma.local [hbm:s5], s20  }
0x9e: {  	_ =	swait.ge [sflag:s22], s20  }
0x9f: {  	s4 =	ssub.s32 $0x0, s20;
	[sflag:s22] =	ssyncset.done $0x0  }
0xa0: {  	[sflag:s22] =	ssyncadd.s32 s4;
	_ =	sdelay $0x1  }
0xa1: {  	s23 =	simm.s32 $0x1B8B  }
0xa2: {  	_ =	swait.ge [sflag:s23], $0x1  }
0xa3: {  	[sflag:s23] =	ssyncset.done $0x0  }
0xa4: {  	s25 =	simm.s32 $0x1B8E;
	s24 =	sld [smem:$0x3FFE];
	[sflag:s23] =	ssyncadd.s32 $0xFFFFFFFF  }
0xa5: {  	s26 =	simm.s32 $execute0_lowered;
	[smem:$0x3FD2] =	sst s25  }
0xa6: {  	s5 =	sshll.u32 s26, $0x1;
	_ =	strace $0x80000046;
	[dreg:$0x1] =	wrdreg $0xFFFFFFFF  }
0xa7: {  	s28 =	simm.s32 $_size_execute0_lowered;
	s3 =	sadd.s32 s3, s5;
	[dreg:$0x0] =	wrdreg $0x0  }
0xa8: {  	s5 =	sshll.u32 s28, $0x1;
	[dreg:$0x2] =	wrdreg s3  }
0xa9: {  	[dreg:$0x3] =	wrdreg s5  }
0xaa: {  	[dreg:$0x4] =	wrdreg $0xC0  }
0xab: {  	_ =	task [dreg:s7], $0x5FFFF  }
0xac: {  	[dreg:$0x1] =	wrdreg $0xFFFFFFFF  }
0xad: {  	[dreg:$0x0] =	wrdreg $0x60  }
0xae: {  	[dreg:$0x2] =	wrdreg s24  }
0xaf: {  	[dreg:$0x3] =	wrdreg s2  }
0xb0: {  	[dreg:$0x4] =	wrdreg $0x9  }
0xb1: {  	_ =	task.clear_ibuf [dreg:s7], $0x5FFFF;
	_ =	strace $0x90000046  }
0xb2: {  	s29 =	simm.s32 $0x9;
	_ =	strace $0x80000048  }
0xb3: {  	_ =	swait.ge [sflag:s29], $0x1  }
0xb4: {  	[sflag:s29] =	ssyncadd.s32 $0xFFFFFFFF  }
0xb5: {  	_ =	strace $0x90000048  }
0xb6: {  	_ =	sfence  }
0xb7: {  	s30 =	sld [smem:$0x0];
	_ =	sdelay $0x2  }
0xb8: {  	s31 =	sshll.u32 s1, $0xD;
	s1 =	sshrl.u32 s1, $0x2  }
0xb9: {  	s3 =	sand.u32 $0x4000, s31;
	s1 =	sadd.s32 s1, s30  }
0xba: {  	s0 =	sor.u32 s3, s0;
	s1 =	sshll.u32 s1, $0x11  }
0xbb: {  	s0 =	sor.u32 s1, s0  }
0xbc: {  	s0 =	sadd.s32 $0x8F2B, s0  }
0xbd: {  	[sflag:s0] =	ssyncadd.remote.s32 $0x1  }
0xbe: {  	_ =	sfence.sel $0xFFFF  }
0xbf: {  	[dreg:$0x0] =	wrdreg $0xFFFFFFFF;
	(pc) =	sbr.abs _section_cstart, $3  }
0xc0: {  	[dreg:$0x1] =	wrdreg $0xFFFFFFFF  }
0xc1: {  	_ =	task.clear_ibuf [dreg:s7], $0x2FFFF;
	_ =	strace $0x9FFFFFFF  }
0xc2: {  	(tm) =	ssettm $0x7FFFFFFF  }
0xc3: {  	_ =	shalt  }
tec
execute0_lowered:
.L_overlay_start_1:
0x0: {  	(tag) =	ssettag $0x1  }
0x1: {  	v0 =	vimm.s32 $0x76543210  }
0x2: {  	vm0 =	vcmask $0x2B00;
	v1 =	vimm.s32 $0x1;
	v2 =	vimm.s32 $0x43210A98  }
0x3: {  	vm1 =	vcmask $0x300;
	v60 =	vimm.s32 $0x184;
	v61 =	vimm.s32 $0x189  }
0x4: {  	v3 =	vimm.s32 $0x183;
	v4 =	vimm.s32 $0x188;
	v5 =	vimm.s32 $0x182  }
0x5: {  	v6 =	vimm.s32 $0x187;
	v7 =	vimm.s32 $0x181;
	v8 =	vimm.s32 $0x186  }
0x6: {  	vm7 =	vcmask $0x704;
	vm8 =	vcmask $0xB08;
	vm9 =	vcmask $0xF0C  }
0x7: {  	vm10 =	vcmask $0x1714;
	vm11 =	vcmask $0x1B18;
	vm12 =	vcmask $0x1F1C  }
0x8: {  	vm13 =	vcmask $0x2320;
	vm14 =	vcmask $0x2724;
	vm15 =	vcmask $0x2B28  }
0x9: {  	vm4 =	vcmask $0x2F2C;
	vm5 =	vcmask $0x3330;
	vm6 =	vcmask $0x3734  }
0xa: {  	v62 =	vimm.s32 $0x2;
	v12 =	vimm.s32 $0x10A98765;
	v14 =	vimm.s32 $0x98765432  }
0xb: {  	v15 =	vimm.s32 $0x3030302;
	v16 =	vimm.s32 $0x19;
	v17 =	vimm.s32 $0x49  }
0xc: {  	v18 =	vimm.s32 $0x1A;
	v19 =	vimm.s32 $0x4A;
	v32 =	vimm.s32 $0x4B4B4B4A  }
0xd: {  	v33 =	vimm.s32 $0x5;
	v36 =	vimm.s32 $0x1E1E1D1D;
	v37 =	vimm.s32 $0x1D  }
0xe: {  	v38 =	vimm.s32 $0x4E4E4D4D;
	v40 =	vimm.s32 $0x4D;
	v23 =	vimm.f32 $0.0e+00  }
0xf: {  	v45 =	vimm.s32 $0x3210A987;
	v46 =	vimm.s32 $0x6543210A;
	v47 =	vimm.s32 $0x87654321  }
0x10: {  	v48 =	vimm.s32 $0xA9876543;
	v52 =	vimm.s32 $0x9080808;
	v53 =	vimm.s32 $0x21202020  }
0x11: {  	v54 =	vimm.s32 $0x51505050;
	v55 =	vlaneseq.u32;
	v57 =	vimm.s32 $0xB  }
0x12: {  	v0 =	vunpack.c.l.s4.s8 v0;
	v1 =	vsel vm0, $0x0, v1;
	v59 =	vunpack.c.l.s4.s8 v2  }
0x13: {  	v2 =	vsel vm1, $0x185, v61;
	v3 =	vsel vm1, $0x18A, v3;
	v4 =	vsel vm1, $0x184, v4  }
0x14: {  	v5 =	vsel vm1, $0x189, v5;
	v6 =	vsel vm1, $0x183, v6;
	v7 =	vsel vm1, $0x188, v7  }
0x15: {  	v8 =	vsel vm1, $0x182, v8;
	v13 =	vunpack.c.l.s4.s8 v12;
	v12 =	vimm.s32 $0xA987654  }
0x16: {  	v56 =	vshrl.u32 v55, $0x3;
	v61 =	vimm.s32 $0x53;
	[tilespmem:$0x1FE00] =	vst v1;
	v1 =	vsel vm1, $0x180, v60  }
0x17: {  	v2 =	vsel vm7, $0x186, v2;
	v3 =	vsel vm7, $0x180, v3;
	v4 =	vsel vm7, $0x185, v4  }
0x18: {  	v5 =	vsel vm7, $0x18A, v5;
	v6 =	vsel vm7, $0x184, v6;
	v7 =	vsel vm7, $0x189, v7  }
0x19: {  	v8 =	vsel vm7, $0x183, v8;
	v12 =	vunpack.c.l.s4.s8 v12;
	v30 =	vadd.s32 $0x7, v56  }
0x1a: {  	v60 =	vimm.s32 $0x23;
	v31 =	vunpack.c.0.s8.s32 v0;
	v1 =	vsel vm7, $0x181, v1  }
0x1b: {  	v2 =	vsel vm8, $0x187, v2;
	v3 =	vsel vm8, $0x181, v3;
	v4 =	vsel vm8, $0x186, v4  }
0x1c: {  	v5 =	vsel vm8, $0x180, v5;
	v6 =	vsel vm8, $0x185, v6;
	v7 =	vsel vm8, $0x18A, v7  }
0x1d: {  	v8 =	vsel vm8, $0x184, v8;
	vm7 =	vcmask $0x3B38;
	v0 =	vunpack.c.0.s8.s32 v59  }
0x1e: {  	v1 =	vsel vm8, $0x182, v1;
	v2 =	vsel vm9, $0x188, v2;
	v3 =	vsel vm9, $0x182, v3  }
0x1f: {  	v4 =	vsel vm9, $0x187, v4;
	v5 =	vsel vm9, $0x181, v5;
	v6 =	vsel vm9, $0x186, v6  }
0x20: {  	v7 =	vsel vm9, $0x180, v7;
	v8 =	vsel vm9, $0x185, v8;
	vm8 =	vcmask $0x1700  }
0x21: {  	v12 =	vunpack.c.0.s8.s32 v12;
	v1 =	vsel vm9, $0x183, v1;
	v2 =	vsel vm10, $0x18A, v2  }
0x22: {  	v3 =	vsel vm10, $0x184, v3;
	v4 =	vsel vm10, $0x189, v4;
	v5 =	vsel vm10, $0x183, v5  }
0x23: {  	v6 =	vsel vm10, $0x188, v6;
	v7 =	vsel vm10, $0x182, v7;
	v8 =	vsel vm10, $0x187, v8  }
0x24: {  	vm9 =	vcmask $0xF00;
	v44 =	vcombine.low v31, v0;
	v1 =	vsel vm10, $0x185, v1  }
0x25: {  	v2 =	vsel vm11, $0x180, v2;
	v3 =	vsel vm11, $0x185, v3;
	v4 =	vsel vm11, $0x18A, v4  }
0x26: {  	v5 =	vsel vm11, $0x184, v5;
	v6 =	vsel vm11, $0x189, v6;
	v7 =	vsel vm11, $0x183, v7  }
0x27: {  	v8 =	vsel vm11, $0x188, v8;
	vm10 =	vcmask $0x2F10;
	v1 =	vsel vm11, $0x186, v1  }
0x28: {  	v2 =	vsel vm12, $0x181, v2;
	v3 =	vsel vm12, $0x186, v3;
	v4 =	vsel vm12, $0x180, v4  }
0x29: {  	v5 =	vsel vm12, $0x185, v5;
	v6 =	vsel vm12, $0x18A, v6;
	v7 =	vsel vm12, $0x184, v7  }
0x2a: {  	v8 =	vsel vm12, $0x189, v8;
	vm11 =	vcmask $0x1B00;
	v1 =	vsel vm12, $0x187, v1  }
0x2b: {  	v2 =	vsel vm13, $0x182, v2;
	v3 =	vsel vm13, $0x187, v3;
	v4 =	vsel vm13, $0x181, v4  }
0x2c: {  	v5 =	vsel vm13, $0x186, v5;
	v6 =	vsel vm13, $0x180, v6;
	v7 =	vsel vm13, $0x185, v7  }
0x2d: {  	v8 =	vsel vm13, $0x18A, v8;
	v39 =	vsel vm11, $0x1C, v37;
	v41 =	vsel vm11, $0x4C, v40  }
0x2e: {  	vm12 =	vcmask $0x3310;
	v1 =	vsel vm13, $0x188, v1;
	v2 =	vsel vm14, $0x183, v2  }
0x2f: {  	v3 =	vsel vm14, $0x188, v3;
	v4 =	vsel vm14, $0x182, v4;
	v5 =	vsel vm14, $0x187, v5  }
0x30: {  	v6 =	vsel vm14, $0x181, v6;
	v7 =	vsel vm14, $0x186, v7;
	v8 =	vsel vm14, $0x180, v8  }
0x31: {  	vm13 =	vcmask $0x3710;
	v1 =	vsel vm14, $0x189, v1;
	v2 =	vsel vm15, $0x184, v2  }
0x32: {  	v3 =	vsel vm15, $0x189, v3;
	v4 =	vsel vm15, $0x183, v4;
	v5 =	vsel vm15, $0x188, v5  }
0x33: {  	v6 =	vsel vm15, $0x182, v6;
	v7 =	vsel vm15, $0x187, v7;
	v8 =	vsel vm15, $0x181, v8  }
0x34: {  	vm14 =	vcmask $0x2300;
	v1 =	vsel vm15, $0x18A, v1;
	v2 =	vsel vm4, $0x185, v2  }
0x35: {  	v3 =	vsel vm4, $0x18A, v3;
	v4 =	vsel vm4, $0x184, v4;
	v5 =	vsel vm4, $0x189, v5  }
0x36: {  	v6 =	vsel vm4, $0x183, v6;
	v7 =	vsel vm4, $0x188, v7;
	v8 =	vsel vm4, $0x182, v8  }
0x37: {  	vm15 =	vmmov $0x1ff;
	v1 =	vsel vm4, $0x180, v1;
	v2 =	vsel vm5, $0x186, v2  }
0x38: {  	v3 =	vsel vm5, $0x180, v3;
	v4 =	vsel vm5, $0x185, v4;
	v5 =	vsel vm5, $0x18A, v5  }
0x39: {  	[tilespmem:$0x1FF20] =	vst v39;
	v6 =	vsel vm5, $0x184, v6;
	v7 =	vsel vm5, $0x189, v7;
	v2 =	vsel vm6, $0x187, v2  }
0x3a: {  	[tilespmem:$0x1FF30] =	vst v41;
	v8 =	vsel vm5, $0x183, v8;
	v3 =	vsel vm6, $0x181, v3;
	v2 =	vsel vm7, $0x188, v2  }
0x3b: {  	v1 =	vsel vm5, $0x181, v1;
	v4 =	vsel vm6, $0x186, v4;
	v63 =	vsel vm7, $0x182, v3;
	[tilespmem:$0x1FE20] =	vst v2  }
0x3c: {  	v5 =	vsel vm6, $0x180, v5;
	v6 =	vsel vm6, $0x185, v6;
	v4 =	vsel vm7, $0x187, v4;
	[tilespmem:$0x1FE30] =	vst v63  }
0x3d: {  	v7 =	vsel vm6, $0x18A, v7;
	v8 =	vsel vm6, $0x184, v8;
	v5 =	vsel vm7, $0x181, v5;
	[tilespmem:$0x1FE40] =	vst v4  }
0x3e: {  	v1 =	vsel vm6, $0x182, v1;
	v9 =	vsel vm7, $0x186, v6;
	v10 =	vsel vm7, $0x180, v7;
	[tilespmem:$0x1FE50] =	vst v5  }
0x3f: {  	v11 =	vsel vm7, $0x185, v8;
	v3 =	vunpack.c.0.s8.s32 v15;
	v15 =	vimm.s32 $0x543210A9;
	[tilespmem:$0x1FE70] =	vst v10  }
0x40: {  	v1 =	vsel vm7, $0x183, v1;
	[tilespmem:$0x1FE80] =	vst v11;
	v2 =	vunpack.c.l.s4.s8 v14;
	v4 =	vsel vm0, $0x18, v16  }
0x41: {  	v10 =	vimm.s32 $0x1B1B1B1A;
	v11 =	vimm.s32 $0x6060505;
	v15 =	vunpack.c.l.s4.s8 v15;
	[tilespmem:$0x1FE10] =	vst v1  }
0x42: {  	v63 =	vadd.s32 $0x1F, v56;
	v1 =	vsel vm8, $0x1, v62;
	[tilespmem:$0x1FEA0] =	vst v4;
	v4 =	vsel vm0, $0x48, v17  }
0x43: {  	v3 =	vnsel vm9, $0x4, v3;
	v10 =	vunpack.c.0.s8.s32 v10;
	v11 =	vunpack.c.0.s8.s32 v11;
	[tilespmem:$0x1FE90] =	vst v1  }
0x44: {  	[tilespmem:$0x1FEB0] =	vst v4;
	v4 =	vsel vm8, $0x19, v18;
	v3 =	vsel vm10, $0x3, v3;
	v1 =	vunpack.c.0.s8.s32 v13  }
0x45: {  	v2 =	vunpack.c.0.s8.s32 v2;
	v13 =	vimm.s32 $0x210A9876;
	v15 =	vunpack.c.0.s8.s32 v15;
	[tilespmem:$0x1FEC0] =	vst v4  }
0x46: {  	v4 =	vsel vm8, $0x49, v19;
	[tilespmem:$0x1FEE0] =	vst v3;
	v10 =	vnsel vm9, $0x1C, v10;
	v3 =	vsel vm11, $0x4, v33  }
0x47: {  	v35 =	vnsel vm9, $0x7, v11;
	v11 =	vunpack.c.0.s8.s32 v38;
	[tilespmem:$0x1FED0] =	vst v4;
	v4 =	vunpack.c.0.s8.s32 v32  }
0x48: {  	s0 =	rddreg [dreg:$0x0];
	s1 =	srdreg.scid;
	v13 =	vunpack.c.l.s4.s8 v13;
	v34 =	vsel vm10, $0x1B, v10;
	[tilespmem:$0x1FF10] =	vst v3;
	v3 =	vsel vm12, $0x6, v35  }
0x49: {  	s2 =	stileid.u32;
	s14 =	rddreg [dreg:$0x1];
	s3 =	simm.s32 $0x0;
	[tilespmem:$0x1FE60] =	vst v9;
	v10 =	vunpack.c.l.s4.s8 v46;
	v16 =	vcombine.low v1, v2;
	v4 =	vnsel vm9, $0x4C, v4  }
0x4a: {  	s24 =	simm.s32 $0x480;
	s25 =	simm.s32 $0x1;
	s28 =	simm.s32 $0x3;
	[tilespmem:$0x1FEF0] =	vst v34;
	v43 =	vnsel vm9, $0x4F, v11;
	v11 =	vunpack.c.l.s4.s8 v47;
	v4 =	vsel vm10, $0x4B, v4  }
0x4b: {  	s30 =	simm.s32 $0x4;
	s1 =	sand.u32 $0x1, s1;
	s2 =	sshll.u32 s2, $0x1;
	v0 =	vcombine.low v0, v1;
	v13 =	vunpack.c.0.s8.s32 v13;
	[tilespmem:$0x1FF00] =	vst v4;
	v4 =	vunpack.c.0.s8.s32 v36  }
0x4c: {  	[smem:$0x7FF] =	sst s3;
	s2 =	sor.u32 s1, s2;
	s1 =	ssub.s32 $0x2, s1;
	[tilespmem:$0x1FF40] =	vst v3;
	v3 =	vsel vm12, $0x4E, v43;
	v10 =	vunpack.c.0.s8.s32 v10;
	v11 =	vunpack.c.0.s8.s32 v11  }
0x4d: {  	s4 =	smul.u32 $0x48000, s2;
	s2 =	sshll.u32 s2, $0x4;
	s5 =	sshrl.u32 s1, $0x1;
	v50 =	vand.u32 $0xF, v16;
	[tilespmem:$0x1FF60] =	vst v3;
	v3 =	vand.u32 $0xF, v44;
	v4 =	vnsel vm9, $0x1F, v4  }
0x4e: {  	s7 =	sadd.s32 $0x600, s0;
	s2 =	sadd.s32 s2, s0;
	s1 =	ssub.s32 s1, s5;
	[tilespmem:$0x1FF70] =	vst v3;
	v11 =	vcombine.low v12, v11;
	v42 =	vsel vm12, $0x1E, v4;
	v4 =	vunpack.c.l.s4.s8 v45  }
0x4f: {  	s0 =	simm.s32 $0x0;
	s6 =	sshrl.u32 s4, $0x3;
	s2 =	sadd.s32 $0x400, s2;
	v35 =	vand.u32 $0xF, v0;
	v0 =	vsel vm14, $0x22, v60;
	v12 =	vunpack.c.l.s4.s8 v48;
	[tilespmem:$0x1FF50] =	vst v42  }
0x50: {  	s9 =	sadd.s32 $0x24000, s4;
	s22 =	smax.u32 s1, $0x1;
	v49 =	vcombine.low v15, v13;
	v27 =	vand.u32 $0xF, v11;
	v4 =	vunpack.c.0.s8.s32 v4;
	_ =	strace $0x80000047;
	[tilespmem:$0x1FF80] =	vst v50  }
0x51: {  	s1 =	simm.s32 $0x5;
	s6 =	sadd.s32 s14, s6;
	s26 =	sshrl.u32 s9, $0x3;
	v51 =	vunpack.c.0.s8.s32 v12;
	v11 =	vunpack.c.0.s8.s32 v53;
	v12 =	vunpack.c.0.s8.s32 v54;
	[tilespmem:$0x1FFB0] =	vst v0  }
0x52: {  	s8 =	sadd.s32 $0xC00, s6;
	s10 =	sadd.s32 $0x1800, s6;
	s11 =	sadd.s32 $0x2400, s6;
	v62 =	vimm.s32 $0x0;
	v2 =	vcombine.low v2, v10;
	[tilespmem:$0x1FFE0] =	vst v56;
	v4 =	vcombine.low v10, v4  }
.Ltmp0:
0x53: {  	s12 =	sadd.s32 $0x3000, s6;
	s13 =	sadd.s32 $0x3C00, s6;
	v11 =	vnsel vm9, $0x22, v11;
	v12 =	vnsel vm9, $0x52, v12;
	v0 =	vsel vm14, $0x52, v61;
	[tilespmem:$0x1FFF0] =	vst v63;
	(pc) =	sbr.rel .LBB2_1-.Ltmp0, $4  }
0x54: {  	s14 =	sadd.s32 s14, s26;
	s15 =	sadd.s32 $0x5400, s6;
	s16 =	sadd.s32 $0x6000, s6;
	v58 =	vsel vm13, $0x21, v11;
	[tilespmem:$0x1FFC0] =	vst v0;
	v26 =	vand.u32 $0xF, v4;
	v4 =	vunpack.c.0.s8.s32 v52  }
0x55: {  	s17 =	sadd.s32 $0x6C00, s6;
	s29 =	sadd.s32 $0x4380, s6;
	v36 =	vsel vm14, $0xA, v57;
	v28 =	vand.u32 $0xF, v49;
	[dreg:$0x3] =	wrdreg s2;
	v59 =	vsel vm13, $0x51, v12;
	[tilespmem:$0x1FF90] =	vst v58  }
0x56: {  	s18 =	sadd.s32 $0x7800, s6;
	s31 =	sadd.s32 $0x8B80, s6;
	v3 =	vand.u32 $0xF, v51;
	[dreg:$0x4] =	wrdreg s29;
	v0 =	vsel vm15, $0xFFFFFFFF, v62;
	[tilespmem:$0x1FFA0] =	vst v59;
	v4 =	vnsel vm9, $0xA, v4  }
0x57: {  	s19 =	sadd.s32 $0x8400, s6;
	s26 =	simm.s32 $0x2;
	v37 =	vand.u32 $0xF, v2;
	[dreg:$0x5] =	wrdreg s31;
	v31 =	vcombine.low v3, v31;
	[tilespmem:$0x1FFD0] =	vst v0;
	v32 =	vsel vm13, $0x9, v4  }
.LBB2_7:
0x58: {  	s0 =	sadd.s32 $0x1, s0  }
0x59: {  	p0 =	sne.s32 s0, s22  }
.Ltmp1:
0x5a: {  	_ = 	snop;
	(pc) =	sbr.rel @!p0 .LBB2_8-.Ltmp1, $1  }
0x5b: {  	_ =	sdelay $0x3  }
.LBB2_1:
0x5c: {  	s2 =	rddreg [dreg:$0x3];
	s31 =	smulhi.u32 $0xAAAAAAAB, s3  }
0x5d: {  	[tilespmem:s3], [sflag:$0x1] =	stream.linear.gather [hbm4b:s2+s3], $0x80, $0x38;
	[tilespmem:$0x7080] =	vst v63  }
0x5e: {  	s5 =	simm.s32 $0x80;
	s20 =	sshrl.u32 s31, $0x7  }
0x5f: {  	[tilespmem:s5], [sflag:$0x2] =	stream.linear.gather [hbm4b:s7+s3], $0x400, $0x38;
	[tilespmem:$0x7080] =	vst v63  }
0x60: {  	s21 =	sshrl.u32 s31, $0x4;
	s2 =	sshll.u32 s31, $0x5;
	s20 =	smul.u32 $0x3000, s20  }
0x61: {  	s2 =	sand.u32 $0xE00, s2;
	s21 =	smul.u32 $0x3000, s21  }
0x62: {  	s2 =	sor.u32 s2, s20  }
0x63: {  	s2 =	ssub.s32 s2, s21  }
0x64: {  	s23 =	simm.s32 $0x8;
	s2 =	sshra.s32 s2, $0x2  }
0x65: {  	s20 =	smulhi.u32 $0xAAAAAAAB, s23;
	s2 =	sadd.s32 $0x4C0, s2  }
0x66: {  	[tilespmem:s2+$0x30] =	vst v23  }
0x67: {  	s31 =	sshrl.u32 s20, $0x7;
	[tilespmem:s2+$0xFFFFFFC0] =	vst v23  }
0x68: {  	s23 =	sshrl.u32 s20, $0x4;
	s20 =	sshll.u32 s20, $0x5;
	s21 =	smul.u32 $0x3000, s31;
	[tilespmem:s2+$0xFFFFFFD0] =	vst v23  }
0x69: {  	s20 =	sand.u32 $0xE00, s20;
	s23 =	smul.u32 $0x3000, s23;
	[tilespmem:s2+$0xFFFFFFE0] =	vst v23  }
0x6a: {  	[tilespmem:s2+$0xFFFFFFF0] =	vst v23;
	s21 =	sor.u32 s20, s21  }
0x6b: {  	[tilespmem:s2+$0x0] =	vst v23;
	s20 =	simm.s32 $0x8;
	s21 =	ssub.s32 s21, s23  }
0x6c: {  	[tilespmem:s2+$0x10] =	vst v23;
	s23 =	simm.s32 $0x8C0;
	s29 =	sshra.s32 s21, $0x2;
	s21 =	simm.s32 $0x10  }
.LBB2_2:
0x6d: {  	s31 =	smulhi.u32 $0xAAAAAAAB, s21  }
0x6e: {  	s20 =	sadd.s32 $0x8, s20;
	[tilespmem:s2+$0x20] =	vst v23;
	s2 =	sadd.s32 s29, s23  }
0x6f: {  	p0 =	slt.u32 s20, $0x6B8;
	[tilespmem:s2+$0x30] =	vst v23;
	s29 =	sshrl.u32 s31, $0x7  }
0x70: {  	[tilespmem:s2+$0xFFFFFFC0] =	vst v23;
	s29 =	smul.u32 $0x3000, s29  }
.Ltmp2:
0x71: {  	s5 =	sshrl.u32 s31, $0x4;
	s31 =	sshll.u32 s31, $0x5;
	[tilespmem:s2+$0xFFFFFFD0] =	vst v23;
	(pc) =	sbr.rel @p0 .LBB2_2-.Ltmp2, $4  }
0x72: {  	s31 =	sand.u32 $0xE00, s31;
	s5 =	smul.u32 $0x3000, s5;
	[tilespmem:s2+$0xFFFFFFE0] =	vst v23  }
0x73: {  	s29 =	sor.u32 s31, s29;
	[tilespmem:s2+$0xFFFFFFF0] =	vst v23  }
0x74: {  	s5 =	ssub.s32 s29, s5;
	[tilespmem:s2+$0x0] =	vst v23  }
0x75: {  	s21 =	sadd.s32 $0x8, s21;
	s23 =	sadd.s32 $0x400, s23;
	s29 =	sshra.s32 s5, $0x2;
	[tilespmem:s2+$0x10] =	vst v23  }
0x76: {  	s5 =	sadd.s32 s29, s23;
	[tilespmem:s2+$0x20] =	vst v23  }
0x77: {  	[tilespmem:s5+$0x30] =	vst v23  }
0x78: {  	[tilespmem:s5+$0xFFFFFFC0] =	vst v23  }
0x79: {  	[tilespmem:s5+$0xFFFFFFD0] =	vst v23  }
0x7a: {  	[tilespmem:s5+$0xFFFFFFE0] =	vst v23  }
0x7b: {  	[tilespmem:s5+$0xFFFFFFF0] =	vst v23  }
0x7c: {  	[tilespmem:s5+$0x0] =	vst v23  }
0x7d: {  	[tilespmem:s5+$0x10] =	vst v23  }
0x7e: {  	[tilespmem:s5+$0x20] =	vst v23  }
0x7f: {  	[hbm4b:s6+s3] =	stream.linear.scatter [tilespmem:s24], [sflag:$0x3], $0x6000, $0x38;
	[tilespmem:$0x7080] =	vst v63  }
0x80: {  	_ = 	snop  }
0x81: {  	[hbm4b:s8+s3] =	stream.linear.scatter [tilespmem:s24], [sflag:$0x3], $0x6000, $0x38;
	[tilespmem:$0x7080] =	vst v63  }
0x82: {  	_ = 	snop  }
0x83: {  	[hbm4b:s10+s3] =	stream.linear.scatter [tilespmem:s24], [sflag:$0x3], $0x6000, $0x38;
	[tilespmem:$0x7080] =	vst v63  }
0x84: {  	_ = 	snop  }
0x85: {  	[hbm4b:s11+s3] =	stream.linear.scatter [tilespmem:s24], [sflag:$0x3], $0x6000, $0x38;
	[tilespmem:$0x7080] =	vst v63  }
0x86: {  	_ = 	snop  }
0x87: {  	[hbm4b:s12+s3] =	stream.linear.scatter [tilespmem:s24], [sflag:$0x3], $0x6000, $0x38;
	[tilespmem:$0x7080] =	vst v63  }
0x88: {  	_ = 	snop  }
0x89: {  	[hbm4b:s13+s3] =	stream.linear.scatter [tilespmem:s24], [sflag:$0x3], $0x6000, $0x38;
	[tilespmem:$0x7080] =	vst v63  }
0x8a: {  	_ = 	snop  }
0x8b: {  	[hbm4b:s14+s3] =	stream.linear.scatter [tilespmem:s24], [sflag:$0x3], $0x6000, $0x38;
	[tilespmem:$0x7080] =	vst v63  }
0x8c: {  	_ = 	snop  }
0x8d: {  	[hbm4b:s15+s3] =	stream.linear.scatter [tilespmem:s24], [sflag:$0x3], $0x6000, $0x38;
	[tilespmem:$0x7080] =	vst v63  }
0x8e: {  	_ = 	snop  }
0x8f: {  	[hbm4b:s16+s3] =	stream.linear.scatter [tilespmem:s24], [sflag:$0x3], $0x6000, $0x38;
	[tilespmem:$0x7080] =	vst v63  }
0x90: {  	_ = 	snop  }
0x91: {  	[hbm4b:s17+s3] =	stream.linear.scatter [tilespmem:s24], [sflag:$0x3], $0x6000, $0x38;
	[tilespmem:$0x7080] =	vst v63  }
0x92: {  	_ = 	snop  }
0x93: {  	[hbm4b:s18+s3] =	stream.linear.scatter [tilespmem:s24], [sflag:$0x3], $0x6000, $0x38;
	[tilespmem:$0x7080] =	vst v63  }
0x94: {  	_ = 	snop  }
0x95: {  	[hbm4b:s19+s3] =	stream.linear.scatter [tilespmem:s24], [sflag:$0x3], $0x6000, $0x38;
	[tilespmem:$0x7080] =	vst v63  }
0x96: {  	_ =	swait.ge [sflag:s25], $0x80  }
0x97: {  	[sflag:s25] =	ssyncset.done $0x0  }
0x98: {  	[sflag:s25] =	ssyncadd.s32 $0xFFFFFF80  }
0x99: {  	_ =	swait.ge [sflag:s26], $0x400  }
0x9a: {  	[sflag:s26] =	ssyncset.done $0x0  }
0x9b: {  	[sflag:s26] =	ssyncadd.s32 $0xFFFFFC00  }
0x9c: {  	v0 =	vld [tilespmem:$0x0];
	_ =	sdelay $0x4  }
0x9d: {  	(v2sf) =	vpush v0, $0x0  }
0x9e: {  	(v2sf) =	vpush v0, $0x2  }
0x9f: {  	(v2sf) =	vpush v0, $0x1;
	_ =	sdelay $0xc  }
0xa0: {  	s5 =	spop (v2sf)  }
0xa1: {  	v12 =	vld [tilespmem:$0x1FF70];
	s20 =	spop (v2sf);
	s2 =	scvt.f32.s32 s5  }
0xa2: {  	v5 =	vld [tilespmem:$0x1FE10];
	s21 =	spop (v2sf)  }
0xa3: {  	v4 =	vld [tilespmem:$0x1FE00];
	p0 =	sgt.s32 s2, $0x0;
	s29 =	scvt.f32.s32 s21  }
0xa4: {  	v15 =	vld [tilespmem:$0x1FEE0];
	s2 =	simm.s32 @!p0 $0x0  }
0xa5: {  	v21 =	vld [tilespmem:$0x1FF10];
	(v2sf) =	vpush v0, $0x3;
	s2 =	smin.u32 s2, $0x17F;
	p0 =	sgt.s32 s29, $0x0;
	s5 =	smov.u32 s29  }
0xa6: {  	v3 =	vimm.s32 $0x0;
	v52 =	vimm.s32 $0x0;
	v53 =	vimm.s32 $0x0;
	v24 =	vld [tilespmem:$0x1FF40];
	s5 =	simm.s32 @!p0 $0x0;
	s2 =	sadd.s32 $0xFFFFFFFB, s2  }
0xa7: {  	v54 =	vimm.s32 $0x0;
	v55 =	vimm.s32 $0x0;
	s5 =	smin.u32 s5, $0x17F;
	v1 =	vadd.s32 s2, v12  }
0xa8: {  	v2 =	vadd.s32 s2, v5;
	s31 =	sadd.s32 $0xFFFFFFFB, s5;
	vm0 =	vlt.s32 v1, $0x0;
	vm2 =	vlt.s32 v1, $0x180  }
0xa9: {  	v25 =	vld [tilespmem:$0x1FF80];
	v43 =	vadd.s32 s31, v4;
	v0 =	vsel vm0, v2, v1;
	v1 =	vimm.s32 $0x0  }
0xaa: {  	v6 =	vld [tilespmem:$0x1FE20];
	v2 =	vimm.s32 $0x0;
	v42 =	vadd.s32 s31, v15;
	v40 =	vadd.s32 s31, v21  }
0xab: {  	v10 =	vld [tilespmem:$0x1FE90];
	v44 =	vadd.s32 s31, v24;
	v33 =	vadd.s32 s31, v30;
	vm11 =	vlt.u32 v43, $0x180  }
0xac: {  	v22 =	vadd.s32 s31, v32;
	vm3 =	vlt.s32 v43, $0x0;
	vm1 =	vmand vm11, vm2  }
0xad: {  	v13 =	vadd.s32 s31, v36;
	vm12 =	vmand vm3, vm2;
	v1 =	vsel vm1, $0xFFFFFFFF, v1  }
0xae: {  	vm9 =	vlt.u32 v42, $0x180;
	vm5 =	vlt.s32 v42, $0x0;
	v2 =	vsel vm12, $0xFFFFFFFF, v2;
	[tilespmem:$0x1FDB0] =	vst v1  }
0xaf: {  	vm0 =	vmor vm1, vm12;
	v1 =	vadd.s32 s2, v25;
	[tilespmem:$0x1FCC0] =	vst v2;
	v2 =	vadd.s32 s2, v6  }
0xb0: {  	v7 =	vld [tilespmem:$0x1FE30];
	v19 =	vnsel vm0, $0x0, v0;
	v0 =	vadd.s32 s31, v10;
	vm13 =	vlt.s32 v1, $0x0  }
0xb1: {  	vm14 =	vlt.u32 v0, $0x180;
	vm15 =	vlt.s32 v1, $0x180;
	vm4 =	vlt.s32 v0, $0x0  }
0xb2: {  	v2 =	vsel vm13, v2, v1;
	vm6 =	vmand vm14, vm15;
	v1 =	vimm.s32 $0x0  }
0xb3: {  	vm7 =	vmand vm4, vm15;
	vm14 =	vlt.u32 v40, $0x180;
	v1 =	vsel vm6, $0xFFFFFFFF, v1  }
0xb4: {  	s5 =	scvt.f32.s32 s20;
	s23 =	spop (v2sf);
	v3 =	vsel vm7, $0xFFFFFFFF, v3;
	vm0 =	vmor vm6, vm7;
	vm6 =	vlt.s32 v40, $0x0;
	[tilespmem:$0x1FDC0] =	vst v1  }
0xb5: {  	v8 =	vld [tilespmem:$0x1FE40];
	vm7 =	vlt.s32 v44, $0x0;
	s23 =	scvt.f32.s32 s23;
	v1 =	vadd.s32 s2, v26;
	[tilespmem:$0x1FCD0] =	vst v3;
	v3 =	vadd.s32 s2, v7  }
0xb6: {  	p0 =	sgt.s32 s5, $0x0;
	v41 =	vnsel vm0, $0x0, v2;
	vm8 =	vlt.s32 v1, $0x0;
	vm10 =	vlt.s32 v1, $0x180  }
0xb7: {  	s5 =	simm.s32 @!p0 $0x0;
	p0 =	sgt.s32 s23, $0x0;
	s20 =	smov.u32 s23;
	v2 =	vsel vm8, v3, v1;
	vm11 =	vmand vm9, vm10;
	v1 =	vimm.s32 $0x0  }
0xb8: {  	vm12 =	vmand vm5, vm10;
	v3 =	vimm.s32 $0x0;
	s20 =	simm.s32 @!p0 $0x0;
	v1 =	vsel vm11, $0xFFFFFFFF, v1  }
0xb9: {  	v3 =	vsel vm12, $0xFFFFFFFF, v3;
	vm0 =	vmor vm11, vm12;
	vm11 =	vlt.u32 v44, $0x180;
	s20 =	smin.u32 s20, $0x17F;
	[tilespmem:$0x1FDE0] =	vst v1  }
0xba: {  	v1 =	vadd.s32 s2, v27;
	[tilespmem:$0x1FCE0] =	vst v3;
	v3 =	vadd.s32 s2, v8;
	v34 =	vnsel vm0, $0x0, v2;
	s20 =	sadd.s32 $0xFFFFFFFB, s20  }
0xbb: {  	v9 =	vld [tilespmem:$0x1FE50];
	vm13 =	vlt.s32 v1, $0x0;
	vm15 =	vlt.s32 v1, $0x180;
	v50 =	vadd.s32 s20, v21  }
0xbc: {  	v51 =	vadd.s32 s20, v24;
	v2 =	vsel vm13, v3, v1;
	vm8 =	vmand vm14, vm15  }
0xbd: {  	v1 =	vimm.s32 $0x0;
	vm9 =	vmand vm6, vm15;
	v3 =	vimm.s32 $0x0  }
0xbe: {  	vm15 =	vlt.u32 v33, $0x180;
	v1 =	vsel vm8, $0xFFFFFFFF, v1;
	v3 =	vsel vm9, $0xFFFFFFFF, v3  }
0xbf: {  	v14 =	vld [tilespmem:$0x1FE60];
	vm0 =	vmor vm8, vm9;
	vm8 =	vlt.s32 v33, $0x0;
	[tilespmem:$0x1FDF0] =	vst v1;
	v1 =	vadd.s32 s2, v28  }
0xc0: {  	vm9 =	vlt.s32 v22, $0x0;
	[tilespmem:$0x1FCF0] =	vst v3;
	v3 =	vadd.s32 s2, v9;
	vm10 =	vlt.s32 v1, $0x0  }
0xc1: {  	v39 =	vnsel vm0, $0x0, v2;
	vm12 =	vlt.s32 v1, $0x180;
	v2 =	vsel vm10, v3, v1  }
0xc2: {  	vm5 =	vmand vm11, vm12;
	vm13 =	vmand vm7, vm12;
	v3 =	vimm.s32 $0x0  }
0xc3: {  	v1 =	vadd.s32 s2, v31;
	v3 =	vsel vm13, $0xFFFFFFFF, v3;
	vm0 =	vmor vm5, vm13  }
0xc4: {  	v17 =	vld [tilespmem:$0x1FE70];
	vm14 =	vlt.s32 v1, $0x0;
	vm12 =	vlt.s32 v1, $0x180;
	[tilespmem:$0x1FD00] =	vst v3;
	v3 =	vadd.s32 s2, v14  }
0xc5: {  	v16 =	vnsel vm0, $0x0, v2;
	vm6 =	vmand vm15, vm12;
	vm13 =	vmand vm8, vm12  }
0xc6: {  	vm15 =	vlt.u32 v22, $0x180;
	v2 =	vsel vm14, v3, v1;
	v3 =	vimm.s32 $0x0  }
0xc7: {  	v1 =	vadd.s32 s2, v35;
	vm0 =	vmor vm6, vm13;
	v3 =	vsel vm13, $0xFFFFFFFF, v3  }
0xc8: {  	v20 =	vld [tilespmem:$0x1FE80];
	vm14 =	vlt.s32 v1, $0x0;
	v11 =	vnsel vm0, $0x0, v2;
	vm3 =	vlt.s32 v1, $0x180  }
0xc9: {  	vm13 =	vlt.u32 v13, $0x180;
	[tilespmem:$0x1FD10] =	vst v3;
	v3 =	vadd.s32 s2, v17;
	vm7 =	vmand vm15, vm3  }
0xca: {  	vm11 =	vmand vm9, vm3;
	vm15 =	vlt.s32 v13, $0x0;
	v2 =	vsel vm14, v3, v1  }
0xcb: {  	v1 =	vadd.s32 s2, v37;
	v3 =	vimm.s32 $0x0;
	vm0 =	vmor vm7, vm11  }
0xcc: {  	v3 =	vsel vm11, $0xFFFFFFFF, v3;
	vm12 =	vlt.s32 v1, $0x0;
	vm14 =	vlt.s32 v1, $0x180  }
0xcd: {  	v18 =	vnsel vm0, $0x0, v2;
	[tilespmem:$0x1FD20] =	vst v3;
	v3 =	vadd.s32 s2, v20;
	vm0 =	vmand vm13, vm14  }
0xce: {  	s5 =	smin.u32 s5, $0x17F;
	vm11 =	vmand vm15, vm14;
	v2 =	vsel vm12, v3, v1;
	v3 =	vadd.s32 s20, v4  }
0xcf: {  	s2 =	sadd.s32 $0xFFFFFFFB, s5;
	vm1 =	vlt.u32 v3, $0x180;
	vm12 =	vlt.s32 v3, $0x0;
	v3 =	vadd.s32 s20, v10  }
0xd0: {  	v1 =	vadd.s32 s2, v12;
	vm3 =	vlt.u32 v3, $0x180;
	vm13 =	vlt.s32 v3, $0x0;
	v3 =	vld [tilespmem:$0x1FFD0]  }
0xd1: {  	v47 =	vadd.s32 s2, v5;
	v48 =	vadd.s32 s2, v25;
	v49 =	vadd.s32 s2, v8  }
0xd2: {  	vm4 =	vlt.s32 v1, $0x0;
	vm10 =	vlt.s32 v1, $0x180;
	v10 =	vadd.s32 s2, v6  }
0xd3: {  	vm2 =	vlt.s32 v48, $0x0;
	v1 =	vsel vm4, v47, v1;
	vm8 =	vmand vm1, vm10  }
0xd4: {  	vm1 =	vmand vm12, vm10;
	vm4 =	vlt.s32 v48, $0x180;
	v4 =	vsel vm2, v10, v48  }
0xd5: {  	vm9 =	vmand vm3, vm4;
	vm14 =	vmand vm13, vm4;
	vm3 =	vnez.u8 v3  }
0xd6: {  	vm12 =	vmor vm9, vm14;
	v3 =	vimm.s32 $0x0;
	vm15 =	vmand vm11, vm3  }
0xd7: {  	v10 =	vnsel vm12, $0x0, v4;
	vm10 =	vmand vm0, vm3;
	v3 =	vsel vm15, $0xFFFFFFFF, v3  }
0xd8: {  	vm0 =	vmor vm10, vm15;
	vm15 =	vlt.s32 v51, $0x0;
	[tilespmem:$0x1FD30] =	vst v3;
	v3 =	vimm.s32 $0x0  }
0xd9: {  	v29 =	vnsel vm0, $0x0, v2;
	v2 =	vadd.s32 s2, v26;
	v3 =	vsel vm1, $0xFFFFFFFF, v3  }
0xda: {  	vm1 =	vmor vm8, vm1;
	vm4 =	vlt.s32 v2, $0x0;
	[tilespmem:$0x1FD40] =	vst v3;
	v3 =	vimm.s32 $0x0  }
0xdb: {  	vm12 =	vlt.s32 v2, $0x180;
	v12 =	vnsel vm1, $0x0, v1;
	v3 =	vsel vm14, $0xFFFFFFFF, v3  }
0xdc: {  	v1 =	vadd.s32 s20, v15;
	v15 =	vadd.s32 s2, v9;
	[tilespmem:$0x1FD50] =	vst v3;
	v3 =	vadd.s32 s2, v7  }
0xdd: {  	vm2 =	vlt.u32 v1, $0x180;
	v2 =	vsel vm4, v3, v2;
	v3 =	vadd.s32 s2, v27  }
0xde: {  	vm11 =	vmand vm2, vm12;
	vm4 =	vlt.s32 v1, $0x0;
	vm13 =	vlt.s32 v3, $0x0  }
0xdf: {  	vm1 =	vmand vm4, vm12;
	vm4 =	vlt.u32 v50, $0x180;
	vm2 =	vlt.s32 v3, $0x180  }
0xe0: {  	vm14 =	vlt.s32 v50, $0x0;
	v1 =	vsel vm13, v49, v3;
	vm12 =	vmand vm4, vm2  }
0xe1: {  	vm2 =	vmand vm14, vm2;
	v3 =	vadd.s32 s2, v28;
	vm13 =	vlt.u32 v51, $0x180  }
0xe2: {  	v4 =	vsel vm1, $0xFFFFFFFF, v52;
	vm0 =	vlt.s32 v3, $0x0;
	vm4 =	vlt.s32 v3, $0x180  }
0xe3: {  	[tilespmem:$0x1FD60] =	vst v4;
	v4 =	vsel vm2, $0xFFFFFFFF, v53;
	vm2 =	vmor vm12, vm2;
	v3 =	vsel vm0, v15, v3  }
0xe4: {  	vm13 =	vmand vm13, vm4;
	vm15 =	vmand vm15, vm4;
	vm4 =	vmor vm11, vm1  }
0xe5: {  	[tilespmem:$0x1FD70] =	vst v4;
	v21 =	vnsel vm2, $0x0, v1;
	v1 =	vadd.s32 s20, v30;
	v4 =	vsel vm15, $0xFFFFFFFF, v54  }
0xe6: {  	vm15 =	vmor vm13, vm15;
	v38 =	vnsel vm4, $0x0, v2;
	v2 =	vadd.s32 s2, v31  }
0xe7: {  	v62 =	vnsel vm15, $0x0, v3;
	v3 =	vadd.s32 s2, v14;
	vm4 =	vlt.s32 v2, $0x0  }
0xe8: {  	vm2 =	vlt.u32 v1, $0x180;
	vm15 =	vlt.s32 v2, $0x180;
	v2 =	vsel vm4, v3, v2  }
0xe9: {  	vm14 =	vmand vm2, vm15;
	vm4 =	vlt.s32 v1, $0x0;
	v1 =	vadd.s32 s20, v32  }
0xea: {  	s21 =	sshll.u32 s31, $0x10;
	v3 =	vadd.s32 s2, v35;
	vm0 =	vmand vm4, vm15;
	vm4 =	vlt.u32 v1, $0x180  }
0xeb: {  	s5 =	sshra.s32 s21, $0x1F;
	[tilespmem:$0x1FD80] =	vst v4;
	v4 =	vsel vm0, $0xFFFFFFFF, v55;
	vm1 =	vmor vm14, vm0;
	vm0 =	vlt.s32 v3, $0x180  }
0xec: {  	s5 =	sand.u32 $0x7, s5;
	v15 =	vnsel vm1, $0x0, v2;
	vm15 =	vmand vm4, vm0;
	vm4 =	vlt.s32 v1, $0x0  }
0xed: {  	s5 =	sadd.s32 s5, s31;
	v1 =	vadd.s32 s2, v17;
	vm1 =	vmand vm4, vm0;
	vm4 =	vlt.s32 v3, $0x0  }
0xee: {  	s5 =	sshll.u32 s5, $0x10;
	v1 =	vsel vm4, v1, v3;
	v3 =	vld [tilespmem:$0x1FDB0]  }
0xef: {  	s5 =	sshra.s32 s5, $0x10  }
0xf0: {  	s5 =	sand.u32 $0x7FFF8, s5  }
0xf1: {  	s21 =	smin.u32 s5, $0x168;
	v2 =	vimm.s32 $0x0;
	vm4 =	vmor vm15, vm1  }
0xf2: {  	v63 =	vmov s21;
	v2 =	vsel vm1, $0xFFFFFFFF, v2;
	v60 =	vnsel vm4, $0x0, v1  }
0xf3: {  	[tilespmem:$0x1FDA0] =	vst v2;
	v1 =	vsub.s32 v43, v63;
	v2 =	vadd.s32 s2, v37;
	vm4 =	vnez.u8 v3  }
0xf4: {  	vm0 =	vlt.s32 v2, $0x0;
	v1 =	vnsel vm4, $0x0, v1  }
0xf5: {  	vm1 =	vlt.s32 v2, $0x180;
	v3 =	vadd.s32 s2, v20;
	v56 =	vshrl.u32 v1, $0x3  }
0xf6: {  	[tilespmem:$0x1FD90] =	vst v4;
	v3 =	vsel vm0, v3, v2;
	v2 =	vshll.u32 v19, $0x3;
	v4 =	vmul.u32 $0xC00, v56  }
0xf7: {  	v52 =	vand.u32 $0xFFFFFC00, v2;
	v1 =	vshll.u32 v1, $0x7  }
0xf8: {  	v1 =	vand.u32 $0x380, v1;
	v2 =	vadd.s32 v52, v4  }
0xf9: {  	v1 =	vor.u32 v1, v2;
	v2 =	vld [tilespmem:$0x1FDC0];
	_ =	sdelay $0x1  }
0xfa: {  	v57 =	vadd.s32 s20, v36  }
0xfb: {  	vm0 =	vlt.u32 v57, $0x180  }
0xfc: {  	v0 =	vsub.s32 v0, v63;
	vm2 =	vlt.s32 v57, $0x0;
	vm0 =	vmand vm0, vm1  }
0xfd: {  	vm1 =	vmand vm2, vm1;
	vm0 =	vmand vm0, vm3;
	vm2 =	vnez.u8 v2  }
0xfe: {  	vm1 =	vmand vm1, vm3;
	v2 =	vnsel vm2, $0x0, v0;
	v0 =	vimm.s32 $0x0  }
0xff: {  	v0 =	vsel vm1, $0xFFFFFFFF, v0;
	vm1 =	vmor vm0, vm1  }
0x100: {  	v50 =	vand.u32 $0x7F, v19;
	v19 =	vnsel vm1, $0x0, v3;
	v3 =	vshll.u32 v41, $0x3  }
0x101: {  	v55 =	vand.u32 $0xFFFFFC00, v3;
	v3 =	vld [tilespmem:$0x1FDE0];
	_ =	sdelay $0x3  }
0x102: {  	v58 =	vsub.s32 v42, v63  }
0x103: {  	[tilespmem:$0x1FDD0] =	vst v0;
	v0 =	vor.u32 v50, v1;
	v1 =	vshrl.u32 v2, $0x3;
	vm1 =	vnez.u8 v3  }
0x104: {  	v1 =	vmul.u32 $0xC00, v1;
	v3 =	vnsel vm1, $0x0, v58  }
0x105: {  	v59 =	vshll.u32 v34, $0x3;
	v2 =	vshll.u32 v2, $0x7;
	v4 =	vshrl.u32 v3, $0x3  }
0x106: {  	v2 =	vand.u32 $0x380, v2;
	v1 =	vadd.s32 v55, v1;
	v4 =	vmul.u32 $0xC00, v4  }
0x107: {  	v45 =	vld [tilespmem:$0x280];
	v54 =	vand.u32 $0xFFFFFC00, v59;
	v1 =	vor.u32 v2, v1;
	v2 =	vshll.u32 v3, $0x7  }
0x108: {  	v46 =	vld [tilespmem:$0x300];
	v2 =	vand.u32 $0x380, v2;
	v3 =	vadd.s32 v54, v4  }
0x109: {  	v3 =	vor.u32 v2, v3;
	v2 =	vld [tilespmem:$0x1FDF0]  }
0x10a: {  	v47 =	vld [tilespmem:$0x380]  }
0x10b: {  	v42 =	vld [tilespmem:$0x100]  }
0x10c: {  	v6 =	vshll.u32 v39, $0x3;
	v7 =	vsub.s32 v44, v63;
	v44 =	vld [tilespmem:$0x200]  }
0x10d: {  	v61 =	vsub.s32 v40, v63;
	v33 =	vsub.s32 v33, v63;
	v22 =	vsub.s32 v22, v63;
	v43 =	vld [tilespmem:$0x180]  }
0x10e: {  	v48 =	vnsel vm5, $0x0, v7;
	v51 =	vand.u32 $0x7F, v41;
	v41 =	vld [tilespmem:$0x80];
	vm3 =	vnez.u8 v2  }
0x10f: {  	v58 =	vshrl.u32 v48, $0x3;
	v4 =	vnsel vm3, $0x0, v61;
	v61 =	vshll.u32 v48, $0x7;
	v48 =	vld [tilespmem:$0x400];
	_ =	swait.ge [sflag:s28], $0x6000  }
0x110: {  	v13 =	vsub.s32 v13, v63;
	v33 =	vnsel vm6, $0x0, v33;
	v22 =	vnsel vm7, $0x0, v22;
	[sflag:s28] =	ssyncset.done $0x0  }
0x111: {  	v5 =	vshrl.u32 v22, $0x3;
	v22 =	vshll.u32 v22, $0x7;
	v49 =	vand.u32 $0x7F, v34;
	[sflag:s28] =	ssyncadd.s32 $0xFFFFA000  }
0x112: {  	v2 =	vor.u32 v51, v1;
	v1 =	vor.u32 v49, v3;
	v3 =	vshrl.u32 v4, $0x3;
	_ =	swait.ge [sflag:s28], $0x6000  }
0x113: {  	v53 =	vand.u32 $0x7F, v39;
	v59 =	vshll.u32 v16, $0x3;
	v3 =	vmul.u32 $0xC00, v3;
	[sflag:s28] =	ssyncset.done $0x0  }
0x114: {  	s5 =	sshll.u32 s20, $0x10;
	v56 =	vand.u32 $0xFFFFFC00, v6;
	v39 =	vmul.u32 $0xC00, v58;
	v4 =	vshll.u32 v4, $0x7;
	[sflag:s28] =	ssyncadd.s32 $0xFFFFA000  }
0x115: {  	s2 =	sshra.s32 s5, $0x1F;
	v57 =	vand.u32 $0xFFFFFC00, v59;
	v4 =	vand.u32 $0x380, v4;
	v3 =	vadd.s32 v56, v3;
	_ =	swait.ge [sflag:s28], $0x6000  }
0x116: {  	s2 =	sand.u32 $0x7, s2;
	v40 =	vadd.s32 v57, v39;
	v3 =	vor.u32 v4, v3;
	v4 =	vand.u32 $0x380, v61;
	[sflag:s28] =	ssyncset.done $0x0  }
0x117: {  	v22 =	vand.u32 $0x380, v22;
	s2 =	sadd.s32 s2, s20;
	v58 =	vand.u32 $0x7F, v16;
	v16 =	vor.u32 v4, v40;
	[sflag:s28] =	ssyncadd.s32 $0xFFFFA000  }
0x118: {  	s2 =	sshll.u32 s2, $0x10;
	v4 =	vor.u32 v53, v3;
	v3 =	vor.u32 v58, v16;
	v16 =	vshrl.u32 v33, $0x3;
	_ =	swait.ge [sflag:s28], $0x6000  }
0x119: {  	v34 =	vmul.u32 $0xC00, v5;
	s2 =	sshra.s32 s2, $0x10;
	v61 =	vshll.u32 v11, $0x3;
	v16 =	vmul.u32 $0xC00, v16;
	[sflag:s28] =	ssyncset.done $0x0  }
0x11a: {  	v59 =	vand.u32 $0x7F, v11;
	s2 =	sand.u32 $0x7FFF8, s2;
	v11 =	vand.u32 $0xFFFFFC00, v61;
	v33 =	vshll.u32 v33, $0x7;
	[sflag:s28] =	ssyncadd.s32 $0xFFFFA000  }
0x11b: {  	v6 =	vshll.u32 v18, $0x3;
	s2 =	smin.u32 s2, $0x168;
	v33 =	vand.u32 $0x380, v33;
	v16 =	vadd.s32 v11, v16;
	_ =	swait.ge [sflag:s28], $0x6000  }
0x11c: {  	v7 =	vmov s2;
	v33 =	vor.u32 v33, v16;
	v16 =	vand.u32 $0xFFFFFC00, v6;
	v8 =	vld [tilespmem:$0x1FEA0];
	[sflag:s28] =	ssyncset.done $0x0  }
0x11d: {  	v61 =	vand.u32 $0x7F, v18;
	v18 =	vadd.s32 v16, v34;
	v34 =	vsub.s32 $0x0, v7;
	[sflag:s28] =	ssyncadd.s32 $0xFFFFA000  }
0x11e: {  	v13 =	vnsel vm10, $0x0, v13;
	v18 =	vor.u32 v22, v18;
	v22 =	vbroadcast v34, $0x0;
	_ =	swait.ge [sflag:s28], $0x6000  }
0x11f: {  	v39 =	vshll.u32 v29, $0x3;
	v6 =	vor.u32 v61, v18;
	v18 =	vshrl.u32 v13, $0x3;
	[sflag:s28] =	ssyncset.done $0x0  }
0x120: {  	v5 =	vor.u32 v59, v33;
	v18 =	vmul.u32 $0xC00, v18;
	v7 =	vadd.s32 s20, v22;
	v9 =	vld [tilespmem:$0x1FEC0];
	[sflag:s28] =	ssyncadd.s32 $0xFFFFA000  }
0x121: {  	v33 =	vand.u32 $0xFFFFFC00, v39;
	v13 =	vshll.u32 v13, $0x7;
	v22 =	vadd.s32 v8, v7;
	_ =	swait.ge [sflag:s28], $0x6000  }
0x122: {  	v13 =	vand.u32 $0x380, v13;
	v18 =	vadd.s32 v33, v18;
	v22 =	vnsel vm8, $0x18, v22;
	[sflag:s28] =	ssyncset.done $0x0  }
0x123: {  	v34 =	vand.u32 $0x7F, v29;
	v13 =	vor.u32 v13, v18;
	v18 =	vshrl.u32 v22, $0x3;
	[sflag:s28] =	ssyncadd.s32 $0xFFFFA000  }
0x124: {  	v8 =	vor.u32 v34, v13;
	v14 =	vld [tilespmem:$0x1FEF0];
	v13 =	vmul.u32 $0xC00, v18;
	v18 =	vshll.u32 v12, $0x3;
	_ =	swait.ge [sflag:s28], $0x6000  }
0x125: {  	v63 =	vand.u32 $0xFFFFFC00, v18;
	v18 =	vshll.u32 v22, $0x7;
	v22 =	vadd.s32 v9, v7;
	[sflag:s28] =	ssyncset.done $0x0  }
0x126: {  	v13 =	vadd.s32 v63, v13;
	v18 =	vand.u32 $0x380, v18;
	v22 =	vnsel vm9, $0x18, v22;
	[sflag:s28] =	ssyncadd.s32 $0xFFFFA000  }
0x127: {  	v12 =	vand.u32 $0x7F, v12;
	v13 =	vor.u32 v18, v13;
	v18 =	vshrl.u32 v22, $0x3;
	_ =	swait.ge [sflag:s28], $0x6000  }
0x128: {  	v9 =	vor.u32 v12, v13;
	v13 =	vmul.u32 $0xC00, v18;
	v18 =	vshll.u32 v10, $0x3;
	v17 =	vld [tilespmem:$0x1FF20]  }
0x129: {  	v22 =	vshll.u32 v22, $0x7;
	v29 =	vadd.s32 v14, v7;
	[sflag:s28] =	ssyncset.done $0x0;
	v18 =	vand.u32 $0xFFFFFC00, v18  }
0x12a: {  	v22 =	vand.u32 $0x380, v22;
	v29 =	vnsel vm11, $0x18, v29;
	[sflag:s28] =	ssyncadd.s32 $0xFFFFA000;
	v39 =	vadd.s32 v18, v13  }
0x12b: {  	v13 =	vand.u32 $0x7F, v10;
	_ =	swait.ge [sflag:s28], $0x6000;
	v10 =	vor.u32 v22, v39;
	v22 =	vshrl.u32 v29, $0x3  }
0x12c: {  	v20 =	vld [tilespmem:$0x1FF50];
	v14 =	vor.u32 v13, v10;
	v10 =	vmul.u32 $0xC00, v22;
	v22 =	vshll.u32 v38, $0x3  }
0x12d: {  	v29 =	vshll.u32 v29, $0x7;
	[sflag:s28] =	ssyncset.done $0x0;
	v22 =	vand.u32 $0xFFFFFC00, v22;
	v39 =	vadd.s32 v17, v7  }
0x12e: {  	v29 =	vand.u32 $0x380, v29;
	[sflag:s28] =	ssyncadd.s32 $0xFFFFA000;
	v40 =	vadd.s32 v22, v10;
	v39 =	vnsel vm12, $0x18, v39  }
0x12f: {  	_ =	swait.ge [sflag:s28], $0x6000;
	v10 =	vand.u32 $0x7F, v38;
	v29 =	vor.u32 v29, v40;
	v40 =	vshrl.u32 v39, $0x3  }
0x130: {  	v24 =	vld [tilespmem:$0x1FFF0];
	v17 =	vor.u32 v10, v29;
	v29 =	vmul.u32 $0xC00, v40;
	v40 =	vshll.u32 v21, $0x3  }
0x131: {  	v39 =	vshll.u32 v39, $0x7;
	v38 =	vand.u32 $0xFFFFFC00, v40;
	v40 =	vadd.s32 v20, v7  }
0x132: {  	[sflag:s28] =	ssyncset.done $0x0;
	v39 =	vand.u32 $0x380, v39;
	v29 =	vadd.s32 v38, v29;
	v40 =	vnsel vm13, $0x18, v40  }
0x133: {  	[sflag:s28] =	ssyncadd.s32 $0xFFFFA000;
	v21 =	vand.u32 $0x7F, v21;
	v29 =	vor.u32 v39, v29;
	v39 =	vshrl.u32 v40, $0x3  }
0x134: {  	_ =	swait.ge [sflag:s28], $0x6000;
	v20 =	vor.u32 v21, v29;
	v29 =	vmul.u32 $0xC00, v39;
	v39 =	vshll.u32 v62, $0x3  }
0x135: {  	[sflag:s28] =	ssyncset.done $0x0;
	v40 =	vshll.u32 v40, $0x7;
	v24 =	vadd.s32 v24, v7;
	v39 =	vand.u32 $0xFFFFFC00, v39  }
0x136: {  	[sflag:s28] =	ssyncadd.s32 $0xFFFFA000;
	v40 =	vand.u32 $0x380, v40;
	v24 =	vnsel vm14, $0x18, v24;
	v29 =	vadd.s32 v39, v29  }
0x137: {  	[tilespmem:v0+s24+$0x0] =	vst.idx.msk vm4, v41;
	v0 =	vshll.u32 v24, $0x7;
	v29 =	vor.u32 v40, v29;
	v40 =	vshrl.u32 v24, $0x3;
	v24 =	vld [tilespmem:$0x1FF90]  }
0x138: {  	[tilespmem:v2+s24+$0x0] =	vst.idx.msk vm2, v42  }
0x139: {  	[tilespmem:v1+s24+$0x0] =	vst.idx.msk vm1, v43  }
0x13a: {  	v62 =	vand.u32 $0x7F, v62;
	[tilespmem:v4+s24+$0x0] =	vst.idx.msk vm3, v44;
	v4 =	vld [tilespmem:$0x1FFB0]  }
0x13b: {  	v25 =	vor.u32 v62, v29;
	v29 =	vmul.u32 $0xC00, v40;
	v40 =	vshll.u32 v15, $0x3  }
0x13c: {  	v40 =	vand.u32 $0xFFFFFC00, v40;
	v24 =	vadd.s32 v24, v7  }
0x13d: {  	v0 =	vand.u32 $0x380, v0;
	v2 =	vadd.s32 v40, v29;
	v24 =	vnsel vm15, $0x18, v24  }
0x13e: {  	v15 =	vand.u32 $0x7F, v15;
	v0 =	vor.u32 v0, v2;
	v1 =	vshrl.u32 v24, $0x3  }
0x13f: {  	v2 =	vshll.u32 v60, $0x3;
	v4 =	vadd.s32 v4, v7;
	v1 =	vmul.u32 $0xC00, v1  }
0x140: {  	[tilespmem:v3+s24+$0x0] =	vst.idx.msk vm5, v45;
	v29 =	vand.u32 $0xFFFFFC00, v2;
	v3 =	vnsel vm0, $0x18, v4;
	v2 =	vshll.u32 v24, $0x7  }
0x141: {  	[tilespmem:v5+s24+$0x0] =	vst.idx.msk vm6, v46;
	v4 =	vshrl.u32 v3, $0x3;
	v2 =	vand.u32 $0x380, v2;
	v1 =	vadd.s32 v29, v1  }
0x142: {  	[tilespmem:v6+s24+$0x0] =	vst.idx.msk vm7, v47;
	v1 =	vor.u32 v2, v1;
	v2 =	vmul.u32 $0xC00, v4;
	v4 =	vshll.u32 v19, $0x3  }
0x143: {  	[tilespmem:v8+s24+$0x0] =	vst.idx.msk vm10, v48;
	v5 =	vor.u32 v15, v0;
	v3 =	vshll.u32 v3, $0x7;
	v0 =	vand.u32 $0xFFFFFC00, v4  }
0x144: {  	[tilespmem:v9+s24+$0x0] =	vst.idx.msk vm8, v41;
	v60 =	vand.u32 $0x7F, v60;
	v3 =	vand.u32 $0x380, v3;
	v2 =	vadd.s32 v0, v2  }
0x145: {  	[tilespmem:v14+s24+$0x0] =	vst.idx.msk vm9, v42;
	v19 =	vand.u32 $0x7F, v19;
	v1 =	vor.u32 v60, v1;
	v2 =	vor.u32 v3, v2  }
0x146: {  	s5 =	sshrl.u32 s21, $0x3;
	[tilespmem:v17+s24+$0x0] =	vst.idx.msk vm11, v43;
	v2 =	vor.u32 v19, v2  }
0x147: {  	s5 =	smul.u32 $0xC00, s5;
	s2 =	sshrl.u32 s2, $0x3;
	[tilespmem:v20+s24+$0x0] =	vst.idx.msk vm12, v44  }
0x148: {  	s2 =	smul.u32 $0xC00, s2;
	[tilespmem:v25+s24+$0x0] =	vst.idx.msk vm13, v45  }
0x149: {  	s5 =	sadd.s32 s4, s5;
	[tilespmem:v5+s24+$0x0] =	vst.idx.msk vm14, v46  }
0x14a: {  	s5 =	sshrl.u32 s5, $0x3;
	s2 =	sadd.s32 s9, s2;
	s21 =	rddreg [dreg:$0x1];
	[tilespmem:v1+s24+$0x0] =	vst.idx.msk vm15, v47  }
0x14b: {  	s2 =	sshrl.u32 s2, $0x3;
	s5 =	sadd.s32 s21, s5;
	[tilespmem:v2+s24+$0x0] =	vst.idx.msk vm0, v48  }
0x14c: {  	[hbm4b:s5+s3] =	stream.linear.scatter [tilespmem:s24], [sflag:$0x4], $0x2400, $0x38;
	[tilespmem:$0x7080] =	vst v63  }
0x14d: {  	s2 =	sadd.s32 s21, s2;
	s21 =	simm.s32 $0x2880  }
0x14e: {  	[hbm4b:s2+s3] =	stream.linear.scatter [tilespmem:s21], [sflag:$0x4], $0x2400, $0x38;
	[tilespmem:$0x7080] =	vst v63  }
0x14f: {  	p0 =	sgt.s32 s29, $0x4;
	_ =	swait.ge [sflag:s30], $0x2400  }
.Ltmp3:
0x150: {  	[sflag:s30] =	ssyncset.done $0x0;
	(pc) =	sbr.rel @p0 .LBB2_5-.Ltmp3, $4  }
0x151: {  	[sflag:s30] =	ssyncadd.s32 $0xFFFFDC00  }
0x152: {  	_ =	swait.ge [sflag:s30], $0x2400  }
0x153: {  	[sflag:s30] =	ssyncset.done $0x0  }
0x154: {  	[sflag:s30] =	ssyncadd.s32 $0xFFFFDC00  }
0x155: {  	v2 =	vld [tilespmem:$0x1FEB0]  }
0x156: {  	v3 =	vld [tilespmem:$0x1FCC0];
	_ =	sdelay $0x2  }
0x157: {  	v8 =	vld [tilespmem:$0x1FCF0]  }
0x158: {  	v1 =	vmov s31;
	v4 =	vld [tilespmem:$0x1FED0]  }
0x159: {  	v5 =	vld [tilespmem:$0x1FCD0];
	v2 =	vadd.s32 v2, v1;
	vm0 =	vnez.u8 v3  }
0x15a: {  	v6 =	vld [tilespmem:$0x1FCE0];
	v2 =	vnsel vm0, $0x30, v2  }
0x15b: {  	v7 =	vld [tilespmem:$0x1FF30];
	v3 =	vshrl.u32 v2, $0x3  }
0x15c: {  	vm3 =	vnez.u8 v8;
	v8 =	vld [tilespmem:$0x1FD00];
	v3 =	vmul.u32 $0xC00, v3  }
0x15d: {  	v14 =	vld [tilespmem:$0x1FD10];
	v4 =	vadd.s32 v4, v1;
	v2 =	vshll.u32 v2, $0x7  }
0x15e: {  	vm1 =	vnez.u8 v5;
	v2 =	vand.u32 $0x380, v2;
	v3 =	vadd.s32 v3, v52  }
0x15f: {  	v4 =	vnsel vm1, $0x30, v4;
	v2 =	vor.u32 v2, v3;
	v3 =	vld [tilespmem:$0x1FF00]  }
0x160: {  	vm2 =	vnez.u8 v6;
	v5 =	vshrl.u32 v4, $0x3  }
0x161: {  	v7 =	vadd.s32 v7, v1;
	v5 =	vmul.u32 $0xC00, v5;
	vm4 =	vnez.u8 v8;
	v8 =	vld [tilespmem:$0x1FFE0]  }
0x162: {  	vm5 =	vnez.u8 v14;
	v7 =	vnsel vm3, $0x30, v7;
	v4 =	vshll.u32 v4, $0x7  }
0x163: {  	v4 =	vand.u32 $0x380, v4;
	v5 =	vadd.s32 v5, v55;
	v52 =	vshrl.u32 v7, $0x3  }
0x164: {  	v7 =	vshll.u32 v7, $0x7;
	v4 =	vor.u32 v4, v5;
	v3 =	vadd.s32 v3, v1  }
0x165: {  	v55 =	vld [tilespmem:$0x1FF60];
	v5 =	vmul.u32 $0xC00, v52;
	v7 =	vand.u32 $0x380, v7;
	v3 =	vnsel vm2, $0x30, v3  }
0x166: {  	v2 =	vor.u32 v50, v2;
	v8 =	vadd.s32 $0x4F, v8;
	v50 =	vshrl.u32 v3, $0x3  }
0x167: {  	v5 =	vadd.s32 v5, v56;
	v8 =	vadd.s32 v8, v1;
	v6 =	vmul.u32 $0xC00, v50  }
0x168: {  	v5 =	vor.u32 v7, v5;
	v8 =	vnsel vm5, $0x30, v8;
	v3 =	vshll.u32 v3, $0x7  }
0x169: {  	v56 =	vshrl.u32 v8, $0x3;
	v3 =	vand.u32 $0x380, v3;
	v6 =	vadd.s32 v6, v54  }
0x16a: {  	v7 =	vmul.u32 $0xC00, v56;
	v3 =	vor.u32 v3, v6;
	v6 =	vadd.s32 v55, v1  }
0x16b: {  	v6 =	vnsel vm4, $0x30, v6  }
0x16c: {  	v7 =	vadd.s32 v7, v11;
	v11 =	vld [tilespmem:$0x1FD20];
	v9 =	vshrl.u32 v6, $0x3  }
0x16d: {  	v9 =	vmul.u32 $0xC00, v9  }
0x16e: {  	v6 =	vshll.u32 v6, $0x7  }
0x16f: {  	v14 =	vld [tilespmem:$0x1FD30];
	v6 =	vand.u32 $0x380, v6;
	v9 =	vadd.s32 v9, v57  }
0x170: {  	v6 =	vor.u32 v6, v9;
	v9 =	vld [tilespmem:$0x1FFA0]  }
0x171: {  	vm6 =	vnez.u8 v11;
	v11 =	vld [tilespmem:$0x1FFC0];
	_ =	sdelay $0x2  }
0x172: {  	vm7 =	vnez.u8 v14;
	v4 =	vor.u32 v51, v4;
	v8 =	vshll.u32 v8, $0x7  }
0x173: {  	v5 =	vor.u32 v53, v5;
	v8 =	vand.u32 $0x380, v8;
	v9 =	vadd.s32 v9, v1  }
0x174: {  	v7 =	vor.u32 v8, v7;
	v1 =	vadd.s32 v11, v1;
	v9 =	vnsel vm6, $0x30, v9  }
0x175: {  	v3 =	vor.u32 v49, v3;
	v1 =	vnsel vm7, $0x30, v1;
	v11 =	vshrl.u32 v9, $0x3  }
0x176: {  	v7 =	vor.u32 v59, v7;
	v8 =	vmul.u32 $0xC00, v11;
	v11 =	vshrl.u32 v1, $0x3  }
0x177: {  	v6 =	vor.u32 v58, v6;
	v9 =	vshll.u32 v9, $0x7;
	v11 =	vmul.u32 $0xC00, v11  }
0x178: {  	v9 =	vand.u32 $0x380, v9;
	v1 =	vshll.u32 v1, $0x7;
	v8 =	vadd.s32 v8, v16  }
0x179: {  	[tilespmem:v2+s24+$0x0] =	vst.idx.msk vm0, v41;
	v1 =	vand.u32 $0x380, v1;
	v8 =	vor.u32 v9, v8;
	v9 =	vadd.s32 v11, v33  }
0x17a: {  	[tilespmem:v4+s24+$0x0] =	vst.idx.msk vm1, v42;
	v8 =	vor.u32 v61, v8;
	v1 =	vor.u32 v1, v9  }
0x17b: {  	[tilespmem:v3+s24+$0x0] =	vst.idx.msk vm2, v43;
	v1 =	vor.u32 v34, v1  }
0x17c: {  	[tilespmem:v5+s24+$0x0] =	vst.idx.msk vm3, v44  }
0x17d: {  	[tilespmem:v6+s24+$0x0] =	vst.idx.msk vm4, v45  }
0x17e: {  	[tilespmem:v7+s24+$0x0] =	vst.idx.msk vm5, v46  }
0x17f: {  	[tilespmem:v8+s24+$0x0] =	vst.idx.msk vm6, v47  }
0x180: {  	s2 =	rddreg [dreg:$0x4];
	s5 =	simm.s32 $0x4C80;
	[tilespmem:v1+s24+$0x0] =	vst.idx.msk vm7, v48  }
0x181: {  	[hbm4b:s2+s3] =	stream.linear.scatter [tilespmem:s5], [sflag:$0x5], $0x2400, $0x38;
	[tilespmem:$0x7080] =	vst v63  }
0x182: {  	_ =	swait.ge [sflag:s1], $0x2400  }
0x183: {  	[sflag:s1] =	ssyncset.done $0x0  }
0x184: {  	[sflag:s1] =	ssyncadd.s32 $0xFFFFDC00  }
0x185: {  	[tilespmem:v2+s24+$0x0] =	vst.idx.msk vm0, v23  }
0x186: {  	[tilespmem:v4+s24+$0x0] =	vst.idx.msk vm1, v23  }
0x187: {  	[tilespmem:v3+s24+$0x0] =	vst.idx.msk vm2, v23  }
0x188: {  	[tilespmem:v5+s24+$0x0] =	vst.idx.msk vm3, v23  }
0x189: {  	[tilespmem:v6+s24+$0x0] =	vst.idx.msk vm4, v23  }
0x18a: {  	[tilespmem:v7+s24+$0x0] =	vst.idx.msk vm5, v23  }
0x18b: {  	[tilespmem:v8+s24+$0x0] =	vst.idx.msk vm6, v23  }
0x18c: {  	[tilespmem:v1+s24+$0x0] =	vst.idx.msk vm7, v23  }
.LBB2_5:
0x18d: {  	p0 =	sgt.s32 s23, $0x4  }
.Ltmp4:
0x18e: {  	_ = 	snop;
	(pc) =	sbr.rel @p0 .LBB2_7-.Ltmp4, $1  }
0x18f: {  	_ =	sdelay $0x3  }
0x190: {  	v2 =	vld [tilespmem:$0x1FEB0]  }
0x191: {  	v3 =	vld [tilespmem:$0x1FD40]  }
0x192: {  	v4 =	vld [tilespmem:$0x1FED0]  }
0x193: {  	v5 =	vld [tilespmem:$0x1FD50]  }
0x194: {  	v6 =	vld [tilespmem:$0x1FD60]  }
0x195: {  	v7 =	vld [tilespmem:$0x1FF30]  }
0x196: {  	v8 =	vld [tilespmem:$0x1FD70]  }
0x197: {  	v53 =	vld [tilespmem:$0x1FD80]  }
0x198: {  	v54 =	vld [tilespmem:$0x1FFE0]  }
0x199: {  	v11 =	vld [tilespmem:$0x1FD90]  }
0x19a: {  	v57 =	vld [tilespmem:$0x1FDA0]  }
0x19b: {  	v1 =	vmov s20;
	v61 =	vld [tilespmem:$0x1FDD0]  }
0x19c: {  	v2 =	vadd.s32 v2, v1;
	vm0 =	vnez.u8 v3;
	v4 =	vadd.s32 v4, v1  }
0x19d: {  	vm1 =	vnez.u8 v5;
	vm2 =	vnez.u8 v6;
	v7 =	vadd.s32 v7, v1  }
0x19e: {  	v49 =	vld [tilespmem:$0x1FF00];
	vm3 =	vnez.u8 v8;
	vm4 =	vnez.u8 v53;
	v2 =	vnsel vm0, $0x30, v2  }
0x19f: {  	v8 =	vadd.s32 $0x4F, v54;
	vm5 =	vnez.u8 v11;
	v33 =	vshrl.u32 v2, $0x3  }
0x1a0: {  	vm6 =	vnez.u8 v57;
	vm7 =	vnez.u8 v61;
	v3 =	vmul.u32 $0xC00, v33  }
0x1a1: {  	v4 =	vnsel vm1, $0x30, v4;
	v7 =	vnsel vm3, $0x30, v7;
	v2 =	vshll.u32 v2, $0x7  }
0x1a2: {  	v8 =	vadd.s32 v8, v1;
	v2 =	vand.u32 $0x380, v2;
	v3 =	vadd.s32 v3, v63  }
0x1a3: {  	v34 =	vshrl.u32 v4, $0x3;
	v2 =	vor.u32 v2, v3;
	v3 =	vadd.s32 v49, v1  }
0x1a4: {  	v52 =	vld [tilespmem:$0x1FF60];
	v4 =	vshll.u32 v4, $0x7;
	v51 =	vshrl.u32 v7, $0x3;
	v3 =	vnsel vm2, $0x30, v3  }
0x1a5: {  	v7 =	vshll.u32 v7, $0x7;
	v8 =	vnsel vm5, $0x30, v8;
	v50 =	vshrl.u32 v3, $0x3  }
0x1a6: {  	v5 =	vmul.u32 $0xC00, v34;
	v4 =	vand.u32 $0x380, v4;
	v6 =	vmul.u32 $0xC00, v50  }
0x1a7: {  	v7 =	vand.u32 $0x380, v7;
	v55 =	vshrl.u32 v8, $0x3;
	v3 =	vshll.u32 v3, $0x7  }
0x1a8: {  	v8 =	vshll.u32 v8, $0x7;
	v3 =	vand.u32 $0x380, v3;
	v6 =	vadd.s32 v6, v22  }
0x1a9: {  	v5 =	vadd.s32 v5, v18;
	v3 =	vor.u32 v3, v6;
	v6 =	vadd.s32 v52, v1  }
0x1aa: {  	v56 =	vld [tilespmem:$0x1FFA0];
	v4 =	vor.u32 v4, v5;
	v5 =	vmul.u32 $0xC00, v51;
	v6 =	vnsel vm4, $0x30, v6  }
0x1ab: {  	v58 =	vld [tilespmem:$0x1FFC0];
	v8 =	vand.u32 $0x380, v8;
	v2 =	vor.u32 v12, v2;
	v9 =	vshrl.u32 v6, $0x3  }
0x1ac: {  	v4 =	vor.u32 v13, v4;
	v5 =	vadd.s32 v5, v38;
	v9 =	vmul.u32 $0xC00, v9  }
0x1ad: {  	v5 =	vor.u32 v7, v5;
	v7 =	vmul.u32 $0xC00, v55;
	v6 =	vshll.u32 v6, $0x7  }
0x1ae: {  	v5 =	vor.u32 v21, v5;
	v6 =	vand.u32 $0x380, v6;
	v9 =	vadd.s32 v9, v39  }
0x1af: {  	v7 =	vadd.s32 v7, v40;
	v6 =	vor.u32 v6, v9;
	v9 =	vadd.s32 v56, v1  }
0x1b0: {  	v7 =	vor.u32 v8, v7;
	v1 =	vadd.s32 v58, v1;
	v9 =	vnsel vm6, $0x30, v9  }
0x1b1: {  	v3 =	vor.u32 v10, v3;
	v1 =	vnsel vm7, $0x30, v1;
	v59 =	vshrl.u32 v9, $0x3  }
0x1b2: {  	v6 =	vor.u32 v62, v6;
	v63 =	vshrl.u32 v1, $0x3;
	v62 =	vmul.u32 $0xC00, v59  }
0x1b3: {  	v7 =	vor.u32 v15, v7;
	v9 =	vshll.u32 v9, $0x7;
	v10 =	vmul.u32 $0xC00, v63  }
0x1b4: {  	v1 =	vshll.u32 v1, $0x7;
	v9 =	vand.u32 $0x380, v9;
	v8 =	vadd.s32 v62, v29  }
0x1b5: {  	[tilespmem:v2+s24+$0x0] =	vst.idx.msk vm0, v41;
	v1 =	vand.u32 $0x380, v1;
	v0 =	vadd.s32 v10, v0;
	v8 =	vor.u32 v9, v8  }
0x1b6: {  	[tilespmem:v4+s24+$0x0] =	vst.idx.msk vm1, v42;
	v0 =	vor.u32 v1, v0;
	v8 =	vor.u32 v60, v8  }
0x1b7: {  	[tilespmem:v3+s24+$0x0] =	vst.idx.msk vm2, v43;
	v0 =	vor.u32 v19, v0  }
0x1b8: {  	[tilespmem:v5+s24+$0x0] =	vst.idx.msk vm3, v44  }
0x1b9: {  	[tilespmem:v6+s24+$0x0] =	vst.idx.msk vm4, v45  }
0x1ba: {  	[tilespmem:v7+s24+$0x0] =	vst.idx.msk vm5, v46  }
0x1bb: {  	[tilespmem:v8+s24+$0x0] =	vst.idx.msk vm6, v47  }
0x1bc: {  	s2 =	rddreg [dreg:$0x5];
	s5 =	simm.s32 $0x4C80;
	[tilespmem:v0+s24+$0x0] =	vst.idx.msk vm7, v48  }
0x1bd: {  	[hbm4b:s2+s3] =	stream.linear.scatter [tilespmem:s5], [sflag:$0x5], $0x2400, $0x38;
	[tilespmem:$0x7080] =	vst v63  }
0x1be: {  	_ =	swait.ge [sflag:s1], $0x2400  }
0x1bf: {  	[sflag:s1] =	ssyncset.done $0x0  }
0x1c0: {  	[sflag:s1] =	ssyncadd.s32 $0xFFFFDC00  }
0x1c1: {  	[tilespmem:v2+s24+$0x0] =	vst.idx.msk vm0, v23  }
0x1c2: {  	[tilespmem:v4+s24+$0x0] =	vst.idx.msk vm1, v23  }
0x1c3: {  	[tilespmem:v3+s24+$0x0] =	vst.idx.msk vm2, v23  }
.Ltmp5:
0x1c4: {  	[tilespmem:v5+s24+$0x0] =	vst.idx.msk vm3, v23;
	(pc) =	sbr.rel .LBB2_7-.Ltmp5, $4  }
0x1c5: {  	[tilespmem:v6+s24+$0x0] =	vst.idx.msk vm4, v23  }
0x1c6: {  	[tilespmem:v7+s24+$0x0] =	vst.idx.msk vm5, v23  }
0x1c7: {  	[tilespmem:v8+s24+$0x0] =	vst.idx.msk vm6, v23  }
0x1c8: {  	[tilespmem:v0+s24+$0x0] =	vst.idx.msk vm7, v23  }
.LBB2_8:
0x1c9: {  	_ =	sfence.sel $0x180000  }
0x1ca: {  	[bflag:$0x0] =	sbarrier.arrive $0xFFFF  }
0x1cb: {  	_ =	strace $0x90000047  }
0x1cc: {  	s0 =	stileid.u32;
	[bflag:$0x2] =	sbarrier.arrive $0xFFFF  }
0x1cd: {  	p0 =	sne.s32 s0, $0x0;
	s0 =	rddreg [dreg:$0x2]  }
0x1ce: {  	s0 =	sadd.s32 @!p0 $0x100000, s0  }
0x1cf: {  	[sflag:s0] =	ssyncadd.tile.s32 @!p0 $0x1;
	_ =	shalt  }
.Lfunc_end2:
_tile_overlayer_lowered:
.L_overlay_start_2:
0x1d0: {  	(tag) =	ssettag $0x2  }
0x1d1: {  	s0 =	rddreg [dreg:$0x0];
	s2 =	stileid.u32  }
0x1d2: {  	s1 =	rddreg [dreg:$0x1];
	p0 =	sne.s32 s2, $0x0  }
0x1d3: {  	s3 =	rddreg [dreg:$0x2];
	[bflag:$0x3] =	sbarrier.arrive $0xFFFF;
	s2 =	simm.s32 @!p0 $0x1C05  }
0x1d4: {  	[timem:s3], [sflag:s2] =	dma.local @!p0 [hbm:s0], s1  }
0x1d5: {  	s0 =	simm.s32 @!p0 $0x5  }
0x1d6: {  	_ =	swait.ge @!p0 [sflag:s0], s1  }
0x1d7: {  	s1 =	ssub.s32 @!p0 $0x0, s1;
	[sflag:s0] =	ssyncset.done @!p0 $0x0  }
0x1d8: {  	[sflag:s0] =	ssyncadd.s32 @!p0 s1  }
0x1d9: {  	[bflag:$0x3] =	sbarrier.arrive $0xFFFF  }
0x1da: {  	_ =	shalt  }

</sc_bundles>
